<compile_context>
chip_gen: v7x
topology: tpu7x:2x2x1
jax: 0.10.2.dev20260603
libtpu: 0.0.44.dev20260713+nightly
codegen_flags: <defaults>
</compile_context>

<pallas_src>
import functools

import jax
import jax.numpy as jnp
from jax import lax
from jax.experimental import pallas as pl
from jax.experimental.pallas import tpu as pltpu
from jax.experimental.pallas import tpu_sc as plsc

H = 2048
SEQ = 4096
BLK = 256
NBLK = SEQ // BLK
XS_ROWS = SEQ + 2 * BLK
ROWS_32 = SEQ // 32
CHUNK = 16

f32 = jnp.float32
bf16 = jnp.bfloat16
i32 = jnp.int32


def _routing_body(s_ref, pos_ref, meta_ref):
    s = s_ref[...]
    mc = (s > 0.8)
    mi = jnp.logical_and(s > 0.4, jnp.logical_not(mc))
    mf = jnp.logical_not(s > 0.4)

    lane = lax.broadcasted_iota(i32, (128, 128), 0)
    lane_t = lax.broadcasted_iota(i32, (128, 128), 1)
    triu_incl = (lane <= lane_t).astype(bf16)
    row = lax.broadcasted_iota(i32, (32, 32), 0)
    row_t = lax.broadcasted_iota(i32, (32, 32), 1)
    s_lower = (row_t < row).astype(bf16)

    def rank_and_count(m):
        mfp = m.astype(f32)
        cs = jnp.dot(mfp.astype(bf16), triu_incl, preferred_element_type=f32)
        rank_in_row = cs - mfp
        row_sums = jnp.sum(mfp, axis=1, keepdims=True)
        rs_b = jnp.broadcast_to(row_sums, (32, 128)).astype(bf16)
        row_off = jnp.dot(s_lower, rs_b, preferred_element_type=f32)
        n = jnp.sum(mfp).astype(i32)
        return rank_in_row + row_off, n

    rank_c, n_c = rank_and_count(mc)
    rank_i, n_i = rank_and_count(mi)
    rank_f, n_f = rank_and_count(mf)

    nb_c = (n_c + BLK - 1) // BLK
    nb_i = (n_i + BLK - 1) // BLK
    nb_f = (n_f + BLK - 1) // BLK
    base_i = nb_c
    base_f = nb_c + nb_i

    pos = jnp.where(
        mc, rank_c,
        jnp.where(mi, base_i.astype(f32) * BLK + rank_i,
                  base_f.astype(f32) * BLK + rank_f))
    pos_ref[...] = pos.astype(i32)

    ml = lax.broadcasted_iota(i32, (1, 128), 1)
    meta_ref[...] = (
        jnp.where(ml == 0, nb_c, 0) + jnp.where(ml == 1, nb_i, 0)
        + jnp.where(ml == 2, nb_f, 0) + jnp.where(ml == 4, base_i, 0)
        + jnp.where(ml == 5, base_f, 0))


def _routing_call(s):
    return pl.pallas_call(
        _routing_body,
        grid=(1,),
        in_specs=[pl.BlockSpec((32, 128), lambda i: (0, 0))],
        out_specs=[pl.BlockSpec((32, 128), lambda i: (0, 0)),
                   pl.BlockSpec((1, 128), lambda i: (0, 0))],
        out_shape=[jax.ShapeDtypeStruct((32, 128), i32),
                   jax.ShapeDtypeStruct((1, 128), i32)],
    )(s.reshape(32, 128))


@functools.cache
def _sc_mesh():
    return plsc.VectorSubcoreMesh(core_axis_name="c", subcore_axis_name="s")


def _wid():
    return lax.axis_index("s") * 2 + lax.axis_index("c")


def _sc_scatter_body(x_hbm, pos_hbm, xs_hbm,
                     idx0, idx1, r0, r1, sin0, sin1, sout0, sout1):
    base = _wid() * ROWS_32
    nch = ROWS_32 // CHUNK
    bufs = [(idx0, r0, sin0, sout0), (idx1, r1, sin1, sout1)]
    in_h = [None, None]
    out_h = [None, None]

    def start_in(c):
        idx_v, rows_v, s_in, _ = bufs[c % 2]
        r = base + c * CHUNK
        h1 = pltpu.make_async_copy(pos_hbm.at[pl.ds(r, CHUNK)], idx_v, s_in)
        h1.start()
        h2 = pltpu.make_async_copy(x_hbm.at[pl.ds(r, CHUNK)], rows_v, s_in)
        h2.start()
        in_h[c % 2] = (h1, h2)

    start_in(0)
    for c in range(nch):
        b = c % 2
        idx_v, rows_v, _, s_out = bufs[b]
        for h in in_h[b]:
            h.wait()
        oh = pltpu.make_async_copy(rows_v, xs_hbm.at[idx_v], s_out)
        oh.start()
        out_h[b] = oh
        if c + 1 < nch:
            if out_h[1 - b] is not None:
                out_h[1 - b].wait()
                out_h[1 - b] = None
            start_in(c + 1)
    for b in range(2):
        if out_h[b] is not None:
            out_h[b].wait()


def _sc_scatter(x, pos):
    fn = pl.kernel(
        _sc_scatter_body,
        out_type=jax.ShapeDtypeStruct((XS_ROWS, H), f32),
        mesh=_sc_mesh(),
        scratch_types=[pltpu.VMEM((CHUNK,), i32), pltpu.VMEM((CHUNK,), i32),
                       pltpu.VMEM((CHUNK, H), f32),
                       pltpu.VMEM((CHUNK, H), f32),
                       pltpu.SemaphoreType.DMA, pltpu.SemaphoreType.DMA,
                       pltpu.SemaphoreType.DMA, pltpu.SemaphoreType.DMA],
    )
    return fn(x, pos)


def _sc_gather_body(ys_hbm, pos_hbm, out_hbm,
                    idx_all, r0, r1, sidx, sin0, sin1, sout0, sout1):
    base = _wid() * ROWS_32
    nch = ROWS_32 // CHUNK
    hidx = pltpu.make_async_copy(pos_hbm.at[pl.ds(base, ROWS_32)], idx_all,
                                 sidx)
    hidx.start()
    hidx.wait()
    bufs = [(r0, sin0, sout0), (r1, sin1, sout1)]
    in_h = [None, None]
    out_h = [None, None]

    def start_in(c):
        rows_v, s_in, _ = bufs[c % 2]
        h = pltpu.make_async_copy(
            ys_hbm.at[idx_all.at[pl.ds(c * CHUNK, CHUNK)]], rows_v, s_in)
        h.start()
        in_h[c % 2] = h

    start_in(0)
    for c in range(nch):
        b = c % 2
        rows_v, _, s_out = bufs[b]
        in_h[b].wait()
        oh = pltpu.make_async_copy(
            rows_v, out_hbm.at[pl.ds(base + c * CHUNK, CHUNK)], s_out)
        oh.start()
        out_h[b] = oh
        if c + 1 < nch:
            if out_h[1 - b] is not None:
                out_h[1 - b].wait()
                out_h[1 - b] = None
            start_in(c + 1)
    for b in range(2):
        if out_h[b] is not None:
            out_h[b].wait()


def _sc_gather(ys, pos):
    fn = pl.kernel(
        _sc_gather_body,
        out_type=jax.ShapeDtypeStruct((SEQ, H), f32),
        mesh=_sc_mesh(),
        scratch_types=[pltpu.VMEM((ROWS_32,), i32),
                       pltpu.VMEM((CHUNK, H), f32),
                       pltpu.VMEM((CHUNK, H), f32),
                       pltpu.SemaphoreType.DMA,
                       pltpu.SemaphoreType.DMA, pltpu.SemaphoreType.DMA,
                       pltpu.SemaphoreType.DMA, pltpu.SemaphoreType.DMA],
    )
    return fn(ys, pos)


def _cast_body(wc, wi, wf, wdc, wdi, wdf, oc, oi, of_, odc, odi, odf):
    oc[...] = wc[...].astype(bf16)
    oi[...] = wi[...].astype(bf16)
    of_[...] = wf[...].astype(bf16)
    odc[...] = wdc[...].astype(bf16)
    odi[...] = wdi[...].astype(bf16)
    odf[...] = wdf[...].astype(bf16)


def _cast_call(wc, wi, wf, wdc, wdi, wdf):
    n = 16

    def spec(a):
        if a.shape[0] == H:
            return pl.BlockSpec((H // n, a.shape[1]), lambda i: (i, 0))
        return pl.BlockSpec((a.shape[0], H // n), lambda i: (0, i))

    args = (wc, wi, wf, wdc, wdi, wdf)
    return pl.pallas_call(
        _cast_body,
        grid=(n,),
        in_specs=[spec(a) for a in args],
        out_specs=[spec(a) for a in args],
        out_shape=[jax.ShapeDtypeStruct(a.shape, bf16) for a in args],
    )(*args)


def _branch_body(k, meta_ref, x_ref, w_ref, b1_ref, wd_ref, b2_ref,
                 g_ref, bt_ref, *rest):
    o_ref = rest[-1]
    i = pl.program_id(0)
    nb = meta_ref[k]

    @pl.when(i < nb)
    def _():
        x = x_ref[...].astype(bf16)
        z = jnp.dot(x, w_ref[...], preferred_element_type=f32) + b1_ref[...]
        y = jnp.dot(z.astype(bf16), wd_ref[...],
                    preferred_element_type=f32) + b2_ref[...]
        mean = jnp.mean(y, axis=-1, keepdims=True)
        yc = y - mean
        var = jnp.mean(yc * yc, axis=-1, keepdims=True)
        o_ref[...] = yc * lax.rsqrt(var + 1e-5) * g_ref[...] + bt_ref[...]


def _branch_call(k, meta, xs, w, b1, wd, b2, gamma, beta, ys_in):
    d = w.shape[1]

    def blk_map(i, m):
        return (m[3 + k] + jnp.maximum(jnp.minimum(i, m[k] - 1), 0), 0)

    const2 = lambda i, m: (0, 0)
    in_specs = [
        pl.BlockSpec((BLK, H), blk_map),
        pl.BlockSpec((H, d), const2),
        pl.BlockSpec((1, d), const2),
        pl.BlockSpec((d, H), const2),
        pl.BlockSpec((1, H), const2),
        pl.BlockSpec((1, H), const2),
        pl.BlockSpec((1, H), const2),
    ]
    args = [meta, xs, w, b1, wd, b2, gamma, beta]
    aliases = {}
    if ys_in is not None:
        in_specs.append(pl.BlockSpec(memory_space=pl.ANY))
        args.append(ys_in)
        aliases = {8: 0}
    grid_spec = pltpu.PrefetchScalarGridSpec(
        num_scalar_prefetch=1,
        grid=(NBLK,),
        in_specs=in_specs,
        out_specs=pl.BlockSpec((BLK, H), blk_map),
    )
    return pl.pallas_call(
        functools.partial(_branch_body, k),
        grid_spec=grid_spec,
        out_shape=jax.ShapeDtypeStruct((XS_ROWS, H), f32),
        input_output_aliases=aliases,
    )(*args)


def kernel(hidden_states, importance_scores, Wc, bc, Wi, bi, Wf, bf,
           Wdc, bdc, Wdi, bdi, Wdf, bdf, gamma, beta):
    pos2d, meta2d = _routing_call(importance_scores)
    pos = pos2d.reshape(SEQ)
    meta = meta2d.reshape(128)

    xs = _sc_scatter(hidden_states, pos)
    wcb, wib, wfb, wdcb, wdib, wdfb = _cast_call(Wc, Wi, Wf, Wdc, Wdi, Wdf)

    g2 = gamma.reshape(1, H)
    bt2 = beta.reshape(1, H)
    ys = _branch_call(0, meta, xs, wcb, bc.reshape(1, -1),
                      wdcb, bdc.reshape(1, H), g2, bt2, None)
    ys = _branch_call(1, meta, xs, wib, bi.reshape(1, -1),
                      wdib, bdi.reshape(1, H), g2, bt2, ys)
    ys = _branch_call(2, meta, xs, wfb, bf.reshape(1, -1),
                      wdfb, bdf.reshape(1, H), g2, bt2, ys)

    return _sc_gather(ys, pos)

# --- scband reference (transcript-rebuilt; emitter-appended) ---
"""Pipeline reference for scband-adaptive-compression-layer-63883343560888 (READ-ONLY COPY).

The authoritative reference and input builder live on the scoring server;
editing this copy changes nothing except your own understanding.
"""

import jax, jax.numpy as jnp
import numpy as np

H = 2048
D_CRIT = int(H * 0.9)   # 1843
D_IMP = int(H * 0.7)    # 1433
D_FIL = int(H * 0.1)    # 204
SEQ = 4096


def setup_inputs(seed: int = 0) -> dict:
    key = jax.random.key(seed)
    ks = jax.random.split(key, 16)
    s = 0.02
    hidden_states = jax.random.normal(ks[0], (SEQ, H), dtype=jnp.float32)
    importance_scores = jax.random.uniform(ks[1], (SEQ,), dtype=jnp.float32)
    Wc = jax.random.normal(ks[2], (H, D_CRIT), dtype=jnp.float32) * s
    bc = jnp.zeros((D_CRIT,), dtype=jnp.float32)
    Wi = jax.random.normal(ks[3], (H, D_IMP), dtype=jnp.float32) * s
    bi = jnp.zeros((D_IMP,), dtype=jnp.float32)
    Wf = jax.random.normal(ks[4], (H, D_FIL), dtype=jnp.float32) * s
    bf = jnp.zeros((D_FIL,), dtype=jnp.float32)
    Wdc = jax.random.normal(ks[5], (D_CRIT, H), dtype=jnp.float32) * s
    bdc = jnp.zeros((H,), dtype=jnp.float32)
    Wdi = jax.random.normal(ks[6], (D_IMP, H), dtype=jnp.float32) * s
    bdi = jnp.zeros((H,), dtype=jnp.float32)
    Wdf = jax.random.normal(ks[7], (D_FIL, H), dtype=jnp.float32) * s
    bdf = jnp.zeros((H,), dtype=jnp.float32)
    gamma = jnp.ones((H,), dtype=jnp.float32)
    beta = jnp.zeros((H,), dtype=jnp.float32)
    return {
        "hidden_states": hidden_states,
        "importance_scores": importance_scores,
        "Wc": Wc, "bc": bc, "Wi": Wi, "bi": bi, "Wf": Wf, "bf": bf,
        "Wdc": Wdc, "bdc": bdc, "Wdi": Wdi, "bdi": bdi, "Wdf": Wdf, "bdf": bdf,
        "gamma": gamma, "beta": beta,
    }


def reference(hidden_states, importance_scores, Wc, bc, Wi, bi, Wf, bf,
              Wdc, bdc, Wdi, bdi, Wdf, bdf, gamma, beta):
    # compress -> decompress round trip, routed per token by importance score
    crit = (hidden_states @ Wc + bc) @ Wdc + bdc
    imp = (hidden_states @ Wi + bi) @ Wdi + bdi
    fil = (hidden_states @ Wf + bf) @ Wdf + bdf
    s = importance_scores[:, None]
    decompressed = jnp.where(s > 0.8, crit, jnp.where(s > 0.4, imp, fil))
    # LayerNorm (eps=1e-5, matching nn.LayerNorm defaults)
    mean = jnp.mean(decompressed, axis=-1, keepdims=True)
    var = jnp.mean((decompressed - mean) ** 2, axis=-1, keepdims=True)
    normed = (decompressed - mean) / jnp.sqrt(var + 1e-5) * gamma + beta
    return normed

if __name__ == "__main__":
    import jax
    _d = setup_inputs()
    print(jax.jit(kernel)(*tuple(_d.values())))

</pallas_src>

<mosaic_0001>
#map = affine_map<(d0, d1) -> (0, 0)>
#map1 = affine_map<(d0, d1) -> (0)>
module attributes {stable_mosaic.version = 14 : i64} {
  func.func @_sc_gather_body(%arg0: i32, %arg1: i32, %arg2: memref<4608x2048xf32, #tpu.memory_space<hbm>>, %arg3: memref<4096xi32, #tpu.memory_space<hbm>>, %arg4: memref<4096x2048xf32, #tpu.memory_space<hbm>>, %arg5: memref<128xi32, #tpu.memory_space<vmem>>, %arg6: memref<16x2048xf32, #tpu.memory_space<vmem>>, %arg7: memref<16x2048xf32, #tpu.memory_space<vmem>>, %arg8: memref<!tpu.dma_semaphore, #tpu.memory_space<semaphore_mem>>, %arg9: memref<!tpu.dma_semaphore, #tpu.memory_space<semaphore_mem>>, %arg10: memref<!tpu.dma_semaphore, #tpu.memory_space<semaphore_mem>>, %arg11: memref<!tpu.dma_semaphore, #tpu.memory_space<semaphore_mem>>, %arg12: memref<!tpu.dma_semaphore, #tpu.memory_space<semaphore_mem>>) attributes {dimension_semantics = [#tpu.dimension_semantics<core_parallel>, #tpu.dimension_semantics<subcore_parallel>], iteration_bounds = array<i64: 2, 16>, scalar_prefetch = 0 : i64, scratch_operands = 8 : i64, tpu.core_type = #tpu.core_type<sc_vector_subcore>, window_params = [{transform_indices = #map}, {transform_indices = #map1}, {transform_indices = #map}]} {
    %mul3A = arith.constant 2 : i32
    %mul3A_0 = arith.muli %arg1, %mul3A : i32
    %add3A = arith.addi %mul3A_0, %arg0 : i32
    %mul3A_1 = arith.constant 128 : i32
    %mul3A_2 = arith.muli %add3A, %mul3A_1 : i32
    %dma_start3A = tpu.memref_slice %arg3[%mul3A_2] : memref<4096xi32, #tpu.memory_space<hbm>> -> memref<128xi32, #tpu.memory_space<hbm>>
    %dma_start3A_3 = tpu.memref_slice %arg3[%mul3A_2] : memref<4096xi32, #tpu.memory_space<hbm>> -> memref<128xi32, #tpu.memory_space<hbm>>
    tpu.enqueue_dma source(%dma_start3A_3 : memref<128xi32, #tpu.memory_space<hbm>>) target(%arg5 : memref<128xi32, #tpu.memory_space<vmem>>) target_semaphore(%arg8 : memref<!tpu.dma_semaphore, #tpu.memory_space<semaphore_mem>>)
    %dma_wait3A = tpu.memref_slice %arg3[%mul3A_2] : memref<4096xi32, #tpu.memory_space<hbm>> -> memref<128xi32, #tpu.memory_space<hbm>>
    %dma_wait3A_4 = tpu.memref_slice %arg3[%mul3A_2] : memref<4096xi32, #tpu.memory_space<hbm>> -> memref<128xi32, #tpu.memory_space<hbm>>
    tpu.wait_dma2 semaphore(%arg8 : memref<!tpu.dma_semaphore, #tpu.memory_space<semaphore_mem>>) src(%dma_wait3A_4 : memref<128xi32, #tpu.memory_space<hbm>>) dst(%arg5 : memref<128xi32, #tpu.memory_space<vmem>>)
    %dma_start3A_5 = arith.constant 0 : i32
    %dma_start3A_6 = tpu.memref_slice %arg5[%dma_start3A_5] : memref<128xi32, #tpu.memory_space<vmem>> -> memref<16xi32, #tpu.memory_space<vmem>>
    %dma_start3A_7 = arith.constant 0 : i32
    %dma_start3A_8 = arith.constant 0 : i32
    %dma_start3A_9 = tpu.memref_slice %arg2[%dma_start3A_7, %dma_start3A_8] : memref<4608x2048xf32, #tpu.memory_space<hbm>> -> memref<4608x2048xf32, #tpu.memory_space<hbm>>
    tpu.enqueue_indirect_dma source(%dma_start3A_9 : memref<4608x2048xf32, #tpu.memory_space<hbm>>) target(%arg6 : memref<16x2048xf32, #tpu.memory_space<vmem>>) offsets(%dma_start3A_6 : memref<16xi32, #tpu.memory_space<vmem>>) semaphore(%arg9 : memref<!tpu.dma_semaphore, #tpu.memory_space<semaphore_mem>>)
    %dma_wait3A_10 = arith.constant 0 : i32
    %dma_wait3A_11 = tpu.memref_slice %arg5[%dma_wait3A_10] : memref<128xi32, #tpu.memory_space<vmem>> -> memref<16xi32, #tpu.memory_space<vmem>>
    %dma_wait3A_12 = arith.constant 0 : i32
    %dma_wait3A_13 = arith.constant 0 : i32
    %dma_wait3A_14 = tpu.memref_slice %arg2[%dma_wait3A_12, %dma_wait3A_13] : memref<4608x2048xf32, #tpu.memory_space<hbm>> -> memref<4608x2048xf32, #tpu.memory_space<hbm>>
    tpu.wait_indirect_dma semaphore(%arg9 : memref<!tpu.dma_semaphore, #tpu.memory_space<semaphore_mem>>) src(%dma_wait3A_14 : memref<4608x2048xf32, #tpu.memory_space<hbm>>) dst(%arg6 : memref<16x2048xf32, #tpu.memory_space<vmem>>)
    %add3A_15 = arith.constant 0 : i32
    %add3A_16 = arith.addi %mul3A_2, %add3A_15 : i32
    %dma_start3A_17 = arith.constant 0 : i32
    %dma_start3A_18 = tpu.memref_slice %arg4[%add3A_16, %dma_start3A_17] : memref<4096x2048xf32, #tpu.memory_space<hbm>> -> memref<16x2048xf32, #tpu.memory_space<hbm>>
    %dma_start3A_19 = arith.constant 0 : i32
    %dma_start3A_20 = tpu.memref_slice %arg4[%add3A_16, %dma_start3A_19] : memref<4096x2048xf32, #tpu.memory_space<hbm>> -> memref<16x2048xf32, #tpu.memory_space<hbm>>
    tpu.enqueue_dma source(%arg6 : memref<16x2048xf32, #tpu.memory_space<vmem>>) target(%dma_start3A_20 : memref<16x2048xf32, #tpu.memory_space<hbm>>) target_semaphore(%arg11 : memref<!tpu.dma_semaphore, #tpu.memory_space<semaphore_mem>>)
    %dma_start3A_21 = arith.constant 16 : i32
    %dma_start3A_22 = tpu.memref_slice %arg5[%dma_start3A_21] : memref<128xi32, #tpu.memory_space<vmem>> -> memref<16xi32, #tpu.memory_space<vmem>>
    %dma_start3A_23 = arith.constant 0 : i32
    %dma_start3A_24 = arith.constant 0 : i32
    %dma_start3A_25 = tpu.memref_slice %arg2[%dma_start3A_23, %dma_start3A_24] : memref<4608x2048xf32, #tpu.memory_space<hbm>> -> memref<4608x2048xf32, #tpu.memory_space<hbm>>
    tpu.enqueue_indirect_dma source(%dma_start3A_25 : memref<4608x2048xf32, #tpu.memory_space<hbm>>) target(%arg7 : memref<16x2048xf32, #tpu.memory_space<vmem>>) offsets(%dma_start3A_22 : memref<16xi32, #tpu.memory_space<vmem>>) semaphore(%arg10 : memref<!tpu.dma_semaphore, #tpu.memory_space<semaphore_mem>>)
    %dma_wait3A_26 = arith.constant 16 : i32
    %dma_wait3A_27 = tpu.memref_slice %arg5[%dma_wait3A_26] : memref<128xi32, #tpu.memory_space<vmem>> -> memref<16xi32, #tpu.memory_space<vmem>>
    %dma_wait3A_28 = arith.constant 0 : i32
    %dma_wait3A_29 = arith.constant 0 : i32
    %dma_wait3A_30 = tpu.memref_slice %arg2[%dma_wait3A_28, %dma_wait3A_29] : memref<4608x2048xf32, #tpu.memory_space<hbm>> -> memref<4608x2048xf32, #tpu.memory_space<hbm>>
    tpu.wait_indirect_dma semaphore(%arg10 : memref<!tpu.dma_semaphore, #tpu.memory_space<semaphore_mem>>) src(%dma_wait3A_30 : memref<4608x2048xf32, #tpu.memory_space<hbm>>) dst(%arg7 : memref<16x2048xf32, #tpu.memory_space<vmem>>)
    %add3A_31 = arith.constant 16 : i32
    %add3A_32 = arith.addi %mul3A_2, %add3A_31 : i32
    %dma_start3A_33 = arith.constant 0 : i32
    %dma_start3A_34 = tpu.memref_slice %arg4[%add3A_32, %dma_start3A_33] : memref<4096x2048xf32, #tpu.memory_space<hbm>> -> memref<16x2048xf32, #tpu.memory_space<hbm>>
    %dma_start3A_35 = arith.constant 0 : i32
    %dma_start3A_36 = tpu.memref_slice %arg4[%add3A_32, %dma_start3A_35] : memref<4096x2048xf32, #tpu.memory_space<hbm>> -> memref<16x2048xf32, #tpu.memory_space<hbm>>
    tpu.enqueue_dma source(%arg7 : memref<16x2048xf32, #tpu.memory_space<vmem>>) target(%dma_start3A_36 : memref<16x2048xf32, #tpu.memory_space<hbm>>) target_semaphore(%arg12 : memref<!tpu.dma_semaphore, #tpu.memory_space<semaphore_mem>>)
    %dma_wait3A_37 = arith.constant 0 : i32
    %dma_wait3A_38 = tpu.memref_slice %arg4[%add3A_16, %dma_wait3A_37] : memref<4096x2048xf32, #tpu.memory_space<hbm>> -> memref<16x2048xf32, #tpu.memory_space<hbm>>
    %dma_wait3A_39 = arith.constant 0 : i32
    %dma_wait3A_40 = tpu.memref_slice %arg4[%add3A_16, %dma_wait3A_39] : memref<4096x2048xf32, #tpu.memory_space<hbm>> -> memref<16x2048xf32, #tpu.memory_space<hbm>>
    tpu.wait_dma2 semaphore(%arg11 : memref<!tpu.dma_semaphore, #tpu.memory_space<semaphore_mem>>) src(%arg6 : memref<16x2048xf32, #tpu.memory_space<vmem>>) dst(%dma_wait3A_40 : memref<16x2048xf32, #tpu.memory_space<hbm>>)
    %dma_start3A_41 = arith.constant 32 : i32
    %dma_start3A_42 = tpu.memref_slice %arg5[%dma_start3A_41] : memref<128xi32, #tpu.memory_space<vmem>> -> memref<16xi32, #tpu.memory_space<vmem>>
    %dma_start3A_43 = arith.constant 0 : i32
    %dma_start3A_44 = arith.constant 0 : i32
    %dma_start3A_45 = tpu.memref_slice %arg2[%dma_start3A_43, %dma_start3A_44] : memref<4608x2048xf32, #tpu.memory_space<hbm>> -> memref<4608x2048xf32, #tpu.memory_space<hbm>>
    tpu.enqueue_indirect_dma source(%dma_start3A_45 : memref<4608x2048xf32, #tpu.memory_space<hbm>>) target(%arg6 : memref<16x2048xf32, #tpu.memory_space<vmem>>) offsets(%dma_start3A_42 : memref<16xi32, #tpu.memory_space<vmem>>) semaphore(%arg9 : memref<!tpu.dma_semaphore, #tpu.memory_space<semaphore_mem>>)
    %dma_wait3A_46 = arith.constant 32 : i32
    %dma_wait3A_47 = tpu.memref_slice %arg5[%dma_wait3A_46] : memref<128xi32, #tpu.memory_space<vmem>> -> memref<16xi32, #tpu.memory_space<vmem>>
    %dma_wait3A_48 = arith.constant 0 : i32
    %dma_wait3A_49 = arith.constant 0 : i32
    %dma_wait3A_50 = tpu.memref_slice %arg2[%dma_wait3A_48, %dma_wait3A_49] : memref<4608x2048xf32, #tpu.memory_space<hbm>> -> memref<4608x2048xf32, #tpu.memory_space<hbm>>
    tpu.wait_indirect_dma semaphore(%arg9 : memref<!tpu.dma_semaphore, #tpu.memory_space<semaphore_mem>>) src(%dma_wait3A_50 : memref<4608x2048xf32, #tpu.memory_space<hbm>>) dst(%arg6 : memref<16x2048xf32, #tpu.memory_space<vmem>>)
    %add3A_51 = arith.constant 32 : i32
    %add3A_52 = arith.addi %mul3A_2, %add3A_51 : i32
    %dma_start3A_53 = arith.constant 0 : i32
    %dma_start3A_54 = tpu.memref_slice %arg4[%add3A_52, %dma_start3A_53] : memref<4096x2048xf32, #tpu.memory_space<hbm>> -> memref<16x2048xf32, #tpu.memory_space<hbm>>
    %dma_start3A_55 = arith.constant 0 : i32
    %dma_start3A_56 = tpu.memref_slice %arg4[%add3A_52, %dma_start3A_55] : memref<4096x2048xf32, #tpu.memory_space<hbm>> -> memref<16x2048xf32, #tpu.memory_space<hbm>>
    tpu.enqueue_dma source(%arg6 : memref<16x2048xf32, #tpu.memory_space<vmem>>) target(%dma_start3A_56 : memref<16x2048xf32, #tpu.memory_space<hbm>>) target_semaphore(%arg11 : memref<!tpu.dma_semaphore, #tpu.memory_space<semaphore_mem>>)
    %dma_wait3A_57 = arith.constant 0 : i32
    %dma_wait3A_58 = tpu.memref_slice %arg4[%add3A_32, %dma_wait3A_57] : memref<4096x2048xf32, #tpu.memory_space<hbm>> -> memref<16x2048xf32, #tpu.memory_space<hbm>>
    %dma_wait3A_59 = arith.constant 0 : i32
    %dma_wait3A_60 = tpu.memref_slice %arg4[%add3A_32, %dma_wait3A_59] : memref<4096x2048xf32, #tpu.memory_space<hbm>> -> memref<16x2048xf32, #tpu.memory_space<hbm>>
    tpu.wait_dma2 semaphore(%arg12 : memref<!tpu.dma_semaphore, #tpu.memory_space<semaphore_mem>>) src(%arg7 : memref<16x2048xf32, #tpu.memory_space<vmem>>) dst(%dma_wait3A_60 : memref<16x2048xf32, #tpu.memory_space<hbm>>)
    %dma_start3A_61 = arith.constant 48 : i32
    %dma_start3A_62 = tpu.memref_slice %arg5[%dma_start3A_61] : memref<128xi32, #tpu.memory_space<vmem>> -> memref<16xi32, #tpu.memory_space<vmem>>
    %dma_start3A_63 = arith.constant 0 : i32
    %dma_start3A_64 = arith.constant 0 : i32
    %dma_start3A_65 = tpu.memref_slice %arg2[%dma_start3A_63, %dma_start3A_64] : memref<4608x2048xf32, #tpu.memory_space<hbm>> -> memref<4608x2048xf32, #tpu.memory_space<hbm>>
    tpu.enqueue_indirect_dma source(%dma_start3A_65 : memref<4608x2048xf32, #tpu.memory_space<hbm>>) target(%arg7 : memref<16x2048xf32, #tpu.memory_space<vmem>>) offsets(%dma_start3A_62 : memref<16xi32, #tpu.memory_space<vmem>>) semaphore(%arg10 : memref<!tpu.dma_semaphore, #tpu.memory_space<semaphore_mem>>)
    %dma_wait3A_66 = arith.constant 48 : i32
    %dma_wait3A_67 = tpu.memref_slice %arg5[%dma_wait3A_66] : memref<128xi32, #tpu.memory_space<vmem>> -> memref<16xi32, #tpu.memory_space<vmem>>
    %dma_wait3A_68 = arith.constant 0 : i32
    %dma_wait3A_69 = arith.constant 0 : i32
    %dma_wait3A_70 = tpu.memref_slice %arg2[%dma_wait3A_68, %dma_wait3A_69] : memref<4608x2048xf32, #tpu.memory_space<hbm>> -> memref<4608x2048xf32, #tpu.memory_space<hbm>>
    tpu.wait_indirect_dma semaphore(%arg10 : memref<!tpu.dma_semaphore, #tpu.memory_space<semaphore_mem>>) src(%dma_wait3A_70 : memref<4608x2048xf32, #tpu.memory_space<hbm>>) dst(%arg7 : memref<16x2048xf32, #tpu.memory_space<vmem>>)
    %add3A_71 = arith.constant 48 : i32
    %add3A_72 = arith.addi %mul3A_2, %add3A_71 : i32
    %dma_start3A_73 = arith.constant 0 : i32
    %dma_start3A_74 = tpu.memref_slice %arg4[%add3A_72, %dma_start3A_73] : memref<4096x2048xf32, #tpu.memory_space<hbm>> -> memref<16x2048xf32, #tpu.memory_space<hbm>>
    %dma_start3A_75 = arith.constant 0 : i32
    %dma_start3A_76 = tpu.memref_slice %arg4[%add3A_72, %dma_start3A_75] : memref<4096x2048xf32, #tpu.memory_space<hbm>> -> memref<16x2048xf32, #tpu.memory_space<hbm>>
    tpu.enqueue_dma source(%arg7 : memref<16x2048xf32, #tpu.memory_space<vmem>>) target(%dma_start3A_76 : memref<16x2048xf32, #tpu.memory_space<hbm>>) target_semaphore(%arg12 : memref<!tpu.dma_semaphore, #tpu.memory_space<semaphore_mem>>)
    %dma_wait3A_77 = arith.constant 0 : i32
    %dma_wait3A_78 = tpu.memref_slice %arg4[%add3A_52, %dma_wait3A_77] : memref<4096x2048xf32, #tpu.memory_space<hbm>> -> memref<16x2048xf32, #tpu.memory_space<hbm>>
    %dma_wait3A_79 = arith.constant 0 : i32
    %dma_wait3A_80 = tpu.memref_slice %arg4[%add3A_52, %dma_wait3A_79] : memref<4096x2048xf32, #tpu.memory_space<hbm>> -> memref<16x2048xf32, #tpu.memory_space<hbm>>
    tpu.wait_dma2 semaphore(%arg11 : memref<!tpu.dma_semaphore, #tpu.memory_space<semaphore_mem>>) src(%arg6 : memref<16x2048xf32, #tpu.memory_space<vmem>>) dst(%dma_wait3A_80 : memref<16x2048xf32, #tpu.memory_space<hbm>>)
    %dma_start3A_81 = arith.constant 64 : i32
    %dma_start3A_82 = tpu.memref_slice %arg5[%dma_start3A_81] : memref<128xi32, #tpu.memory_space<vmem>> -> memref<16xi32, #tpu.memory_space<vmem>>
    %dma_start3A_83 = arith.constant 0 : i32
    %dma_start3A_84 = arith.constant 0 : i32
    %dma_start3A_85 = tpu.memref_slice %arg2[%dma_start3A_83, %dma_start3A_84] : memref<4608x2048xf32, #tpu.memory_space<hbm>> -> memref<4608x2048xf32, #tpu.memory_space<hbm>>
    tpu.enqueue_indirect_dma source(%dma_start3A_85 : memref<4608x2048xf32, #tpu.memory_space<hbm>>) target(%arg6 : memref<16x2048xf32, #tpu.memory_space<vmem>>) offsets(%dma_start3A_82 : memref<16xi32, #tpu.memory_space<vmem>>) semaphore(%arg9 : memref<!tpu.dma_semaphore, #tpu.memory_space<semaphore_mem>>)
    %dma_wait3A_86 = arith.constant 64 : i32
    %dma_wait3A_87 = tpu.memref_slice %arg5[%dma_wait3A_86] : memref<128xi32, #tpu.memory_space<vmem>> -> memref<16xi32, #tpu.memory_space<vmem>>
    %dma_wait3A_88 = arith.constant 0 : i32
    %dma_wait3A_89 = arith.constant 0 : i32
    %dma_wait3A_90 = tpu.memref_slice %arg2[%dma_wait3A_88, %dma_wait3A_89] : memref<4608x2048xf32, #tpu.memory_space<hbm>> -> memref<4608x2048xf32, #tpu.memory_space<hbm>>
    tpu.wait_indirect_dma semaphore(%arg9 : memref<!tpu.dma_semaphore, #tpu.memory_space<semaphore_mem>>) src(%dma_wait3A_90 : memref<4608x2048xf32, #tpu.memory_space<hbm>>) dst(%arg6 : memref<16x2048xf32, #tpu.memory_space<vmem>>)
    %add3A_91 = arith.constant 64 : i32
    %add3A_92 = arith.addi %mul3A_2, %add3A_91 : i32
    %dma_start3A_93 = arith.constant 0 : i32
    %dma_start3A_94 = tpu.memref_slice %arg4[%add3A_92, %dma_start3A_93] : memref<4096x2048xf32, #tpu.memory_space<hbm>> -> memref<16x2048xf32, #tpu.memory_space<hbm>>
    %dma_start3A_95 = arith.constant 0 : i32
    %dma_start3A_96 = tpu.memref_slice %arg4[%add3A_92, %dma_start3A_95] : memref<4096x2048xf32, #tpu.memory_space<hbm>> -> memref<16x2048xf32, #tpu.memory_space<hbm>>
    tpu.enqueue_dma source(%arg6 : memref<16x2048xf32, #tpu.memory_space<vmem>>) target(%dma_start3A_96 : memref<16x2048xf32, #tpu.memory_space<hbm>>) target_semaphore(%arg11 : memref<!tpu.dma_semaphore, #tpu.memory_space<semaphore_mem>>)
    %dma_wait3A_97 = arith.constant 0 : i32
    %dma_wait3A_98 = tpu.memref_slice %arg4[%add3A_72, %dma_wait3A_97] : memref<4096x2048xf32, #tpu.memory_space<hbm>> -> memref<16x2048xf32, #tpu.memory_space<hbm>>
    %dma_wait3A_99 = arith.constant 0 : i32
    %dma_wait3A_100 = tpu.memref_slice %arg4[%add3A_72, %dma_wait3A_99] : memref<4096x2048xf32, #tpu.memory_space<hbm>> -> memref<16x2048xf32, #tpu.memory_space<hbm>>
    tpu.wait_dma2 semaphore(%arg12 : memref<!tpu.dma_semaphore, #tpu.memory_space<semaphore_mem>>) src(%arg7 : memref<16x2048xf32, #tpu.memory_space<vmem>>) dst(%dma_wait3A_100 : memref<16x2048xf32, #tpu.memory_space<hbm>>)
    %dma_start3A_101 = arith.constant 80 : i32
    %dma_start3A_102 = tpu.memref_slice %arg5[%dma_start3A_101] : memref<128xi32, #tpu.memory_space<vmem>> -> memref<16xi32, #tpu.memory_space<vmem>>
    %dma_start3A_103 = arith.constant 0 : i32
    %dma_start3A_104 = arith.constant 0 : i32
    %dma_start3A_105 = tpu.memref_slice %arg2[%dma_start3A_103, %dma_start3A_104] : memref<4608x2048xf32, #tpu.memory_space<hbm>> -> memref<4608x2048xf32, #tpu.memory_space<hbm>>
    tpu.enqueue_indirect_dma source(%dma_start3A_105 : memref<4608x2048xf32, #tpu.memory_space<hbm>>) target(%arg7 : memref<16x2048xf32, #tpu.memory_space<vmem>>) offsets(%dma_start3A_102 : memref<16xi32, #tpu.memory_space<vmem>>) semaphore(%arg10 : memref<!tpu.dma_semaphore, #tpu.memory_space<semaphore_mem>>)
    %dma_wait3A_106 = arith.constant 80 : i32
    %dma_wait3A_107 = tpu.memref_slice %arg5[%dma_wait3A_106] : memref<128xi32, #tpu.memory_space<vmem>> -> memref<16xi32, #tpu.memory_space<vmem>>
    %dma_wait3A_108 = arith.constant 0 : i32
    %dma_wait3A_109 = arith.constant 0 : i32
    %dma_wait3A_110 = tpu.memref_slice %arg2[%dma_wait3A_108, %dma_wait3A_109] : memref<4608x2048xf32, #tpu.memory_space<hbm>> -> memref<4608x2048xf32, #tpu.memory_space<hbm>>
    tpu.wait_indirect_dma semaphore(%arg10 : memref<!tpu.dma_semaphore, #tpu.memory_space<semaphore_mem>>) src(%dma_wait3A_110 : memref<4608x2048xf32, #tpu.memory_space<hbm>>) dst(%arg7 : memref<16x2048xf32, #tpu.memory_space<vmem>>)
    %add3A_111 = arith.constant 80 : i32
    %add3A_112 = arith.addi %mul3A_2, %add3A_111 : i32
    %dma_start3A_113 = arith.constant 0 : i32
    %dma_start3A_114 = tpu.memref_slice %arg4[%add3A_112, %dma_start3A_113] : memref<4096x2048xf32, #tpu.memory_space<hbm>> -> memref<16x2048xf32, #tpu.memory_space<hbm>>
    %dma_start3A_115 = arith.constant 0 : i32
    %dma_start3A_116 = tpu.memref_slice %arg4[%add3A_112, %dma_start3A_115] : memref<4096x2048xf32, #tpu.memory_space<hbm>> -> memref<16x2048xf32, #tpu.memory_space<hbm>>
    tpu.enqueue_dma source(%arg7 : memref<16x2048xf32, #tpu.memory_space<vmem>>) target(%dma_start3A_116 : memref<16x2048xf32, #tpu.memory_space<hbm>>) target_semaphore(%arg12 : memref<!tpu.dma_semaphore, #tpu.memory_space<semaphore_mem>>)
    %dma_wait3A_117 = arith.constant 0 : i32
    %dma_wait3A_118 = tpu.memref_slice %arg4[%add3A_92, %dma_wait3A_117] : memref<4096x2048xf32, #tpu.memory_space<hbm>> -> memref<16x2048xf32, #tpu.memory_space<hbm>>
    %dma_wait3A_119 = arith.constant 0 : i32
    %dma_wait3A_120 = tpu.memref_slice %arg4[%add3A_92, %dma_wait3A_119] : memref<4096x2048xf32, #tpu.memory_space<hbm>> -> memref<16x2048xf32, #tpu.memory_space<hbm>>
    tpu.wait_dma2 semaphore(%arg11 : memref<!tpu.dma_semaphore, #tpu.memory_space<semaphore_mem>>) src(%arg6 : memref<16x2048xf32, #tpu.memory_space<vmem>>) dst(%dma_wait3A_120 : memref<16x2048xf32, #tpu.memory_space<hbm>>)
    %dma_start3A_121 = arith.constant 96 : i32
    %dma_start3A_122 = tpu.memref_slice %arg5[%dma_start3A_121] : memref<128xi32, #tpu.memory_space<vmem>> -> memref<16xi32, #tpu.memory_space<vmem>>
    %dma_start3A_123 = arith.constant 0 : i32
    %dma_start3A_124 = arith.constant 0 : i32
    %dma_start3A_125 = tpu.memref_slice %arg2[%dma_start3A_123, %dma_start3A_124] : memref<4608x2048xf32, #tpu.memory_space<hbm>> -> memref<4608x2048xf32, #tpu.memory_space<hbm>>
    tpu.enqueue_indirect_dma source(%dma_start3A_125 : memref<4608x2048xf32, #tpu.memory_space<hbm>>) target(%arg6 : memref<16x2048xf32, #tpu.memory_space<vmem>>) offsets(%dma_start3A_122 : memref<16xi32, #tpu.memory_space<vmem>>) semaphore(%arg9 : memref<!tpu.dma_semaphore, #tpu.memory_space<semaphore_mem>>)
    %dma_wait3A_126 = arith.constant 96 : i32
    %dma_wait3A_127 = tpu.memref_slice %arg5[%dma_wait3A_126] : memref<128xi32, #tpu.memory_space<vmem>> -> memref<16xi32, #tpu.memory_space<vmem>>
    %dma_wait3A_128 = arith.constant 0 : i32
    %dma_wait3A_129 = arith.constant 0 : i32
    %dma_wait3A_130 = tpu.memref_slice %arg2[%dma_wait3A_128, %dma_wait3A_129] : memref<4608x2048xf32, #tpu.memory_space<hbm>> -> memref<4608x2048xf32, #tpu.memory_space<hbm>>
    tpu.wait_indirect_dma semaphore(%arg9 : memref<!tpu.dma_semaphore, #tpu.memory_space<semaphore_mem>>) src(%dma_wait3A_130 : memref<4608x2048xf32, #tpu.memory_space<hbm>>) dst(%arg6 : memref<16x2048xf32, #tpu.memory_space<vmem>>)
    %add3A_131 = arith.constant 96 : i32
    %add3A_132 = arith.addi %mul3A_2, %add3A_131 : i32
    %dma_start3A_133 = arith.constant 0 : i32
    %dma_start3A_134 = tpu.memref_slice %arg4[%add3A_132, %dma_start3A_133] : memref<4096x2048xf32, #tpu.memory_space<hbm>> -> memref<16x2048xf32, #tpu.memory_space<hbm>>
    %dma_start3A_135 = arith.constant 0 : i32
    %dma_start3A_136 = tpu.memref_slice %arg4[%add3A_132, %dma_start3A_135] : memref<4096x2048xf32, #tpu.memory_space<hbm>> -> memref<16x2048xf32, #tpu.memory_space<hbm>>
    tpu.enqueue_dma source(%arg6 : memref<16x2048xf32, #tpu.memory_space<vmem>>) target(%dma_start3A_136 : memref<16x2048xf32, #tpu.memory_space<hbm>>) target_semaphore(%arg11 : memref<!tpu.dma_semaphore, #tpu.memory_space<semaphore_mem>>)
    %dma_wait3A_137 = arith.constant 0 : i32
    %dma_wait3A_138 = tpu.memref_slice %arg4[%add3A_112, %dma_wait3A_137] : memref<4096x2048xf32, #tpu.memory_space<hbm>> -> memref<16x2048xf32, #tpu.memory_space<hbm>>
    %dma_wait3A_139 = arith.constant 0 : i32
    %dma_wait3A_140 = tpu.memref_slice %arg4[%add3A_112, %dma_wait3A_139] : memref<4096x2048xf32, #tpu.memory_space<hbm>> -> memref<16x2048xf32, #tpu.memory_space<hbm>>
    tpu.wait_dma2 semaphore(%arg12 : memref<!tpu.dma_semaphore, #tpu.memory_space<semaphore_mem>>) src(%arg7 : memref<16x2048xf32, #tpu.memory_space<vmem>>) dst(%dma_wait3A_140 : memref<16x2048xf32, #tpu.memory_space<hbm>>)
    %dma_start3A_141 = arith.constant 112 : i32
    %dma_start3A_142 = tpu.memref_slice %arg5[%dma_start3A_141] : memref<128xi32, #tpu.memory_space<vmem>> -> memref<16xi32, #tpu.memory_space<vmem>>
    %dma_start3A_143 = arith.constant 0 : i32
    %dma_start3A_144 = arith.constant 0 : i32
    %dma_start3A_145 = tpu.memref_slice %arg2[%dma_start3A_143, %dma_start3A_144] : memref<4608x2048xf32, #tpu.memory_space<hbm>> -> memref<4608x2048xf32, #tpu.memory_space<hbm>>
    tpu.enqueue_indirect_dma source(%dma_start3A_145 : memref<4608x2048xf32, #tpu.memory_space<hbm>>) target(%arg7 : memref<16x2048xf32, #tpu.memory_space<vmem>>) offsets(%dma_start3A_142 : memref<16xi32, #tpu.memory_space<vmem>>) semaphore(%arg10 : memref<!tpu.dma_semaphore, #tpu.memory_space<semaphore_mem>>)
    %dma_wait3A_146 = arith.constant 112 : i32
    %dma_wait3A_147 = tpu.memref_slice %arg5[%dma_wait3A_146] : memref<128xi32, #tpu.memory_space<vmem>> -> memref<16xi32, #tpu.memory_space<vmem>>
    %dma_wait3A_148 = arith.constant 0 : i32
    %dma_wait3A_149 = arith.constant 0 : i32
    %dma_wait3A_150 = tpu.memref_slice %arg2[%dma_wait3A_148, %dma_wait3A_149] : memref<4608x2048xf32, #tpu.memory_space<hbm>> -> memref<4608x2048xf32, #tpu.memory_space<hbm>>
    tpu.wait_indirect_dma semaphore(%arg10 : memref<!tpu.dma_semaphore, #tpu.memory_space<semaphore_mem>>) src(%dma_wait3A_150 : memref<4608x2048xf32, #tpu.memory_space<hbm>>) dst(%arg7 : memref<16x2048xf32, #tpu.memory_space<vmem>>)
    %add3A_151 = arith.constant 112 : i32
    %add3A_152 = arith.addi %mul3A_2, %add3A_151 : i32
    %dma_start3A_153 = arith.constant 0 : i32
    %dma_start3A_154 = tpu.memref_slice %arg4[%add3A_152, %dma_start3A_153] : memref<4096x2048xf32, #tpu.memory_space<hbm>> -> memref<16x2048xf32, #tpu.memory_space<hbm>>
    %dma_start3A_155 = arith.constant 0 : i32
    %dma_start3A_156 = tpu.memref_slice %arg4[%add3A_152, %dma_start3A_155] : memref<4096x2048xf32, #tpu.memory_space<hbm>> -> memref<16x2048xf32, #tpu.memory_space<hbm>>
    tpu.enqueue_dma source(%arg7 : memref<16x2048xf32, #tpu.memory_space<vmem>>) target(%dma_start3A_156 : memref<16x2048xf32, #tpu.memory_space<hbm>>) target_semaphore(%arg12 : memref<!tpu.dma_semaphore, #tpu.memory_space<semaphore_mem>>)
    %dma_wait3A_157 = arith.constant 0 : i32
    %dma_wait3A_158 = tpu.memref_slice %arg4[%add3A_132, %dma_wait3A_157] : memref<4096x2048xf32, #tpu.memory_space<hbm>> -> memref<16x2048xf32, #tpu.memory_space<hbm>>
    %dma_wait3A_159 = arith.constant 0 : i32
    %dma_wait3A_160 = tpu.memref_slice %arg4[%add3A_132, %dma_wait3A_159] : memref<4096x2048xf32, #tpu.memory_space<hbm>> -> memref<16x2048xf32, #tpu.memory_space<hbm>>
    tpu.wait_dma2 semaphore(%arg11 : memref<!tpu.dma_semaphore, #tpu.memory_space<semaphore_mem>>) src(%arg6 : memref<16x2048xf32, #tpu.memory_space<vmem>>) dst(%dma_wait3A_160 : memref<16x2048xf32, #tpu.memory_space<hbm>>)
    %dma_wait3A_161 = arith.constant 0 : i32
    %dma_wait3A_162 = tpu.memref_slice %arg4[%add3A_152, %dma_wait3A_161] : memref<4096x2048xf32, #tpu.memory_space<hbm>> -> memref<16x2048xf32, #tpu.memory_space<hbm>>
    %dma_wait3A_163 = arith.constant 0 : i32
    %dma_wait3A_164 = tpu.memref_slice %arg4[%add3A_152, %dma_wait3A_163] : memref<4096x2048xf32, #tpu.memory_space<hbm>> -> memref<16x2048xf32, #tpu.memory_space<hbm>>
    tpu.wait_dma2 semaphore(%arg12 : memref<!tpu.dma_semaphore, #tpu.memory_space<semaphore_mem>>) src(%arg7 : memref<16x2048xf32, #tpu.memory_space<vmem>>) dst(%dma_wait3A_164 : memref<16x2048xf32, #tpu.memory_space<hbm>>)
    return
  }
}

#map = affine_map<(d0, d1) -> (0, 0)>
#map1 = affine_map<(d0, d1) -> (0)>
module attributes {stable_mosaic.version = 14 : i64} {
  func.func @_sc_scatter_body(%arg0: i32, %arg1: i32, %arg2: memref<4096x2048xf32, #tpu.memory_space<hbm>>, %arg3: memref<4096xi32, #tpu.memory_space<hbm>>, %arg4: memref<4608x2048xf32, #tpu.memory_space<hbm>>, %arg5: memref<16xi32, #tpu.memory_space<vmem>>, %arg6: memref<16xi32, #tpu.memory_space<vmem>>, %arg7: memref<16x2048xf32, #tpu.memory_space<vmem>>, %arg8: memref<16x2048xf32, #tpu.memory_space<vmem>>, %arg9: memref<!tpu.dma_semaphore, #tpu.memory_space<semaphore_mem>>, %arg10: memref<!tpu.dma_semaphore, #tpu.memory_space<semaphore_mem>>, %arg11: memref<!tpu.dma_semaphore, #tpu.memory_space<semaphore_mem>>, %arg12: memref<!tpu.dma_semaphore, #tpu.memory_space<semaphore_mem>>) attributes {dimension_semantics = [#tpu.dimension_semantics<core_parallel>, #tpu.dimension_semantics<subcore_parallel>], iteration_bounds = array<i64: 2, 16>, scalar_prefetch = 0 : i64, scratch_operands = 8 : i64, tpu.core_type = #tpu.core_type<sc_vector_subcore>, window_params = [{transform_indices = #map}, {transform_indices = #map1}, {transform_indices = #map}]} {
    %mul3A = arith.constant 2 : i32
    %mul3A_0 = arith.muli %arg1, %mul3A : i32
    %add3A = arith.addi %mul3A_0, %arg0 : i32
    %mul3A_1 = arith.constant 128 : i32
    %mul3A_2 = arith.muli %add3A, %mul3A_1 : i32
    %add3A_3 = arith.constant 0 : i32
    %add3A_4 = arith.addi %mul3A_2, %add3A_3 : i32
    %dma_start3A = tpu.memref_slice %arg3[%add3A_4] : memref<4096xi32, #tpu.memory_space<hbm>> -> memref<16xi32, #tpu.memory_space<hbm>>
    %dma_start3A_5 = tpu.memref_slice %arg3[%add3A_4] : memref<4096xi32, #tpu.memory_space<hbm>> -> memref<16xi32, #tpu.memory_space<hbm>>
    tpu.enqueue_dma source(%dma_start3A_5 : memref<16xi32, #tpu.memory_space<hbm>>) target(%arg5 : memref<16xi32, #tpu.memory_space<vmem>>) target_semaphore(%arg9 : memref<!tpu.dma_semaphore, #tpu.memory_space<semaphore_mem>>)
    %dma_start3A_6 = arith.constant 0 : i32
    %dma_start3A_7 = tpu.memref_slice %arg2[%add3A_4, %dma_start3A_6] : memref<4096x2048xf32, #tpu.memory_space<hbm>> -> memref<16x2048xf32, #tpu.memory_space<hbm>>
    %dma_start3A_8 = arith.constant 0 : i32
    %dma_start3A_9 = tpu.memref_slice %arg2[%add3A_4, %dma_start3A_8] : memref<4096x2048xf32, #tpu.memory_space<hbm>> -> memref<16x2048xf32, #tpu.memory_space<hbm>>
    tpu.enqueue_dma source(%dma_start3A_9 : memref<16x2048xf32, #tpu.memory_space<hbm>>) target(%arg7 : memref<16x2048xf32, #tpu.memory_space<vmem>>) target_semaphore(%arg9 : memref<!tpu.dma_semaphore, #tpu.memory_space<semaphore_mem>>)
    %dma_wait3A = tpu.memref_slice %arg3[%add3A_4] : memref<4096xi32, #tpu.memory_space<hbm>> -> memref<16xi32, #tpu.memory_space<hbm>>
    %dma_wait3A_10 = tpu.memref_slice %arg3[%add3A_4] : memref<4096xi32, #tpu.memory_space<hbm>> -> memref<16xi32, #tpu.memory_space<hbm>>
    tpu.wait_dma2 semaphore(%arg9 : memref<!tpu.dma_semaphore, #tpu.memory_space<semaphore_mem>>) src(%dma_wait3A_10 : memref<16xi32, #tpu.memory_space<hbm>>) dst(%arg5 : memref<16xi32, #tpu.memory_space<vmem>>)
    %dma_wait3A_11 = arith.constant 0 : i32
    %dma_wait3A_12 = tpu.memref_slice %arg2[%add3A_4, %dma_wait3A_11] : memref<4096x2048xf32, #tpu.memory_space<hbm>> -> memref<16x2048xf32, #tpu.memory_space<hbm>>
    %dma_wait3A_13 = arith.constant 0 : i32
    %dma_wait3A_14 = tpu.memref_slice %arg2[%add3A_4, %dma_wait3A_13] : memref<4096x2048xf32, #tpu.memory_space<hbm>> -> memref<16x2048xf32, #tpu.memory_space<hbm>>
    tpu.wait_dma2 semaphore(%arg9 : memref<!tpu.dma_semaphore, #tpu.memory_space<semaphore_mem>>) src(%dma_wait3A_14 : memref<16x2048xf32, #tpu.memory_space<hbm>>) dst(%arg7 : memref<16x2048xf32, #tpu.memory_space<vmem>>)
    %dma_start3A_15 = arith.constant 0 : i32
    %dma_start3A_16 = arith.constant 0 : i32
    %dma_start3A_17 = tpu.memref_slice %arg4[%dma_start3A_15, %dma_start3A_16] : memref<4608x2048xf32, #tpu.memory_space<hbm>> -> memref<4608x2048xf32, #tpu.memory_space<hbm>>
    tpu.enqueue_indirect_dma source(%arg7 : memref<16x2048xf32, #tpu.memory_space<vmem>>) target(%dma_start3A_17 : memref<4608x2048xf32, #tpu.memory_space<hbm>>) offsets(%arg5 : memref<16xi32, #tpu.memory_space<vmem>>) semaphore(%arg11 : memref<!tpu.dma_semaphore, #tpu.memory_space<semaphore_mem>>)
    %add3A_18 = arith.constant 16 : i32
    %add3A_19 = arith.addi %mul3A_2, %add3A_18 : i32
    %dma_start3A_20 = tpu.memref_slice %arg3[%add3A_19] : memref<4096xi32, #tpu.memory_space<hbm>> -> memref<16xi32, #tpu.memory_space<hbm>>
    %dma_start3A_21 = tpu.memref_slice %arg3[%add3A_19] : memref<4096xi32, #tpu.memory_space<hbm>> -> memref<16xi32, #tpu.memory_space<hbm>>
    tpu.enqueue_dma source(%dma_start3A_21 : memref<16xi32, #tpu.memory_space<hbm>>) target(%arg6 : memref<16xi32, #tpu.memory_space<vmem>>) target_semaphore(%arg10 : memref<!tpu.dma_semaphore, #tpu.memory_space<semaphore_mem>>)
    %dma_start3A_22 = arith.constant 0 : i32
    %dma_start3A_23 = tpu.memref_slice %arg2[%add3A_19, %dma_start3A_22] : memref<4096x2048xf32, #tpu.memory_space<hbm>> -> memref<16x2048xf32, #tpu.memory_space<hbm>>
    %dma_start3A_24 = arith.constant 0 : i32
    %dma_start3A_25 = tpu.memref_slice %arg2[%add3A_19, %dma_start3A_24] : memref<4096x2048xf32, #tpu.memory_space<hbm>> -> memref<16x2048xf32, #tpu.memory_space<hbm>>
    tpu.enqueue_dma source(%dma_start3A_25 : memref<16x2048xf32, #tpu.memory_space<hbm>>) target(%arg8 : memref<16x2048xf32, #tpu.memory_space<vmem>>) target_semaphore(%arg10 : memref<!tpu.dma_semaphore, #tpu.memory_space<semaphore_mem>>)
    %dma_wait3A_26 = tpu.memref_slice %arg3[%add3A_19] : memref<4096xi32, #tpu.memory_space<hbm>> -> memref<16xi32, #tpu.memory_space<hbm>>
    %dma_wait3A_27 = tpu.memref_slice %arg3[%add3A_19] : memref<4096xi32, #tpu.memory_space<hbm>> -> memref<16xi32, #tpu.memory_space<hbm>>
    tpu.wait_dma2 semaphore(%arg10 : memref<!tpu.dma_semaphore, #tpu.memory_space<semaphore_mem>>) src(%dma_wait3A_27 : memref<16xi32, #tpu.memory_space<hbm>>) dst(%arg6 : memref<16xi32, #tpu.memory_space<vmem>>)
    %dma_wait3A_28 = arith.constant 0 : i32
    %dma_wait3A_29 = tpu.memref_slice %arg2[%add3A_19, %dma_wait3A_28] : memref<4096x2048xf32, #tpu.memory_space<hbm>> -> memref<16x2048xf32, #tpu.memory_space<hbm>>
    %dma_wait3A_30 = arith.constant 0 : i32
    %dma_wait3A_31 = tpu.memref_slice %arg2[%add3A_19, %dma_wait3A_30] : memref<4096x2048xf32, #tpu.memory_space<hbm>> -> memref<16x2048xf32, #tpu.memory_space<hbm>>
    tpu.wait_dma2 semaphore(%arg10 : memref<!tpu.dma_semaphore, #tpu.memory_space<semaphore_mem>>) src(%dma_wait3A_31 : memref<16x2048xf32, #tpu.memory_space<hbm>>) dst(%arg8 : memref<16x2048xf32, #tpu.memory_space<vmem>>)
    %dma_start3A_32 = arith.constant 0 : i32
    %dma_start3A_33 = arith.constant 0 : i32
    %dma_start3A_34 = tpu.memref_slice %arg4[%dma_start3A_32, %dma_start3A_33] : memref<4608x2048xf32, #tpu.memory_space<hbm>> -> memref<4608x2048xf32, #tpu.memory_space<hbm>>
    tpu.enqueue_indirect_dma source(%arg8 : memref<16x2048xf32, #tpu.memory_space<vmem>>) target(%dma_start3A_34 : memref<4608x2048xf32, #tpu.memory_space<hbm>>) offsets(%arg6 : memref<16xi32, #tpu.memory_space<vmem>>) semaphore(%arg12 : memref<!tpu.dma_semaphore, #tpu.memory_space<semaphore_mem>>)
    %dma_wait3A_35 = arith.constant 0 : i32
    %dma_wait3A_36 = arith.constant 0 : i32
    %dma_wait3A_37 = tpu.memref_slice %arg4[%dma_wait3A_35, %dma_wait3A_36] : memref<4608x2048xf32, #tpu.memory_space<hbm>> -> memref<4608x2048xf32, #tpu.memory_space<hbm>>
    tpu.wait_indirect_dma semaphore(%arg11 : memref<!tpu.dma_semaphore, #tpu.memory_space<semaphore_mem>>) src(%arg7 : memref<16x2048xf32, #tpu.memory_space<vmem>>) dst(%dma_wait3A_37 : memref<4608x2048xf32, #tpu.memory_space<hbm>>)
    %add3A_38 = arith.constant 32 : i32
    %add3A_39 = arith.addi %mul3A_2, %add3A_38 : i32
    %dma_start3A_40 = tpu.memref_slice %arg3[%add3A_39] : memref<4096xi32, #tpu.memory_space<hbm>> -> memref<16xi32, #tpu.memory_space<hbm>>
    %dma_start3A_41 = tpu.memref_slice %arg3[%add3A_39] : memref<4096xi32, #tpu.memory_space<hbm>> -> memref<16xi32, #tpu.memory_space<hbm>>
    tpu.enqueue_dma source(%dma_start3A_41 : memref<16xi32, #tpu.memory_space<hbm>>) target(%arg5 : memref<16xi32, #tpu.memory_space<vmem>>) target_semaphore(%arg9 : memref<!tpu.dma_semaphore, #tpu.memory_space<semaphore_mem>>)
    %dma_start3A_42 = arith.constant 0 : i32
    %dma_start3A_43 = tpu.memref_slice %arg2[%add3A_39, %dma_start3A_42] : memref<4096x2048xf32, #tpu.memory_space<hbm>> -> memref<16x2048xf32, #tpu.memory_space<hbm>>
    %dma_start3A_44 = arith.constant 0 : i32
    %dma_start3A_45 = tpu.memref_slice %arg2[%add3A_39, %dma_start3A_44] : memref<4096x2048xf32, #tpu.memory_space<hbm>> -> memref<16x2048xf32, #tpu.memory_space<hbm>>
    tpu.enqueue_dma source(%dma_start3A_45 : memref<16x2048xf32, #tpu.memory_space<hbm>>) target(%arg7 : memref<16x2048xf32, #tpu.memory_space<vmem>>) target_semaphore(%arg9 : memref<!tpu.dma_semaphore, #tpu.memory_space<semaphore_mem>>)
    %dma_wait3A_46 = tpu.memref_slice %arg3[%add3A_39] : memref<4096xi32, #tpu.memory_space<hbm>> -> memref<16xi32, #tpu.memory_space<hbm>>
    %dma_wait3A_47 = tpu.memref_slice %arg3[%add3A_39] : memref<4096xi32, #tpu.memory_space<hbm>> -> memref<16xi32, #tpu.memory_space<hbm>>
    tpu.wait_dma2 semaphore(%arg9 : memref<!tpu.dma_semaphore, #tpu.memory_space<semaphore_mem>>) src(%dma_wait3A_47 : memref<16xi32, #tpu.memory_space<hbm>>) dst(%arg5 : memref<16xi32, #tpu.memory_space<vmem>>)
    %dma_wait3A_48 = arith.constant 0 : i32
    %dma_wait3A_49 = tpu.memref_slice %arg2[%add3A_39, %dma_wait3A_48] : memref<4096x2048xf32, #tpu.memory_space<hbm>> -> memref<16x2048xf32, #tpu.memory_space<hbm>>
    %dma_wait3A_50 = arith.constant 0 : i32
    %dma_wait3A_51 = tpu.memref_slice %arg2[%add3A_39, %dma_wait3A_50] : memref<4096x2048xf32, #tpu.memory_space<hbm>> -> memref<16x2048xf32, #tpu.memory_space<hbm>>
    tpu.wait_dma2 semaphore(%arg9 : memref<!tpu.dma_semaphore, #tpu.memory_space<semaphore_mem>>) src(%dma_wait3A_51 : memref<16x2048xf32, #tpu.memory_space<hbm>>) dst(%arg7 : memref<16x2048xf32, #tpu.memory_space<vmem>>)
    %dma_start3A_52 = arith.constant 0 : i32
    %dma_start3A_53 = arith.constant 0 : i32
    %dma_start3A_54 = tpu.memref_slice %arg4[%dma_start3A_52, %dma_start3A_53] : memref<4608x2048xf32, #tpu.memory_space<hbm>> -> memref<4608x2048xf32, #tpu.memory_space<hbm>>
    tpu.enqueue_indirect_dma source(%arg7 : memref<16x2048xf32, #tpu.memory_space<vmem>>) target(%dma_start3A_54 : memref<4608x2048xf32, #tpu.memory_space<hbm>>) offsets(%arg5 : memref<16xi32, #tpu.memory_space<vmem>>) semaphore(%arg11 : memref<!tpu.dma_semaphore, #tpu.memory_space<semaphore_mem>>)
    %dma_wait3A_55 = arith.constant 0 : i32
    %dma_wait3A_56 = arith.constant 0 : i32
    %dma_wait3A_57 = tpu.memref_slice %arg4[%dma_wait3A_55, %dma_wait3A_56] : memref<4608x2048xf32, #tpu.memory_space<hbm>> -> memref<4608x2048xf32, #tpu.memory_space<hbm>>
    tpu.wait_indirect_dma semaphore(%arg12 : memref<!tpu.dma_semaphore, #tpu.memory_space<semaphore_mem>>) src(%arg8 : memref<16x2048xf32, #tpu.memory_space<vmem>>) dst(%dma_wait3A_57 : memref<4608x2048xf32, #tpu.memory_space<hbm>>)
    %add3A_58 = arith.constant 48 : i32
    %add3A_59 = arith.addi %mul3A_2, %add3A_58 : i32
    %dma_start3A_60 = tpu.memref_slice %arg3[%add3A_59] : memref<4096xi32, #tpu.memory_space<hbm>> -> memref<16xi32, #tpu.memory_space<hbm>>
    %dma_start3A_61 = tpu.memref_slice %arg3[%add3A_59] : memref<4096xi32, #tpu.memory_space<hbm>> -> memref<16xi32, #tpu.memory_space<hbm>>
    tpu.enqueue_dma source(%dma_start3A_61 : memref<16xi32, #tpu.memory_space<hbm>>) target(%arg6 : memref<16xi32, #tpu.memory_space<vmem>>) target_semaphore(%arg10 : memref<!tpu.dma_semaphore, #tpu.memory_space<semaphore_mem>>)
    %dma_start3A_62 = arith.constant 0 : i32
    %dma_start3A_63 = tpu.memref_slice %arg2[%add3A_59, %dma_start3A_62] : memref<4096x2048xf32, #tpu.memory_space<hbm>> -> memref<16x2048xf32, #tpu.memory_space<hbm>>
    %dma_start3A_64 = arith.constant 0 : i32
    %dma_start3A_65 = tpu.memref_slice %arg2[%add3A_59, %dma_start3A_64] : memref<4096x2048xf32, #tpu.memory_space<hbm>> -> memref<16x2048xf32, #tpu.memory_space<hbm>>
    tpu.enqueue_dma source(%dma_start3A_65 : memref<16x2048xf32, #tpu.memory_space<hbm>>) target(%arg8 : memref<16x2048xf32, #tpu.memory_space<vmem>>) target_semaphore(%arg10 : memref<!tpu.dma_semaphore, #tpu.memory_space<semaphore_mem>>)
    %dma_wait3A_66 = tpu.memref_slice %arg3[%add3A_59] : memref<4096xi32, #tpu.memory_space<hbm>> -> memref<16xi32, #tpu.memory_space<hbm>>
    %dma_wait3A_67 = tpu.memref_slice %arg3[%add3A_59] : memref<4096xi32, #tpu.memory_space<hbm>> -> memref<16xi32, #tpu.memory_space<hbm>>
    tpu.wait_dma2 semaphore(%arg10 : memref<!tpu.dma_semaphore, #tpu.memory_space<semaphore_mem>>) src(%dma_wait3A_67 : memref<16xi32, #tpu.memory_space<hbm>>) dst(%arg6 : memref<16xi32, #tpu.memory_space<vmem>>)
    %dma_wait3A_68 = arith.constant 0 : i32
    %dma_wait3A_69 = tpu.memref_slice %arg2[%add3A_59, %dma_wait3A_68] : memref<4096x2048xf32, #tpu.memory_space<hbm>> -> memref<16x2048xf32, #tpu.memory_space<hbm>>
    %dma_wait3A_70 = arith.constant 0 : i32
    %dma_wait3A_71 = tpu.memref_slice %arg2[%add3A_59, %dma_wait3A_70] : memref<4096x2048xf32, #tpu.memory_space<hbm>> -> memref<16x2048xf32, #tpu.memory_space<hbm>>
    tpu.wait_dma2 semaphore(%arg10 : memref<!tpu.dma_semaphore, #tpu.memory_space<semaphore_mem>>) src(%dma_wait3A_71 : memref<16x2048xf32, #tpu.memory_space<hbm>>) dst(%arg8 : memref<16x2048xf32, #tpu.memory_space<vmem>>)
    %dma_start3A_72 = arith.constant 0 : i32
    %dma_start3A_73 = arith.constant 0 : i32
    %dma_start3A_74 = tpu.memref_slice %arg4[%dma_start3A_72, %dma_start3A_73] : memref<4608x2048xf32, #tpu.memory_space<hbm>> -> memref<4608x2048xf32, #tpu.memory_space<hbm>>
    tpu.enqueue_indirect_dma source(%arg8 : memref<16x2048xf32, #tpu.memory_space<vmem>>) target(%dma_start3A_74 : memref<4608x2048xf32, #tpu.memory_space<hbm>>) offsets(%arg6 : memref<16xi32, #tpu.memory_space<vmem>>) semaphore(%arg12 : memref<!tpu.dma_semaphore, #tpu.memory_space<semaphore_mem>>)
    %dma_wait3A_75 = arith.constant 0 : i32
    %dma_wait3A_76 = arith.constant 0 : i32
    %dma_wait3A_77 = tpu.memref_slice %arg4[%dma_wait3A_75, %dma_wait3A_76] : memref<4608x2048xf32, #tpu.memory_space<hbm>> -> memref<4608x2048xf32, #tpu.memory_space<hbm>>
    tpu.wait_indirect_dma semaphore(%arg11 : memref<!tpu.dma_semaphore, #tpu.memory_space<semaphore_mem>>) src(%arg7 : memref<16x2048xf32, #tpu.memory_space<vmem>>) dst(%dma_wait3A_77 : memref<4608x2048xf32, #tpu.memory_space<hbm>>)
    %add3A_78 = arith.constant 64 : i32
    %add3A_79 = arith.addi %mul3A_2, %add3A_78 : i32
    %dma_start3A_80 = tpu.memref_slice %arg3[%add3A_79] : memref<4096xi32, #tpu.memory_space<hbm>> -> memref<16xi32, #tpu.memory_space<hbm>>
    %dma_start3A_81 = tpu.memref_slice %arg3[%add3A_79] : memref<4096xi32, #tpu.memory_space<hbm>> -> memref<16xi32, #tpu.memory_space<hbm>>
    tpu.enqueue_dma source(%dma_start3A_81 : memref<16xi32, #tpu.memory_space<hbm>>) target(%arg5 : memref<16xi32, #tpu.memory_space<vmem>>) target_semaphore(%arg9 : memref<!tpu.dma_semaphore, #tpu.memory_space<semaphore_mem>>)
    %dma_start3A_82 = arith.constant 0 : i32
    %dma_start3A_83 = tpu.memref_slice %arg2[%add3A_79, %dma_start3A_82] : memref<4096x2048xf32, #tpu.memory_space<hbm>> -> memref<16x2048xf32, #tpu.memory_space<hbm>>
    %dma_start3A_84 = arith.constant 0 : i32
    %dma_start3A_85 = tpu.memref_slice %arg2[%add3A_79, %dma_start3A_84] : memref<4096x2048xf32, #tpu.memory_space<hbm>> -> memref<16x2048xf32, #tpu.memory_space<hbm>>
    tpu.enqueue_dma source(%dma_start3A_85 : memref<16x2048xf32, #tpu.memory_space<hbm>>) target(%arg7 : memref<16x2048xf32, #tpu.memory_space<vmem>>) target_semaphore(%arg9 : memref<!tpu.dma_semaphore, #tpu.memory_space<semaphore_mem>>)
    %dma_wait3A_86 = tpu.memref_slice %arg3[%add3A_79] : memref<4096xi32, #tpu.memory_space<hbm>> -> memref<16xi32, #tpu.memory_space<hbm>>
    %dma_wait3A_87 = tpu.memref_slice %arg3[%add3A_79] : memref<4096xi32, #tpu.memory_space<hbm>> -> memref<16xi32, #tpu.memory_space<hbm>>
    tpu.wait_dma2 semaphore(%arg9 : memref<!tpu.dma_semaphore, #tpu.memory_space<semaphore_mem>>) src(%dma_wait3A_87 : memref<16xi32, #tpu.memory_space<hbm>>) dst(%arg5 : memref<16xi32, #tpu.memory_space<vmem>>)
    %dma_wait3A_88 = arith.constant 0 : i32
    %dma_wait3A_89 = tpu.memref_slice %arg2[%add3A_79, %dma_wait3A_88] : memref<4096x2048xf32, #tpu.memory_space<hbm>> -> memref<16x2048xf32, #tpu.memory_space<hbm>>
    %dma_wait3A_90 = arith.constant 0 : i32
    %dma_wait3A_91 = tpu.memref_slice %arg2[%add3A_79, %dma_wait3A_90] : memref<4096x2048xf32, #tpu.memory_space<hbm>> -> memref<16x2048xf32, #tpu.memory_space<hbm>>
    tpu.wait_dma2 semaphore(%arg9 : memref<!tpu.dma_semaphore, #tpu.memory_space<semaphore_mem>>) src(%dma_wait3A_91 : memref<16x2048xf32, #tpu.memory_space<hbm>>) dst(%arg7 : memref<16x2048xf32, #tpu.memory_space<vmem>>)
    %dma_start3A_92 = arith.constant 0 : i32
    %dma_start3A_93 = arith.constant 0 : i32
    %dma_start3A_94 = tpu.memref_slice %arg4[%dma_start3A_92, %dma_start3A_93] : memref<4608x2048xf32, #tpu.memory_space<hbm>> -> memref<4608x2048xf32, #tpu.memory_space<hbm>>
    tpu.enqueue_indirect_dma source(%arg7 : memref<16x2048xf32, #tpu.memory_space<vmem>>) target(%dma_start3A_94 : memref<4608x2048xf32, #tpu.memory_space<hbm>>) offsets(%arg5 : memref<16xi32, #tpu.memory_space<vmem>>) semaphore(%arg11 : memref<!tpu.dma_semaphore, #tpu.memory_space<semaphore_mem>>)
    %dma_wait3A_95 = arith.constant 0 : i32
    %dma_wait3A_96 = arith.constant 0 : i32
    %dma_wait3A_97 = tpu.memref_slice %arg4[%dma_wait3A_95, %dma_wait3A_96] : memref<4608x2048xf32, #tpu.memory_space<hbm>> -> memref<4608x2048xf32, #tpu.memory_space<hbm>>
    tpu.wait_indirect_dma semaphore(%arg12 : memref<!tpu.dma_semaphore, #tpu.memory_space<semaphore_mem>>) src(%arg8 : memref<16x2048xf32, #tpu.memory_space<vmem>>) dst(%dma_wait3A_97 : memref<4608x2048xf32, #tpu.memory_space<hbm>>)
    %add3A_98 = arith.constant 80 : i32
    %add3A_99 = arith.addi %mul3A_2, %add3A_98 : i32
    %dma_start3A_100 = tpu.memref_slice %arg3[%add3A_99] : memref<4096xi32, #tpu.memory_space<hbm>> -> memref<16xi32, #tpu.memory_space<hbm>>
    %dma_start3A_101 = tpu.memref_slice %arg3[%add3A_99] : memref<4096xi32, #tpu.memory_space<hbm>> -> memref<16xi32, #tpu.memory_space<hbm>>
    tpu.enqueue_dma source(%dma_start3A_101 : memref<16xi32, #tpu.memory_space<hbm>>) target(%arg6 : memref<16xi32, #tpu.memory_space<vmem>>) target_semaphore(%arg10 : memref<!tpu.dma_semaphore, #tpu.memory_space<semaphore_mem>>)
    %dma_start3A_102 = arith.constant 0 : i32
    %dma_start3A_103 = tpu.memref_slice %arg2[%add3A_99, %dma_start3A_102] : memref<4096x2048xf32, #tpu.memory_space<hbm>> -> memref<16x2048xf32, #tpu.memory_space<hbm>>
    %dma_start3A_104 = arith.constant 0 : i32
    %dma_start3A_105 = tpu.memref_slice %arg2[%add3A_99, %dma_start3A_104] : memref<4096x2048xf32, #tpu.memory_space<hbm>> -> memref<16x2048xf32, #tpu.memory_space<hbm>>
    tpu.enqueue_dma source(%dma_start3A_105 : memref<16x2048xf32, #tpu.memory_space<hbm>>) target(%arg8 : memref<16x2048xf32, #tpu.memory_space<vmem>>) target_semaphore(%arg10 : memref<!tpu.dma_semaphore, #tpu.memory_space<semaphore_mem>>)
    %dma_wait3A_106 = tpu.memref_slice %arg3[%add3A_99] : memref<4096xi32, #tpu.memory_space<hbm>> -> memref<16xi32, #tpu.memory_space<hbm>>
    %dma_wait3A_107 = tpu.memref_slice %arg3[%add3A_99] : memref<4096xi32, #tpu.memory_space<hbm>> -> memref<16xi32, #tpu.memory_space<hbm>>
    tpu.wait_dma2 semaphore(%arg10 : memref<!tpu.dma_semaphore, #tpu.memory_space<semaphore_mem>>) src(%dma_wait3A_107 : memref<16xi32, #tpu.memory_space<hbm>>) dst(%arg6 : memref<16xi32, #tpu.memory_space<vmem>>)
    %dma_wait3A_108 = arith.constant 0 : i32
    %dma_wait3A_109 = tpu.memref_slice %arg2[%add3A_99, %dma_wait3A_108] : memref<4096x2048xf32, #tpu.memory_space<hbm>> -> memref<16x2048xf32, #tpu.memory_space<hbm>>
    %dma_wait3A_110 = arith.constant 0 : i32
    %dma_wait3A_111 = tpu.memref_slice %arg2[%add3A_99, %dma_wait3A_110] : memref<4096x2048xf32, #tpu.memory_space<hbm>> -> memref<16x2048xf32, #tpu.memory_space<hbm>>
    tpu.wait_dma2 semaphore(%arg10 : memref<!tpu.dma_semaphore, #tpu.memory_space<semaphore_mem>>) src(%dma_wait3A_111 : memref<16x2048xf32, #tpu.memory_space<hbm>>) dst(%arg8 : memref<16x2048xf32, #tpu.memory_space<vmem>>)
    %dma_start3A_112 = arith.constant 0 : i32
    %dma_start3A_113 = arith.constant 0 : i32
    %dma_start3A_114 = tpu.memref_slice %arg4[%dma_start3A_112, %dma_start3A_113] : memref<4608x2048xf32, #tpu.memory_space<hbm>> -> memref<4608x2048xf32, #tpu.memory_space<hbm>>
    tpu.enqueue_indirect_dma source(%arg8 : memref<16x2048xf32, #tpu.memory_space<vmem>>) target(%dma_start3A_114 : memref<4608x2048xf32, #tpu.memory_space<hbm>>) offsets(%arg6 : memref<16xi32, #tpu.memory_space<vmem>>) semaphore(%arg12 : memref<!tpu.dma_semaphore, #tpu.memory_space<semaphore_mem>>)
    %dma_wait3A_115 = arith.constant 0 : i32
    %dma_wait3A_116 = arith.constant 0 : i32
    %dma_wait3A_117 = tpu.memref_slice %arg4[%dma_wait3A_115, %dma_wait3A_116] : memref<4608x2048xf32, #tpu.memory_space<hbm>> -> memref<4608x2048xf32, #tpu.memory_space<hbm>>
    tpu.wait_indirect_dma semaphore(%arg11 : memref<!tpu.dma_semaphore, #tpu.memory_space<semaphore_mem>>) src(%arg7 : memref<16x2048xf32, #tpu.memory_space<vmem>>) dst(%dma_wait3A_117 : memref<4608x2048xf32, #tpu.memory_space<hbm>>)
    %add3A_118 = arith.constant 96 : i32
    %add3A_119 = arith.addi %mul3A_2, %add3A_118 : i32
    %dma_start3A_120 = tpu.memref_slice %arg3[%add3A_119] : memref<4096xi32, #tpu.memory_space<hbm>> -> memref<16xi32, #tpu.memory_space<hbm>>
    %dma_start3A_121 = tpu.memref_slice %arg3[%add3A_119] : memref<4096xi32, #tpu.memory_space<hbm>> -> memref<16xi32, #tpu.memory_space<hbm>>
    tpu.enqueue_dma source(%dma_start3A_121 : memref<16xi32, #tpu.memory_space<hbm>>) target(%arg5 : memref<16xi32, #tpu.memory_space<vmem>>) target_semaphore(%arg9 : memref<!tpu.dma_semaphore, #tpu.memory_space<semaphore_mem>>)
    %dma_start3A_122 = arith.constant 0 : i32
    %dma_start3A_123 = tpu.memref_slice %arg2[%add3A_119, %dma_start3A_122] : memref<4096x2048xf32, #tpu.memory_space<hbm>> -> memref<16x2048xf32, #tpu.memory_space<hbm>>
    %dma_start3A_124 = arith.constant 0 : i32
    %dma_start3A_125 = tpu.memref_slice %arg2[%add3A_119, %dma_start3A_124] : memref<4096x2048xf32, #tpu.memory_space<hbm>> -> memref<16x2048xf32, #tpu.memory_space<hbm>>
    tpu.enqueue_dma source(%dma_start3A_125 : memref<16x2048xf32, #tpu.memory_space<hbm>>) target(%arg7 : memref<16x2048xf32, #tpu.memory_space<vmem>>) target_semaphore(%arg9 : memref<!tpu.dma_semaphore, #tpu.memory_space<semaphore_mem>>)
    %dma_wait3A_126 = tpu.memref_slice %arg3[%add3A_119] : memref<4096xi32, #tpu.memory_space<hbm>> -> memref<16xi32, #tpu.memory_space<hbm>>
    %dma_wait3A_127 = tpu.memref_slice %arg3[%add3A_119] : memref<4096xi32, #tpu.memory_space<hbm>> -> memref<16xi32, #tpu.memory_space<hbm>>
    tpu.wait_dma2 semaphore(%arg9 : memref<!tpu.dma_semaphore, #tpu.memory_space<semaphore_mem>>) src(%dma_wait3A_127 : memref<16xi32, #tpu.memory_space<hbm>>) dst(%arg5 : memref<16xi32, #tpu.memory_space<vmem>>)
    %dma_wait3A_128 = arith.constant 0 : i32
    %dma_wait3A_129 = tpu.memref_slice %arg2[%add3A_119, %dma_wait3A_128] : memref<4096x2048xf32, #tpu.memory_space<hbm>> -> memref<16x2048xf32, #tpu.memory_space<hbm>>
    %dma_wait3A_130 = arith.constant 0 : i32
    %dma_wait3A_131 = tpu.memref_slice %arg2[%add3A_119, %dma_wait3A_130] : memref<4096x2048xf32, #tpu.memory_space<hbm>> -> memref<16x2048xf32, #tpu.memory_space<hbm>>
    tpu.wait_dma2 semaphore(%arg9 : memref<!tpu.dma_semaphore, #tpu.memory_space<semaphore_mem>>) src(%dma_wait3A_131 : memref<16x2048xf32, #tpu.memory_space<hbm>>) dst(%arg7 : memref<16x2048xf32, #tpu.memory_space<vmem>>)
    %dma_start3A_132 = arith.constant 0 : i32
    %dma_start3A_133 = arith.constant 0 : i32
    %dma_start3A_134 = tpu.memref_slice %arg4[%dma_start3A_132, %dma_start3A_133] : memref<4608x2048xf32, #tpu.memory_space<hbm>> -> memref<4608x2048xf32, #tpu.memory_space<hbm>>
    tpu.enqueue_indirect_dma source(%arg7 : memref<16x2048xf32, #tpu.memory_space<vmem>>) target(%dma_start3A_134 : memref<4608x2048xf32, #tpu.memory_space<hbm>>) offsets(%arg5 : memref<16xi32, #tpu.memory_space<vmem>>) semaphore(%arg11 : memref<!tpu.dma_semaphore, #tpu.memory_space<semaphore_mem>>)
    %dma_wait3A_135 = arith.constant 0 : i32
    %dma_wait3A_136 = arith.constant 0 : i32
    %dma_wait3A_137 = tpu.memref_slice %arg4[%dma_wait3A_135, %dma_wait3A_136] : memref<4608x2048xf32, #tpu.memory_space<hbm>> -> memref<4608x2048xf32, #tpu.memory_space<hbm>>
    tpu.wait_indirect_dma semaphore(%arg12 : memref<!tpu.dma_semaphore, #tpu.memory_space<semaphore_mem>>) src(%arg8 : memref<16x2048xf32, #tpu.memory_space<vmem>>) dst(%dma_wait3A_137 : memref<4608x2048xf32, #tpu.memory_space<hbm>>)
    %add3A_138 = arith.constant 112 : i32
    %add3A_139 = arith.addi %mul3A_2, %add3A_138 : i32
    %dma_start3A_140 = tpu.memref_slice %arg3[%add3A_139] : memref<4096xi32, #tpu.memory_space<hbm>> -> memref<16xi32, #tpu.memory_space<hbm>>
    %dma_start3A_141 = tpu.memref_slice %arg3[%add3A_139] : memref<4096xi32, #tpu.memory_space<hbm>> -> memref<16xi32, #tpu.memory_space<hbm>>
    tpu.enqueue_dma source(%dma_start3A_141 : memref<16xi32, #tpu.memory_space<hbm>>) target(%arg6 : memref<16xi32, #tpu.memory_space<vmem>>) target_semaphore(%arg10 : memref<!tpu.dma_semaphore, #tpu.memory_space<semaphore_mem>>)
    %dma_start3A_142 = arith.constant 0 : i32
    %dma_start3A_143 = tpu.memref_slice %arg2[%add3A_139, %dma_start3A_142] : memref<4096x2048xf32, #tpu.memory_space<hbm>> -> memref<16x2048xf32, #tpu.memory_space<hbm>>
    %dma_start3A_144 = arith.constant 0 : i32
    %dma_start3A_145 = tpu.memref_slice %arg2[%add3A_139, %dma_start3A_144] : memref<4096x2048xf32, #tpu.memory_space<hbm>> -> memref<16x2048xf32, #tpu.memory_space<hbm>>
    tpu.enqueue_dma source(%dma_start3A_145 : memref<16x2048xf32, #tpu.memory_space<hbm>>) target(%arg8 : memref<16x2048xf32, #tpu.memory_space<vmem>>) target_semaphore(%arg10 : memref<!tpu.dma_semaphore, #tpu.memory_space<semaphore_mem>>)
    %dma_wait3A_146 = tpu.memref_slice %arg3[%add3A_139] : memref<4096xi32, #tpu.memory_space<hbm>> -> memref<16xi32, #tpu.memory_space<hbm>>
    %dma_wait3A_147 = tpu.memref_slice %arg3[%add3A_139] : memref<4096xi32, #tpu.memory_space<hbm>> -> memref<16xi32, #tpu.memory_space<hbm>>
    tpu.wait_dma2 semaphore(%arg10 : memref<!tpu.dma_semaphore, #tpu.memory_space<semaphore_mem>>) src(%dma_wait3A_147 : memref<16xi32, #tpu.memory_space<hbm>>) dst(%arg6 : memref<16xi32, #tpu.memory_space<vmem>>)
    %dma_wait3A_148 = arith.constant 0 : i32
    %dma_wait3A_149 = tpu.memref_slice %arg2[%add3A_139, %dma_wait3A_148] : memref<4096x2048xf32, #tpu.memory_space<hbm>> -> memref<16x2048xf32, #tpu.memory_space<hbm>>
    %dma_wait3A_150 = arith.constant 0 : i32
    %dma_wait3A_151 = tpu.memref_slice %arg2[%add3A_139, %dma_wait3A_150] : memref<4096x2048xf32, #tpu.memory_space<hbm>> -> memref<16x2048xf32, #tpu.memory_space<hbm>>
    tpu.wait_dma2 semaphore(%arg10 : memref<!tpu.dma_semaphore, #tpu.memory_space<semaphore_mem>>) src(%dma_wait3A_151 : memref<16x2048xf32, #tpu.memory_space<hbm>>) dst(%arg8 : memref<16x2048xf32, #tpu.memory_space<vmem>>)
    %dma_start3A_152 = arith.constant 0 : i32
    %dma_start3A_153 = arith.constant 0 : i32
    %dma_start3A_154 = tpu.memref_slice %arg4[%dma_start3A_152, %dma_start3A_153] : memref<4608x2048xf32, #tpu.memory_space<hbm>> -> memref<4608x2048xf32, #tpu.memory_space<hbm>>
    tpu.enqueue_indirect_dma source(%arg8 : memref<16x2048xf32, #tpu.memory_space<vmem>>) target(%dma_start3A_154 : memref<4608x2048xf32, #tpu.memory_space<hbm>>) offsets(%arg6 : memref<16xi32, #tpu.memory_space<vmem>>) semaphore(%arg12 : memref<!tpu.dma_semaphore, #tpu.memory_space<semaphore_mem>>)
    %dma_wait3A_155 = arith.constant 0 : i32
    %dma_wait3A_156 = arith.constant 0 : i32
    %dma_wait3A_157 = tpu.memref_slice %arg4[%dma_wait3A_155, %dma_wait3A_156] : memref<4608x2048xf32, #tpu.memory_space<hbm>> -> memref<4608x2048xf32, #tpu.memory_space<hbm>>
    tpu.wait_indirect_dma semaphore(%arg11 : memref<!tpu.dma_semaphore, #tpu.memory_space<semaphore_mem>>) src(%arg7 : memref<16x2048xf32, #tpu.memory_space<vmem>>) dst(%dma_wait3A_157 : memref<4608x2048xf32, #tpu.memory_space<hbm>>)
    %dma_wait3A_158 = arith.constant 0 : i32
    %dma_wait3A_159 = arith.constant 0 : i32
    %dma_wait3A_160 = tpu.memref_slice %arg4[%dma_wait3A_158, %dma_wait3A_159] : memref<4608x2048xf32, #tpu.memory_space<hbm>> -> memref<4608x2048xf32, #tpu.memory_space<hbm>>
    tpu.wait_indirect_dma semaphore(%arg12 : memref<!tpu.dma_semaphore, #tpu.memory_space<semaphore_mem>>) src(%arg8 : memref<16x2048xf32, #tpu.memory_space<vmem>>) dst(%dma_wait3A_160 : memref<4608x2048xf32, #tpu.memory_space<hbm>>)
    return
  }
}

module attributes {stable_mosaic.version = 14 : i64} {
  func.func @_routing_body(%arg0: i32, %arg1: memref<32x128xf32, #tpu.memory_space<vmem>>, %arg2: memref<32x128xi32, #tpu.memory_space<vmem>>, %arg3: memref<1x128xi32, #tpu.memory_space<vmem>>) attributes {dimension_semantics = [#tpu.dimension_semantics<arbitrary>], iteration_bounds = array<i64: 1>, scalar_prefetch = 0 : i64, scratch_operands = 0 : i64, tpu.core_type = #tpu.core_type<tc>, window_params = [{pipeline_mode = #tpu.pipeline_mode<synchronous>, transform_indices = @transform_0, window_bounds = array<i64: 32, 128>}, {pipeline_mode = #tpu.pipeline_mode<synchronous>, transform_indices = @transform_1, window_bounds = array<i64: 32, 128>}, {pipeline_mode = #tpu.pipeline_mode<synchronous>, transform_indices = @transform_2, window_bounds = array<i64: 1, 128>}]} {
    %get3A = arith.constant 0 : index
    %get3A_0 = arith.constant 0 : index
    %get3A_1 = vector.load %arg1[%get3A, %get3A_0] : memref<32x128xf32, #tpu.memory_space<vmem>>, vector<32x128xf32>
    %gt3A = arith.constant 8.000000e-01 : f32
    %gt3A_2 = vector.broadcast %gt3A : f32 to vector<32x128xf32>
    %gt3A_3 = arith.cmpf ogt, %get3A_1, %gt3A_2 : vector<32x128xf32>
    %gt3A_4 = arith.constant 4.000000e-01 : f32
    %gt3A_5 = vector.broadcast %gt3A_4 : f32 to vector<32x128xf32>
    %gt3A_6 = arith.cmpf ogt, %get3A_1, %gt3A_5 : vector<32x128xf32>
    %not3A = arith.constant dense<true> : vector<32x128xi1>
    %not3A_7 = arith.xori %gt3A_3, %not3A : vector<32x128xi1>
    %and3A = arith.andi %gt3A_6, %not3A_7 : vector<32x128xi1>
    %gt3A_8 = arith.constant 4.000000e-01 : f32
    %gt3A_9 = vector.broadcast %gt3A_8 : f32 to vector<32x128xf32>
    %gt3A_10 = arith.cmpf ogt, %get3A_1, %gt3A_9 : vector<32x128xf32>
    %not3A_11 = arith.constant dense<true> : vector<32x128xi1>
    %not3A_12 = arith.xori %gt3A_10, %not3A_11 : vector<32x128xi1>
    %iota3A = tpu.iota {dimensions = array<i32: 0>} : vector<128x128xi32>
    %iota3A_13 = tpu.iota {dimensions = array<i32: 1>} : vector<128x128xi32>
    %le3A = arith.cmpi sle, %iota3A, %iota3A_13 : vector<128x128xi32>
    %convert_element_type3A = arith.extui %le3A : vector<128x128xi1> to vector<128x128xi32>
    %convert_element_type3A_14 = arith.sitofp %convert_element_type3A : vector<128x128xi32> to vector<128x128xf32>
    %convert_element_type3A_15 = arith.truncf %convert_element_type3A_14 : vector<128x128xf32> to vector<128x128xbf16>
    %iota3A_16 = tpu.iota {dimensions = array<i32: 0>} : vector<32x32xi32>
    %iota3A_17 = tpu.iota {dimensions = array<i32: 1>} : vector<32x32xi32>
    %lt3A = arith.cmpi slt, %iota3A_17, %iota3A_16 : vector<32x32xi32>
    %convert_element_type3A_18 = arith.extui %lt3A : vector<32x32xi1> to vector<32x32xi32>
    %convert_element_type3A_19 = arith.sitofp %convert_element_type3A_18 : vector<32x32xi32> to vector<32x32xf32>
    %convert_element_type3A_20 = arith.truncf %convert_element_type3A_19 : vector<32x32xf32> to vector<32x32xbf16>
    %convert_element_type3A_21 = arith.extui %gt3A_3 : vector<32x128xi1> to vector<32x128xi32>
    %convert_element_type3A_22 = arith.sitofp %convert_element_type3A_21 : vector<32x128xi32> to vector<32x128xf32>
    %convert_element_type3A_23 = arith.truncf %convert_element_type3A_22 : vector<32x128xf32> to vector<32x128xbf16>
    %dot_general3A = arith.constant dense<0.000000e+00> : vector<32x128xf32>
    %dot_general3A_24 = tpu.matmul %convert_element_type3A_23, %convert_element_type3A_15, %dot_general3A {dimension_numbers = #tpu.dot_dimension_numbers<[1], [0], [0], [1], [0, 0, 1, 1], [], []>, transpose_lhs_hint = false} : vector<32x128xbf16>, vector<128x128xbf16>, vector<32x128xf32> -> vector<32x128xf32>
    %sub3A = arith.subf %dot_general3A_24, %convert_element_type3A_22 : vector<32x128xf32>
    %reduce_sum3A = arith.constant dense<0.000000e+00> : vector<32xf32>
    %reduce_sum3A_25 = vector.multi_reduction <add>, %convert_element_type3A_22, %reduce_sum3A [1] : vector<32x128xf32> to vector<32xf32>
    %broadcast_in_dim3A = vector.shape_cast %reduce_sum3A_25 : vector<32xf32> to vector<32x1xf32>
    %broadcast_in_dim3A_26 = vector.shape_cast %broadcast_in_dim3A : vector<32x1xf32> to vector<32x1xf32>
    %broadcast_in_dim3A_27 = vector.broadcast %broadcast_in_dim3A_26 : vector<32x1xf32> to vector<32x128xf32>
    %convert_element_type3A_28 = arith.truncf %broadcast_in_dim3A_27 : vector<32x128xf32> to vector<32x128xbf16>
    %dot_general3A_29 = arith.constant dense<0.000000e+00> : vector<32x128xf32>
    %dot_general3A_30 = tpu.matmul %convert_element_type3A_20, %convert_element_type3A_28, %dot_general3A_29 {dimension_numbers = #tpu.dot_dimension_numbers<[1], [0], [0], [1], [0, 0, 1, 1], [], []>, transpose_lhs_hint = false} : vector<32x32xbf16>, vector<32x128xbf16>, vector<32x128xf32> -> vector<32x128xf32>
    %reduce_sum3A_31 = vector.shape_cast %convert_element_type3A_22 : vector<32x128xf32> to vector<1x32x128xf32>
    %reduce_sum3A_32 = arith.constant dense<0.000000e+00> : vector<1xf32>
    %reduce_sum3A_33 = vector.multi_reduction <add>, %reduce_sum3A_31, %reduce_sum3A_32 [1, 2] : vector<1x32x128xf32> to vector<1xf32>
    %reduce_sum3A_34 = vector.shape_cast %reduce_sum3A_33 : vector<1xf32> to vector<1x1x1xf32>
    %reduce_sum3A_35 = vector.extract %reduce_sum3A_34[0, 0, 0] : f32 from vector<1x1x1xf32>
    %convert_element_type3A_36 = arith.fptosi %reduce_sum3A_35 : f32 to i32
    %add3A = arith.addf %sub3A, %dot_general3A_30 : vector<32x128xf32>
    %convert_element_type3A_37 = arith.extui %and3A : vector<32x128xi1> to vector<32x128xi32>
    %convert_element_type3A_38 = arith.sitofp %convert_element_type3A_37 : vector<32x128xi32> to vector<32x128xf32>
    %convert_element_type3A_39 = arith.truncf %convert_element_type3A_38 : vector<32x128xf32> to vector<32x128xbf16>
    %dot_general3A_40 = arith.constant dense<0.000000e+00> : vector<32x128xf32>
    %dot_general3A_41 = tpu.matmul %convert_element_type3A_39, %convert_element_type3A_15, %dot_general3A_40 {dimension_numbers = #tpu.dot_dimension_numbers<[1], [0], [0], [1], [0, 0, 1, 1], [], []>, transpose_lhs_hint = false} : vector<32x128xbf16>, vector<128x128xbf16>, vector<32x128xf32> -> vector<32x128xf32>
    %sub3A_42 = arith.subf %dot_general3A_41, %convert_element_type3A_38 : vector<32x128xf32>
    %reduce_sum3A_43 = arith.constant dense<0.000000e+00> : vector<32xf32>
    %reduce_sum3A_44 = vector.multi_reduction <add>, %convert_element_type3A_38, %reduce_sum3A_43 [1] : vector<32x128xf32> to vector<32xf32>
    %broadcast_in_dim3A_45 = vector.shape_cast %reduce_sum3A_44 : vector<32xf32> to vector<32x1xf32>
    %broadcast_in_dim3A_46 = vector.shape_cast %broadcast_in_dim3A_45 : vector<32x1xf32> to vector<32x1xf32>
    %broadcast_in_dim3A_47 = vector.broadcast %broadcast_in_dim3A_46 : vector<32x1xf32> to vector<32x128xf32>
    %convert_element_type3A_48 = arith.truncf %broadcast_in_dim3A_47 : vector<32x128xf32> to vector<32x128xbf16>
    %dot_general3A_49 = arith.constant dense<0.000000e+00> : vector<32x128xf32>
    %dot_general3A_50 = tpu.matmul %convert_element_type3A_20, %convert_element_type3A_48, %dot_general3A_49 {dimension_numbers = #tpu.dot_dimension_numbers<[1], [0], [0], [1], [0, 0, 1, 1], [], []>, transpose_lhs_hint = false} : vector<32x32xbf16>, vector<32x128xbf16>, vector<32x128xf32> -> vector<32x128xf32>
    %reduce_sum3A_51 = vector.shape_cast %convert_element_type3A_38 : vector<32x128xf32> to vector<1x32x128xf32>
    %reduce_sum3A_52 = arith.constant dense<0.000000e+00> : vector<1xf32>
    %reduce_sum3A_53 = vector.multi_reduction <add>, %reduce_sum3A_51, %reduce_sum3A_52 [1, 2] : vector<1x32x128xf32> to vector<1xf32>
    %reduce_sum3A_54 = vector.shape_cast %reduce_sum3A_53 : vector<1xf32> to vector<1x1x1xf32>
    %reduce_sum3A_55 = vector.extract %reduce_sum3A_54[0, 0, 0] : f32 from vector<1x1x1xf32>
    %convert_element_type3A_56 = arith.fptosi %reduce_sum3A_55 : f32 to i32
    %add3A_57 = arith.addf %sub3A_42, %dot_general3A_50 : vector<32x128xf32>
    %convert_element_type3A_58 = arith.extui %not3A_12 : vector<32x128xi1> to vector<32x128xi32>
    %convert_element_type3A_59 = arith.sitofp %convert_element_type3A_58 : vector<32x128xi32> to vector<32x128xf32>
    %convert_element_type3A_60 = arith.truncf %convert_element_type3A_59 : vector<32x128xf32> to vector<32x128xbf16>
    %dot_general3A_61 = arith.constant dense<0.000000e+00> : vector<32x128xf32>
    %dot_general3A_62 = tpu.matmul %convert_element_type3A_60, %convert_element_type3A_15, %dot_general3A_61 {dimension_numbers = #tpu.dot_dimension_numbers<[1], [0], [0], [1], [0, 0, 1, 1], [], []>, transpose_lhs_hint = false} : vector<32x128xbf16>, vector<128x128xbf16>, vector<32x128xf32> -> vector<32x128xf32>
    %sub3A_63 = arith.subf %dot_general3A_62, %convert_element_type3A_59 : vector<32x128xf32>
    %reduce_sum3A_64 = arith.constant dense<0.000000e+00> : vector<32xf32>
    %reduce_sum3A_65 = vector.multi_reduction <add>, %convert_element_type3A_59, %reduce_sum3A_64 [1] : vector<32x128xf32> to vector<32xf32>
    %broadcast_in_dim3A_66 = vector.shape_cast %reduce_sum3A_65 : vector<32xf32> to vector<32x1xf32>
    %broadcast_in_dim3A_67 = vector.shape_cast %broadcast_in_dim3A_66 : vector<32x1xf32> to vector<32x1xf32>
    %broadcast_in_dim3A_68 = vector.broadcast %broadcast_in_dim3A_67 : vector<32x1xf32> to vector<32x128xf32>
    %convert_element_type3A_69 = arith.truncf %broadcast_in_dim3A_68 : vector<32x128xf32> to vector<32x128xbf16>
    %dot_general3A_70 = arith.constant dense<0.000000e+00> : vector<32x128xf32>
    %dot_general3A_71 = tpu.matmul %convert_element_type3A_20, %convert_element_type3A_69, %dot_general3A_70 {dimension_numbers = #tpu.dot_dimension_numbers<[1], [0], [0], [1], [0, 0, 1, 1], [], []>, transpose_lhs_hint = false} : vector<32x32xbf16>, vector<32x128xbf16>, vector<32x128xf32> -> vector<32x128xf32>
    %reduce_sum3A_72 = vector.shape_cast %convert_element_type3A_59 : vector<32x128xf32> to vector<1x32x128xf32>
    %reduce_sum3A_73 = arith.constant dense<0.000000e+00> : vector<1xf32>
    %reduce_sum3A_74 = vector.multi_reduction <add>, %reduce_sum3A_72, %reduce_sum3A_73 [1, 2] : vector<1x32x128xf32> to vector<1xf32>
    %reduce_sum3A_75 = vector.shape_cast %reduce_sum3A_74 : vector<1xf32> to vector<1x1x1xf32>
    %reduce_sum3A_76 = vector.extract %reduce_sum3A_75[0, 0, 0] : f32 from vector<1x1x1xf32>
    %convert_element_type3A_77 = arith.fptosi %reduce_sum3A_76 : f32 to i32
    %add3A_78 = arith.addf %sub3A_63, %dot_general3A_71 : vector<32x128xf32>
    %add3A_79 = arith.constant 256 : i32
    %add3A_80 = arith.addi %convert_element_type3A_36, %add3A_79 : i32
    %sub3A_81 = arith.constant 1 : i32
    %sub3A_82 = arith.subi %add3A_80, %sub3A_81 : i32
    %jit3A = arith.constant 256 : i32
    %div3A = arith.divsi %sub3A_82, %jit3A : i32
    %sign3A = arith.constant 0 : i32
    %sign3A_83 = arith.cmpi sgt, %sub3A_82, %sign3A : i32
    %sign3A_84 = arith.extui %sign3A_83 : i1 to i32
    %sign3A_85 = arith.constant 0 : i32
    %sign3A_86 = arith.cmpi slt, %sub3A_82, %sign3A_85 : i32
    %sign3A_87 = arith.extui %sign3A_86 : i1 to i32
    %sign3A_88 = arith.subi %sign3A_84, %sign3A_87 : i32
    %sign3A_89 = arith.constant 0 : i32
    %sign3A_90 = arith.cmpi sgt, %jit3A, %sign3A_89 : i32
    %sign3A_91 = arith.extui %sign3A_90 : i1 to i32
    %sign3A_92 = arith.constant 0 : i32
    %sign3A_93 = arith.cmpi slt, %jit3A, %sign3A_92 : i32
    %sign3A_94 = arith.extui %sign3A_93 : i1 to i32
    %sign3A_95 = arith.subi %sign3A_91, %sign3A_94 : i32
    %ne3A = arith.cmpi ne, %sign3A_88, %sign3A_95 : i32
    %rem3A = arith.remsi %sub3A_82, %jit3A : i32
    %ne3A_96 = arith.constant 0 : i32
    %ne3A_97 = arith.cmpi ne, %rem3A, %ne3A_96 : i32
    %and3A_98 = arith.andi %ne3A, %ne3A_97 : i1
    %sub3A_99 = arith.constant 1 : i32
    %sub3A_100 = arith.subi %div3A, %sub3A_99 : i32
    %select_n3A = arith.select %and3A_98, %sub3A_100, %div3A : i32
    %add3A_101 = arith.constant 256 : i32
    %add3A_102 = arith.addi %convert_element_type3A_56, %add3A_101 : i32
    %sub3A_103 = arith.constant 1 : i32
    %sub3A_104 = arith.subi %add3A_102, %sub3A_103 : i32
    %jit3A_105 = arith.constant 256 : i32
    %div3A_106 = arith.divsi %sub3A_104, %jit3A_105 : i32
    %sign3A_107 = arith.constant 0 : i32
    %sign3A_108 = arith.cmpi sgt, %sub3A_104, %sign3A_107 : i32
    %sign3A_109 = arith.extui %sign3A_108 : i1 to i32
    %sign3A_110 = arith.constant 0 : i32
    %sign3A_111 = arith.cmpi slt, %sub3A_104, %sign3A_110 : i32
    %sign3A_112 = arith.extui %sign3A_111 : i1 to i32
    %sign3A_113 = arith.subi %sign3A_109, %sign3A_112 : i32
    %sign3A_114 = arith.constant 0 : i32
    %sign3A_115 = arith.cmpi sgt, %jit3A_105, %sign3A_114 : i32
    %sign3A_116 = arith.extui %sign3A_115 : i1 to i32
    %sign3A_117 = arith.constant 0 : i32
    %sign3A_118 = arith.cmpi slt, %jit3A_105, %sign3A_117 : i32
    %sign3A_119 = arith.extui %sign3A_118 : i1 to i32
    %sign3A_120 = arith.subi %sign3A_116, %sign3A_119 : i32
    %ne3A_121 = arith.cmpi ne, %sign3A_113, %sign3A_120 : i32
    %rem3A_122 = arith.remsi %sub3A_104, %jit3A_105 : i32
    %ne3A_123 = arith.constant 0 : i32
    %ne3A_124 = arith.cmpi ne, %rem3A_122, %ne3A_123 : i32
    %and3A_125 = arith.andi %ne3A_121, %ne3A_124 : i1
    %sub3A_126 = arith.constant 1 : i32
    %sub3A_127 = arith.subi %div3A_106, %sub3A_126 : i32
    %select_n3A_128 = arith.select %and3A_125, %sub3A_127, %div3A_106 : i32
    %add3A_129 = arith.constant 256 : i32
    %add3A_130 = arith.addi %convert_element_type3A_77, %add3A_129 : i32
    %sub3A_131 = arith.constant 1 : i32
    %sub3A_132 = arith.subi %add3A_130, %sub3A_131 : i32
    %jit3A_133 = arith.constant 256 : i32
    %div3A_134 = arith.divsi %sub3A_132, %jit3A_133 : i32
    %sign3A_135 = arith.constant 0 : i32
    %sign3A_136 = arith.cmpi sgt, %sub3A_132, %sign3A_135 : i32
    %sign3A_137 = arith.extui %sign3A_136 : i1 to i32
    %sign3A_138 = arith.constant 0 : i32
    %sign3A_139 = arith.cmpi slt, %sub3A_132, %sign3A_138 : i32
    %sign3A_140 = arith.extui %sign3A_139 : i1 to i32
    %sign3A_141 = arith.subi %sign3A_137, %sign3A_140 : i32
    %sign3A_142 = arith.constant 0 : i32
    %sign3A_143 = arith.cmpi sgt, %jit3A_133, %sign3A_142 : i32
    %sign3A_144 = arith.extui %sign3A_143 : i1 to i32
    %sign3A_145 = arith.constant 0 : i32
    %sign3A_146 = arith.cmpi slt, %jit3A_133, %sign3A_145 : i32
    %sign3A_147 = arith.extui %sign3A_146 : i1 to i32
    %sign3A_148 = arith.subi %sign3A_144, %sign3A_147 : i32
    %ne3A_149 = arith.cmpi ne, %sign3A_141, %sign3A_148 : i32
    %rem3A_150 = arith.remsi %sub3A_132, %jit3A_133 : i32
    %ne3A_151 = arith.constant 0 : i32
    %ne3A_152 = arith.cmpi ne, %rem3A_150, %ne3A_151 : i32
    %and3A_153 = arith.andi %ne3A_149, %ne3A_152 : i1
    %sub3A_154 = arith.constant 1 : i32
    %sub3A_155 = arith.subi %div3A_134, %sub3A_154 : i32
    %select_n3A_156 = arith.select %and3A_153, %sub3A_155, %div3A_134 : i32
    %add3A_157 = arith.addi %select_n3A, %select_n3A_128 : i32
    %convert_element_type3A_158 = arith.sitofp %select_n3A : i32 to f32
    %mul3A = arith.constant 2.560000e+02 : f32
    %mul3A_159 = arith.mulf %convert_element_type3A_158, %mul3A : f32
    %add3A_160 = vector.broadcast %mul3A_159 : f32 to vector<32x128xf32>
    %add3A_161 = arith.addf %add3A_160, %add3A_57 : vector<32x128xf32>
    %convert_element_type3A_162 = arith.sitofp %add3A_157 : i32 to f32
    %mul3A_163 = arith.constant 2.560000e+02 : f32
    %mul3A_164 = arith.mulf %convert_element_type3A_162, %mul3A_163 : f32
    %add3A_165 = vector.broadcast %mul3A_164 : f32 to vector<32x128xf32>
    %add3A_166 = arith.addf %add3A_165, %add3A_78 : vector<32x128xf32>
    %select_n3A_167 = arith.select %and3A, %add3A_161, %add3A_166 : vector<32x128xi1>, vector<32x128xf32>
    %select_n3A_168 = arith.select %gt3A_3, %add3A, %select_n3A_167 : vector<32x128xi1>, vector<32x128xf32>
    %convert_element_type3A_169 = arith.fptosi %select_n3A_168 : vector<32x128xf32> to vector<32x128xi32>
    %swap3A = arith.constant 0 : index
    %swap3A_170 = arith.constant 0 : index
    %swap3A_171 = vector.load %arg2[%swap3A, %swap3A_170] : memref<32x128xi32, #tpu.memory_space<vmem>>, vector<32x128xi32>
    tpu.vector_store %arg2[%swap3A, %swap3A_170], %convert_element_type3A_169 {strides = array<i32>} : memref<32x128xi32, #tpu.memory_space<vmem>>, vector<32x128xi32>,
    %iota3A_172 = tpu.iota {dimensions = array<i32: 1>} : vector<1x128xi32>
    %eq3A = arith.constant 0 : i32
    %eq3A_173 = vector.broadcast %eq3A : i32 to vector<1x128xi32>
    %eq3A_174 = arith.cmpi eq, %iota3A_172, %eq3A_173 : vector<1x128xi32>
    %jit3A_175 = arith.constant 0 : i32
    %broadcast_in_dim3A_176 = vector.broadcast %select_n3A : i32 to vector<1x128xi32>
    %broadcast_in_dim3A_177 = vector.broadcast %jit3A_175 : i32 to vector<1x128xi32>
    %select_n3A_178 = arith.select %eq3A_174, %broadcast_in_dim3A_176, %broadcast_in_dim3A_177 : vector<1x128xi1>, vector<1x128xi32>
    %eq3A_179 = arith.constant 1 : i32
    %eq3A_180 = vector.broadcast %eq3A_179 : i32 to vector<1x128xi32>
    %eq3A_181 = arith.cmpi eq, %iota3A_172, %eq3A_180 : vector<1x128xi32>
    %jit3A_182 = arith.constant 0 : i32
    %broadcast_in_dim3A_183 = vector.broadcast %select_n3A_128 : i32 to vector<1x128xi32>
    %broadcast_in_dim3A_184 = vector.broadcast %jit3A_182 : i32 to vector<1x128xi32>
    %select_n3A_185 = arith.select %eq3A_181, %broadcast_in_dim3A_183, %broadcast_in_dim3A_184 : vector<1x128xi1>, vector<1x128xi32>
    %add3A_186 = arith.addi %select_n3A_178, %select_n3A_185 : vector<1x128xi32>
    %eq3A_187 = arith.constant 2 : i32
    %eq3A_188 = vector.broadcast %eq3A_187 : i32 to vector<1x128xi32>
    %eq3A_189 = arith.cmpi eq, %iota3A_172, %eq3A_188 : vector<1x128xi32>
    %jit3A_190 = arith.constant 0 : i32
    %broadcast_in_dim3A_191 = vector.broadcast %select_n3A_156 : i32 to vector<1x128xi32>
    %broadcast_in_dim3A_192 = vector.broadcast %jit3A_190 : i32 to vector<1x128xi32>
    %select_n3A_193 = arith.select %eq3A_189, %broadcast_in_dim3A_191, %broadcast_in_dim3A_192 : vector<1x128xi1>, vector<1x128xi32>
    %add3A_194 = arith.addi %add3A_186, %select_n3A_193 : vector<1x128xi32>
    %eq3A_195 = arith.constant 4 : i32
    %eq3A_196 = vector.broadcast %eq3A_195 : i32 to vector<1x128xi32>
    %eq3A_197 = arith.cmpi eq, %iota3A_172, %eq3A_196 : vector<1x128xi32>
    %jit3A_198 = arith.constant 0 : i32
    %broadcast_in_dim3A_199 = vector.broadcast %select_n3A : i32 to vector<1x128xi32>
    %broadcast_in_dim3A_200 = vector.broadcast %jit3A_198 : i32 to vector<1x128xi32>
    %select_n3A_201 = arith.select %eq3A_197, %broadcast_in_dim3A_199, %broadcast_in_dim3A_200 : vector<1x128xi1>, vector<1x128xi32>
    %add3A_202 = arith.addi %add3A_194, %select_n3A_201 : vector<1x128xi32>
    %eq3A_203 = arith.constant 5 : i32
    %eq3A_204 = vector.broadcast %eq3A_203 : i32 to vector<1x128xi32>
    %eq3A_205 = arith.cmpi eq, %iota3A_172, %eq3A_204 : vector<1x128xi32>
    %jit3A_206 = arith.constant 0 : i32
    %broadcast_in_dim3A_207 = vector.broadcast %add3A_157 : i32 to vector<1x128xi32>
    %broadcast_in_dim3A_208 = vector.broadcast %jit3A_206 : i32 to vector<1x128xi32>
    %select_n3A_209 = arith.select %eq3A_205, %broadcast_in_dim3A_207, %broadcast_in_dim3A_208 : vector<1x128xi1>, vector<1x128xi32>
    %add3A_210 = arith.addi %add3A_202, %select_n3A_209 : vector<1x128xi32>
    %swap3A_211 = arith.constant 0 : index
    %swap3A_212 = arith.constant 0 : index
    %swap3A_213 = vector.load %arg3[%swap3A_211, %swap3A_212] : memref<1x128xi32, #tpu.memory_space<vmem>>, vector<1x128xi32>
    tpu.vector_store %arg3[%swap3A_211, %swap3A_212], %add3A_210 {strides = array<i32>} : memref<1x128xi32, #tpu.memory_space<vmem>>, vector<1x128xi32>,
    return
  }
  func.func @transform_0(%arg0: i32) -> (i32, i32) {
    %c0_i32 = arith.constant 0 : i32
    %c0_i32_0 = arith.constant 0 : i32
    %c0_i32_1 = arith.constant 0 : i32
    return %c0_i32, %c0_i32_0 : i32, i32
  }
  func.func @transform_1(%arg0: i32) -> (i32, i32) {
    %c0_i32 = arith.constant 0 : i32
    %c0_i32_0 = arith.constant 0 : i32
    %c0_i32_1 = arith.constant 0 : i32
    return %c0_i32, %c0_i32_0 : i32, i32
  }
  func.func @transform_2(%arg0: i32) -> (i32, i32) {
    %c0_i32 = arith.constant 0 : i32
    %c0_i32_0 = arith.constant 0 : i32
    %c0_i32_1 = arith.constant 0 : i32
    return %c0_i32, %c0_i32_0 : i32, i32
  }
}

module attributes {stable_mosaic.version = 14 : i64} {
  func.func @_cast_body(%arg0: i32, %arg1: memref<128x1843xf32, #tpu.memory_space<vmem>>, %arg2: memref<128x1433xf32, #tpu.memory_space<vmem>>, %arg3: memref<128x204xf32, #tpu.memory_space<vmem>>, %arg4: memref<1843x128xf32, #tpu.memory_space<vmem>>, %arg5: memref<1433x128xf32, #tpu.memory_space<vmem>>, %arg6: memref<204x128xf32, #tpu.memory_space<vmem>>, %arg7: memref<128x1843xbf16, #tpu.memory_space<vmem>>, %arg8: memref<128x1433xbf16, #tpu.memory_space<vmem>>, %arg9: memref<128x204xbf16, #tpu.memory_space<vmem>>, %arg10: memref<1843x128xbf16, #tpu.memory_space<vmem>>, %arg11: memref<1433x128xbf16, #tpu.memory_space<vmem>>, %arg12: memref<204x128xbf16, #tpu.memory_space<vmem>>) attributes {dimension_semantics = [#tpu.dimension_semantics<arbitrary>], iteration_bounds = array<i64: 16>, scalar_prefetch = 0 : i64, scratch_operands = 0 : i64, tpu.core_type = #tpu.core_type<tc>, window_params = [{transform_indices = @transform_0, window_bounds = array<i64: 128, 1843>}, {transform_indices = @transform_1, window_bounds = array<i64: 128, 1433>}, {transform_indices = @transform_2, window_bounds = array<i64: 128, 204>}, {transform_indices = @transform_3, window_bounds = array<i64: 1843, 128>}, {transform_indices = @transform_4, window_bounds = array<i64: 1433, 128>}, {transform_indices = @transform_5, window_bounds = array<i64: 204, 128>}, {transform_indices = @transform_6, window_bounds = array<i64: 128, 1843>}, {transform_indices = @transform_7, window_bounds = array<i64: 128, 1433>}, {transform_indices = @transform_8, window_bounds = array<i64: 128, 204>}, {transform_indices = @transform_9, window_bounds = array<i64: 1843, 128>}, {transform_indices = @transform_10, window_bounds = array<i64: 1433, 128>}, {transform_indices = @transform_11, window_bounds = array<i64: 204, 128>}]} {
    %get3A = arith.constant 0 : index
    %get3A_0 = arith.constant 0 : index
    %get3A_1 = vector.load %arg1[%get3A, %get3A_0] : memref<128x1843xf32, #tpu.memory_space<vmem>>, vector<128x1843xf32>
    %convert_element_type3A = arith.truncf %get3A_1 : vector<128x1843xf32> to vector<128x1843xbf16>
    %swap3A = arith.constant 0 : index
    %swap3A_2 = arith.constant 0 : index
    %swap3A_3 = vector.load %arg7[%swap3A, %swap3A_2] : memref<128x1843xbf16, #tpu.memory_space<vmem>>, vector<128x1843xbf16>
    tpu.vector_store %arg7[%swap3A, %swap3A_2], %convert_element_type3A {strides = array<i32>} : memref<128x1843xbf16, #tpu.memory_space<vmem>>, vector<128x1843xbf16>,
    %get3A_4 = arith.constant 0 : index
    %get3A_5 = arith.constant 0 : index
    %get3A_6 = vector.load %arg2[%get3A_4, %get3A_5] : memref<128x1433xf32, #tpu.memory_space<vmem>>, vector<128x1433xf32>
    %convert_element_type3A_7 = arith.truncf %get3A_6 : vector<128x1433xf32> to vector<128x1433xbf16>
    %swap3A_8 = arith.constant 0 : index
    %swap3A_9 = arith.constant 0 : index
    %swap3A_10 = vector.load %arg8[%swap3A_8, %swap3A_9] : memref<128x1433xbf16, #tpu.memory_space<vmem>>, vector<128x1433xbf16>
    tpu.vector_store %arg8[%swap3A_8, %swap3A_9], %convert_element_type3A_7 {strides = array<i32>} : memref<128x1433xbf16, #tpu.memory_space<vmem>>, vector<128x1433xbf16>,
    %get3A_11 = arith.constant 0 : index
    %get3A_12 = arith.constant 0 : index
    %get3A_13 = vector.load %arg3[%get3A_11, %get3A_12] : memref<128x204xf32, #tpu.memory_space<vmem>>, vector<128x204xf32>
    %convert_element_type3A_14 = arith.truncf %get3A_13 : vector<128x204xf32> to vector<128x204xbf16>
    %swap3A_15 = arith.constant 0 : index
    %swap3A_16 = arith.constant 0 : index
    %swap3A_17 = vector.load %arg9[%swap3A_15, %swap3A_16] : memref<128x204xbf16, #tpu.memory_space<vmem>>, vector<128x204xbf16>
    tpu.vector_store %arg9[%swap3A_15, %swap3A_16], %convert_element_type3A_14 {strides = array<i32>} : memref<128x204xbf16, #tpu.memory_space<vmem>>, vector<128x204xbf16>,
    %get3A_18 = arith.constant 0 : index
    %get3A_19 = arith.constant 0 : index
    %get3A_20 = vector.load %arg4[%get3A_18, %get3A_19] : memref<1843x128xf32, #tpu.memory_space<vmem>>, vector<1843x128xf32>
    %convert_element_type3A_21 = arith.truncf %get3A_20 : vector<1843x128xf32> to vector<1843x128xbf16>
    %swap3A_22 = arith.constant 0 : index
    %swap3A_23 = arith.constant 0 : index
    %swap3A_24 = vector.load %arg10[%swap3A_22, %swap3A_23] : memref<1843x128xbf16, #tpu.memory_space<vmem>>, vector<1843x128xbf16>
    tpu.vector_store %arg10[%swap3A_22, %swap3A_23], %convert_element_type3A_21 {strides = array<i32>} : memref<1843x128xbf16, #tpu.memory_space<vmem>>, vector<1843x128xbf16>,
    %get3A_25 = arith.constant 0 : index
    %get3A_26 = arith.constant 0 : index
    %get3A_27 = vector.load %arg5[%get3A_25, %get3A_26] : memref<1433x128xf32, #tpu.memory_space<vmem>>, vector<1433x128xf32>
    %convert_element_type3A_28 = arith.truncf %get3A_27 : vector<1433x128xf32> to vector<1433x128xbf16>
    %swap3A_29 = arith.constant 0 : index
    %swap3A_30 = arith.constant 0 : index
    %swap3A_31 = vector.load %arg11[%swap3A_29, %swap3A_30] : memref<1433x128xbf16, #tpu.memory_space<vmem>>, vector<1433x128xbf16>
    tpu.vector_store %arg11[%swap3A_29, %swap3A_30], %convert_element_type3A_28 {strides = array<i32>} : memref<1433x128xbf16, #tpu.memory_space<vmem>>, vector<1433x128xbf16>,
    %get3A_32 = arith.constant 0 : index
    %get3A_33 = arith.constant 0 : index
    %get3A_34 = vector.load %arg6[%get3A_32, %get3A_33] : memref<204x128xf32, #tpu.memory_space<vmem>>, vector<204x128xf32>
    %convert_element_type3A_35 = arith.truncf %get3A_34 : vector<204x128xf32> to vector<204x128xbf16>
    %swap3A_36 = arith.constant 0 : index
    %swap3A_37 = arith.constant 0 : index
    %swap3A_38 = vector.load %arg12[%swap3A_36, %swap3A_37] : memref<204x128xbf16, #tpu.memory_space<vmem>>, vector<204x128xbf16>
    tpu.vector_store %arg12[%swap3A_36, %swap3A_37], %convert_element_type3A_35 {strides = array<i32>} : memref<204x128xbf16, #tpu.memory_space<vmem>>, vector<204x128xbf16>,
    return
  }
  func.func @transform_0(%arg0: i32) -> (i32, i32) {
    %c0_i32 = arith.constant 0 : i32
    %c0_i32_0 = arith.constant 0 : i32
    return %arg0, %c0_i32 : i32, i32
  }
  func.func @transform_1(%arg0: i32) -> (i32, i32) {
    %c0_i32 = arith.constant 0 : i32
    %c0_i32_0 = arith.constant 0 : i32
    return %arg0, %c0_i32 : i32, i32
  }
  func.func @transform_2(%arg0: i32) -> (i32, i32) {
    %c0_i32 = arith.constant 0 : i32
    %c0_i32_0 = arith.constant 0 : i32
    return %arg0, %c0_i32 : i32, i32
  }
  func.func @transform_3(%arg0: i32) -> (i32, i32) {
    %c0_i32 = arith.constant 0 : i32
    %c0_i32_0 = arith.constant 0 : i32
    return %c0_i32, %arg0 : i32, i32
  }
  func.func @transform_4(%arg0: i32) -> (i32, i32) {
    %c0_i32 = arith.constant 0 : i32
    %c0_i32_0 = arith.constant 0 : i32
    return %c0_i32, %arg0 : i32, i32
  }
  func.func @transform_5(%arg0: i32) -> (i32, i32) {
    %c0_i32 = arith.constant 0 : i32
    %c0_i32_0 = arith.constant 0 : i32
    return %c0_i32, %arg0 : i32, i32
  }
  func.func @transform_6(%arg0: i32) -> (i32, i32) {
    %c0_i32 = arith.constant 0 : i32
    %c0_i32_0 = arith.constant 0 : i32
    return %arg0, %c0_i32 : i32, i32
  }
  func.func @transform_7(%arg0: i32) -> (i32, i32) {
    %c0_i32 = arith.constant 0 : i32
    %c0_i32_0 = arith.constant 0 : i32
    return %arg0, %c0_i32 : i32, i32
  }
  func.func @transform_8(%arg0: i32) -> (i32, i32) {
    %c0_i32 = arith.constant 0 : i32
    %c0_i32_0 = arith.constant 0 : i32
    return %arg0, %c0_i32 : i32, i32
  }
  func.func @transform_9(%arg0: i32) -> (i32, i32) {
    %c0_i32 = arith.constant 0 : i32
    %c0_i32_0 = arith.constant 0 : i32
    return %c0_i32, %arg0 : i32, i32
  }
  func.func @transform_10(%arg0: i32) -> (i32, i32) {
    %c0_i32 = arith.constant 0 : i32
    %c0_i32_0 = arith.constant 0 : i32
    return %c0_i32, %arg0 : i32, i32
  }
  func.func @transform_11(%arg0: i32) -> (i32, i32) {
    %c0_i32 = arith.constant 0 : i32
    %c0_i32_0 = arith.constant 0 : i32
    return %c0_i32, %arg0 : i32, i32
  }
}

module attributes {stable_mosaic.version = 14 : i64} {
  func.func @_branch_body(%arg0: i32, %arg1: memref<128xi32, #tpu.memory_space<smem>>, %arg2: memref<256x2048xf32, #tpu.memory_space<vmem>>, %arg3: memref<2048x1843xbf16, #tpu.memory_space<vmem>>, %arg4: memref<1x1843xf32, #tpu.memory_space<vmem>>, %arg5: memref<1843x2048xbf16, #tpu.memory_space<vmem>>, %arg6: memref<1x2048xf32, #tpu.memory_space<vmem>>, %arg7: memref<1x2048xf32, #tpu.memory_space<vmem>>, %arg8: memref<1x2048xf32, #tpu.memory_space<vmem>>, %arg9: memref<256x2048xf32, #tpu.memory_space<vmem>>) attributes {dimension_semantics = [#tpu.dimension_semantics<arbitrary>], iteration_bounds = array<i64: 16>, scalar_prefetch = 1 : i64, scratch_operands = 0 : i64, tpu.core_type = #tpu.core_type<tc>, window_params = [{transform_indices = @transform_0, window_bounds = array<i64: 256, 2048>}, {pipeline_mode = #tpu.pipeline_mode<synchronous>, transform_indices = @transform_1, window_bounds = array<i64: 2048, 1843>}, {pipeline_mode = #tpu.pipeline_mode<synchronous>, transform_indices = @transform_2, window_bounds = array<i64: 1, 1843>}, {pipeline_mode = #tpu.pipeline_mode<synchronous>, transform_indices = @transform_3, window_bounds = array<i64: 1843, 2048>}, {pipeline_mode = #tpu.pipeline_mode<synchronous>, transform_indices = @transform_4, window_bounds = array<i64: 1, 2048>}, {pipeline_mode = #tpu.pipeline_mode<synchronous>, transform_indices = @transform_5, window_bounds = array<i64: 1, 2048>}, {pipeline_mode = #tpu.pipeline_mode<synchronous>, transform_indices = @transform_6, window_bounds = array<i64: 1, 2048>}, {transform_indices = @transform_7, window_bounds = array<i64: 256, 2048>}]} {
    %get3A = arith.constant 0 : index
    %get3A_0 = memref.load %arg1[%get3A] : memref<128xi32, #tpu.memory_space<smem>>
    %lt3A = arith.cmpi slt, %arg0, %get3A_0 : i32
    %convert_element_type3A = arith.extui %lt3A : i1 to i32
    %cond3A = arith.constant 0 : i32
    %cond3A_1 = arith.cmpi ne, %convert_element_type3A, %cond3A : i32
    scf.if %cond3A_1 {
      %get3A_2 = arith.constant 0 : index
      %get3A_3 = arith.constant 0 : index
      %get3A_4 = vector.load %arg2[%get3A_2, %get3A_3] : memref<256x2048xf32, #tpu.memory_space<vmem>>, vector<256x2048xf32>
      %convert_element_type3A_5 = arith.truncf %get3A_4 : vector<256x2048xf32> to vector<256x2048xbf16>
      %get3A_6 = arith.constant 0 : index
      %get3A_7 = arith.constant 0 : index
      %get3A_8 = vector.load %arg3[%get3A_6, %get3A_7] : memref<2048x1843xbf16, #tpu.memory_space<vmem>>, vector<2048x1843xbf16>
      %dot_general3A = arith.constant dense<0.000000e+00> : vector<256x1843xf32>
      %dot_general3A_9 = tpu.matmul %convert_element_type3A_5, %get3A_8, %dot_general3A {dimension_numbers = #tpu.dot_dimension_numbers<[1], [0], [0], [1], [0, 0, 1, 1], [], []>, transpose_lhs_hint = false} : vector<256x2048xbf16>, vector<2048x1843xbf16>, vector<256x1843xf32> -> vector<256x1843xf32>
      %get3A_10 = arith.constant 0 : index
      %get3A_11 = arith.constant 0 : index
      %get3A_12 = vector.load %arg4[%get3A_10, %get3A_11] : memref<1x1843xf32, #tpu.memory_space<vmem>>, vector<1x1843xf32>
      %add3A = vector.broadcast %get3A_12 : vector<1x1843xf32> to vector<256x1843xf32>
      %add3A_13 = arith.addf %dot_general3A_9, %add3A : vector<256x1843xf32>
      %convert_element_type3A_14 = arith.truncf %add3A_13 : vector<256x1843xf32> to vector<256x1843xbf16>
      %get3A_15 = arith.constant 0 : index
      %get3A_16 = arith.constant 0 : index
      %get3A_17 = vector.load %arg5[%get3A_15, %get3A_16] : memref<1843x2048xbf16, #tpu.memory_space<vmem>>, vector<1843x2048xbf16>
      %dot_general3A_18 = arith.constant dense<0.000000e+00> : vector<256x2048xf32>
      %dot_general3A_19 = tpu.matmul %convert_element_type3A_14, %get3A_17, %dot_general3A_18 {dimension_numbers = #tpu.dot_dimension_numbers<[1], [0], [0], [1], [0, 0, 1, 1], [], []>, transpose_lhs_hint = false} : vector<256x1843xbf16>, vector<1843x2048xbf16>, vector<256x2048xf32> -> vector<256x2048xf32>
      %get3A_20 = arith.constant 0 : index
      %get3A_21 = arith.constant 0 : index
      %get3A_22 = vector.load %arg6[%get3A_20, %get3A_21] : memref<1x2048xf32, #tpu.memory_space<vmem>>, vector<1x2048xf32>
      %add3A_23 = vector.broadcast %get3A_22 : vector<1x2048xf32> to vector<256x2048xf32>
      %add3A_24 = arith.addf %dot_general3A_19, %add3A_23 : vector<256x2048xf32>
      %reduce_sum3A = arith.constant dense<0.000000e+00> : vector<256xf32>
      %reduce_sum3A_25 = vector.multi_reduction <add>, %add3A_24, %reduce_sum3A [1] : vector<256x2048xf32> to vector<256xf32>
      %broadcast_in_dim3A = vector.shape_cast %reduce_sum3A_25 : vector<256xf32> to vector<256x1xf32>
      %div3A = arith.constant 2.048000e+03 : f32
      %div3A_26 = vector.broadcast %div3A : f32 to vector<256x1xf32>
      %div3A_27 = arith.divf %broadcast_in_dim3A, %div3A_26 : vector<256x1xf32>
      %sub3A = vector.broadcast %div3A_27 : vector<256x1xf32> to vector<256x2048xf32>
      %sub3A_28 = arith.subf %add3A_24, %sub3A : vector<256x2048xf32>
      %mul3A = arith.mulf %sub3A_28, %sub3A_28 : vector<256x2048xf32>
      %reduce_sum3A_29 = arith.constant dense<0.000000e+00> : vector<256xf32>
      %reduce_sum3A_30 = vector.multi_reduction <add>, %mul3A, %reduce_sum3A_29 [1] : vector<256x2048xf32> to vector<256xf32>
      %broadcast_in_dim3A_31 = vector.shape_cast %reduce_sum3A_30 : vector<256xf32> to vector<256x1xf32>
      %div3A_32 = arith.constant 2.048000e+03 : f32
      %div3A_33 = vector.broadcast %div3A_32 : f32 to vector<256x1xf32>
      %div3A_34 = arith.divf %broadcast_in_dim3A_31, %div3A_33 : vector<256x1xf32>
      %add3A_35 = arith.constant 9.99999974E-6 : f32
      %add3A_36 = vector.broadcast %add3A_35 : f32 to vector<256x1xf32>
      %add3A_37 = arith.addf %div3A_34, %add3A_36 : vector<256x1xf32>
      %rsqrt3A = math.rsqrt %add3A_37 : vector<256x1xf32>
      %mul3A_38 = vector.broadcast %rsqrt3A : vector<256x1xf32> to vector<256x2048xf32>
      %mul3A_39 = arith.mulf %sub3A_28, %mul3A_38 : vector<256x2048xf32>
      %get3A_40 = arith.constant 0 : index
      %get3A_41 = arith.constant 0 : index
      %get3A_42 = vector.load %arg7[%get3A_40, %get3A_41] : memref<1x2048xf32, #tpu.memory_space<vmem>>, vector<1x2048xf32>
      %mul3A_43 = vector.broadcast %get3A_42 : vector<1x2048xf32> to vector<256x2048xf32>
      %mul3A_44 = arith.mulf %mul3A_39, %mul3A_43 : vector<256x2048xf32>
      %get3A_45 = arith.constant 0 : index
      %get3A_46 = arith.constant 0 : index
      %get3A_47 = vector.load %arg8[%get3A_45, %get3A_46] : memref<1x2048xf32, #tpu.memory_space<vmem>>, vector<1x2048xf32>
      %add3A_48 = vector.broadcast %get3A_47 : vector<1x2048xf32> to vector<256x2048xf32>
      %add3A_49 = arith.addf %mul3A_44, %add3A_48 : vector<256x2048xf32>
      %swap3A = arith.constant 0 : index
      %swap3A_50 = arith.constant 0 : index
      %swap3A_51 = vector.load %arg9[%swap3A, %swap3A_50] : memref<256x2048xf32, #tpu.memory_space<vmem>>, vector<256x2048xf32>
      tpu.vector_store %arg9[%swap3A, %swap3A_50], %add3A_49 {strides = array<i32>} : memref<256x2048xf32, #tpu.memory_space<vmem>>, vector<256x2048xf32>,
    } else {
    }
    return
  }
  func.func @transform_0(%arg0: i32, %arg1: memref<128xi32, #tpu.memory_space<smem>>) -> (i32, i32) {
    %get3A = arith.constant 3 : index
    %get3A_0 = memref.load %arg1[%get3A] : memref<128xi32, #tpu.memory_space<smem>>
    %get3A_1 = arith.constant 0 : index
    %get3A_2 = memref.load %arg1[%get3A_1] : memref<128xi32, #tpu.memory_space<smem>>
    %sub3A = arith.constant 1 : i32
    %sub3A_3 = arith.subi %get3A_2, %sub3A : i32
    %min3A = arith.minsi %arg0, %sub3A_3 : i32
    %max3A = arith.constant 0 : i32
    %max3A_4 = arith.maxsi %min3A, %max3A : i32
    %add3A = arith.addi %get3A_0, %max3A_4 : i32
    %c0_i32 = arith.constant 0 : i32
    %c0_i32_5 = arith.constant 0 : i32
    return %add3A, %c0_i32 : i32, i32
  }
  func.func @transform_1(%arg0: i32, %arg1: memref<128xi32, #tpu.memory_space<smem>>) -> (i32, i32) {
    %c0_i32 = arith.constant 0 : i32
    %c0_i32_0 = arith.constant 0 : i32
    %c0_i32_1 = arith.constant 0 : i32
    return %c0_i32, %c0_i32_0 : i32, i32
  }
  func.func @transform_2(%arg0: i32, %arg1: memref<128xi32, #tpu.memory_space<smem>>) -> (i32, i32) {
    %c0_i32 = arith.constant 0 : i32
    %c0_i32_0 = arith.constant 0 : i32
    %c0_i32_1 = arith.constant 0 : i32
    return %c0_i32, %c0_i32_0 : i32, i32
  }
  func.func @transform_3(%arg0: i32, %arg1: memref<128xi32, #tpu.memory_space<smem>>) -> (i32, i32) {
    %c0_i32 = arith.constant 0 : i32
    %c0_i32_0 = arith.constant 0 : i32
    %c0_i32_1 = arith.constant 0 : i32
    return %c0_i32, %c0_i32_0 : i32, i32
  }
  func.func @transform_4(%arg0: i32, %arg1: memref<128xi32, #tpu.memory_space<smem>>) -> (i32, i32) {
    %c0_i32 = arith.constant 0 : i32
    %c0_i32_0 = arith.constant 0 : i32
    %c0_i32_1 = arith.constant 0 : i32
    return %c0_i32, %c0_i32_0 : i32, i32
  }
  func.func @transform_5(%arg0: i32, %arg1: memref<128xi32, #tpu.memory_space<smem>>) -> (i32, i32) {
    %c0_i32 = arith.constant 0 : i32
    %c0_i32_0 = arith.constant 0 : i32
    %c0_i32_1 = arith.constant 0 : i32
    return %c0_i32, %c0_i32_0 : i32, i32
  }
  func.func @transform_6(%arg0: i32, %arg1: memref<128xi32, #tpu.memory_space<smem>>) -> (i32, i32) {
    %c0_i32 = arith.constant 0 : i32
    %c0_i32_0 = arith.constant 0 : i32
    %c0_i32_1 = arith.constant 0 : i32
    return %c0_i32, %c0_i32_0 : i32, i32
  }
  func.func @transform_7(%arg0: i32, %arg1: memref<128xi32, #tpu.memory_space<smem>>) -> (i32, i32) {
    %get3A = arith.constant 3 : index
    %get3A_0 = memref.load %arg1[%get3A] : memref<128xi32, #tpu.memory_space<smem>>
    %get3A_1 = arith.constant 0 : index
    %get3A_2 = memref.load %arg1[%get3A_1] : memref<128xi32, #tpu.memory_space<smem>>
    %sub3A = arith.constant 1 : i32
    %sub3A_3 = arith.subi %get3A_2, %sub3A : i32
    %min3A = arith.minsi %arg0, %sub3A_3 : i32
    %max3A = arith.constant 0 : i32
    %max3A_4 = arith.maxsi %min3A, %max3A : i32
    %add3A = arith.addi %get3A_0, %max3A_4 : i32
    %c0_i32 = arith.constant 0 : i32
    %c0_i32_5 = arith.constant 0 : i32
    return %add3A, %c0_i32 : i32, i32
  }
}

module attributes {stable_mosaic.version = 14 : i64} {
  func.func @_branch_body(%arg0: i32, %arg1: memref<128xi32, #tpu.memory_space<smem>>, %arg2: memref<256x2048xf32, #tpu.memory_space<vmem>>, %arg3: memref<2048x1433xbf16, #tpu.memory_space<vmem>>, %arg4: memref<1x1433xf32, #tpu.memory_space<vmem>>, %arg5: memref<1433x2048xbf16, #tpu.memory_space<vmem>>, %arg6: memref<1x2048xf32, #tpu.memory_space<vmem>>, %arg7: memref<1x2048xf32, #tpu.memory_space<vmem>>, %arg8: memref<1x2048xf32, #tpu.memory_space<vmem>>, %arg9: memref<4608x2048xf32, #tpu.memory_space<any>>, %arg10: memref<256x2048xf32, #tpu.memory_space<vmem>>) attributes {dimension_semantics = [#tpu.dimension_semantics<arbitrary>], iteration_bounds = array<i64: 16>, scalar_prefetch = 1 : i64, scratch_operands = 0 : i64, tpu.core_type = #tpu.core_type<tc>, window_params = [{transform_indices = @transform_0, window_bounds = array<i64: 256, 2048>}, {pipeline_mode = #tpu.pipeline_mode<synchronous>, transform_indices = @transform_1, window_bounds = array<i64: 2048, 1433>}, {pipeline_mode = #tpu.pipeline_mode<synchronous>, transform_indices = @transform_2, window_bounds = array<i64: 1, 1433>}, {pipeline_mode = #tpu.pipeline_mode<synchronous>, transform_indices = @transform_3, window_bounds = array<i64: 1433, 2048>}, {pipeline_mode = #tpu.pipeline_mode<synchronous>, transform_indices = @transform_4, window_bounds = array<i64: 1, 2048>}, {pipeline_mode = #tpu.pipeline_mode<synchronous>, transform_indices = @transform_5, window_bounds = array<i64: 1, 2048>}, {pipeline_mode = #tpu.pipeline_mode<synchronous>, transform_indices = @transform_6, window_bounds = array<i64: 1, 2048>}, {}, {transform_indices = @transform_8, window_bounds = array<i64: 256, 2048>}]} {
    %get3A = arith.constant 1 : index
    %get3A_0 = memref.load %arg1[%get3A] : memref<128xi32, #tpu.memory_space<smem>>
    %lt3A = arith.cmpi slt, %arg0, %get3A_0 : i32
    %convert_element_type3A = arith.extui %lt3A : i1 to i32
    %cond3A = arith.constant 0 : i32
    %cond3A_1 = arith.cmpi ne, %convert_element_type3A, %cond3A : i32
    scf.if %cond3A_1 {
      %get3A_2 = arith.constant 0 : index
      %get3A_3 = arith.constant 0 : index
      %get3A_4 = vector.load %arg2[%get3A_2, %get3A_3] : memref<256x2048xf32, #tpu.memory_space<vmem>>, vector<256x2048xf32>
      %convert_element_type3A_5 = arith.truncf %get3A_4 : vector<256x2048xf32> to vector<256x2048xbf16>
      %get3A_6 = arith.constant 0 : index
      %get3A_7 = arith.constant 0 : index
      %get3A_8 = vector.load %arg3[%get3A_6, %get3A_7] : memref<2048x1433xbf16, #tpu.memory_space<vmem>>, vector<2048x1433xbf16>
      %dot_general3A = arith.constant dense<0.000000e+00> : vector<256x1433xf32>
      %dot_general3A_9 = tpu.matmul %convert_element_type3A_5, %get3A_8, %dot_general3A {dimension_numbers = #tpu.dot_dimension_numbers<[1], [0], [0], [1], [0, 0, 1, 1], [], []>, transpose_lhs_hint = false} : vector<256x2048xbf16>, vector<2048x1433xbf16>, vector<256x1433xf32> -> vector<256x1433xf32>
      %get3A_10 = arith.constant 0 : index
      %get3A_11 = arith.constant 0 : index
      %get3A_12 = vector.load %arg4[%get3A_10, %get3A_11] : memref<1x1433xf32, #tpu.memory_space<vmem>>, vector<1x1433xf32>
      %add3A = vector.broadcast %get3A_12 : vector<1x1433xf32> to vector<256x1433xf32>
      %add3A_13 = arith.addf %dot_general3A_9, %add3A : vector<256x1433xf32>
      %convert_element_type3A_14 = arith.truncf %add3A_13 : vector<256x1433xf32> to vector<256x1433xbf16>
      %get3A_15 = arith.constant 0 : index
      %get3A_16 = arith.constant 0 : index
      %get3A_17 = vector.load %arg5[%get3A_15, %get3A_16] : memref<1433x2048xbf16, #tpu.memory_space<vmem>>, vector<1433x2048xbf16>
      %dot_general3A_18 = arith.constant dense<0.000000e+00> : vector<256x2048xf32>
      %dot_general3A_19 = tpu.matmul %convert_element_type3A_14, %get3A_17, %dot_general3A_18 {dimension_numbers = #tpu.dot_dimension_numbers<[1], [0], [0], [1], [0, 0, 1, 1], [], []>, transpose_lhs_hint = false} : vector<256x1433xbf16>, vector<1433x2048xbf16>, vector<256x2048xf32> -> vector<256x2048xf32>
      %get3A_20 = arith.constant 0 : index
      %get3A_21 = arith.constant 0 : index
      %get3A_22 = vector.load %arg6[%get3A_20, %get3A_21] : memref<1x2048xf32, #tpu.memory_space<vmem>>, vector<1x2048xf32>
      %add3A_23 = vector.broadcast %get3A_22 : vector<1x2048xf32> to vector<256x2048xf32>
      %add3A_24 = arith.addf %dot_general3A_19, %add3A_23 : vector<256x2048xf32>
      %reduce_sum3A = arith.constant dense<0.000000e+00> : vector<256xf32>
      %reduce_sum3A_25 = vector.multi_reduction <add>, %add3A_24, %reduce_sum3A [1] : vector<256x2048xf32> to vector<256xf32>
      %broadcast_in_dim3A = vector.shape_cast %reduce_sum3A_25 : vector<256xf32> to vector<256x1xf32>
      %div3A = arith.constant 2.048000e+03 : f32
      %div3A_26 = vector.broadcast %div3A : f32 to vector<256x1xf32>
      %div3A_27 = arith.divf %broadcast_in_dim3A, %div3A_26 : vector<256x1xf32>
      %sub3A = vector.broadcast %div3A_27 : vector<256x1xf32> to vector<256x2048xf32>
      %sub3A_28 = arith.subf %add3A_24, %sub3A : vector<256x2048xf32>
      %mul3A = arith.mulf %sub3A_28, %sub3A_28 : vector<256x2048xf32>
      %reduce_sum3A_29 = arith.constant dense<0.000000e+00> : vector<256xf32>
      %reduce_sum3A_30 = vector.multi_reduction <add>, %mul3A, %reduce_sum3A_29 [1] : vector<256x2048xf32> to vector<256xf32>
      %broadcast_in_dim3A_31 = vector.shape_cast %reduce_sum3A_30 : vector<256xf32> to vector<256x1xf32>
      %div3A_32 = arith.constant 2.048000e+03 : f32
      %div3A_33 = vector.broadcast %div3A_32 : f32 to vector<256x1xf32>
      %div3A_34 = arith.divf %broadcast_in_dim3A_31, %div3A_33 : vector<256x1xf32>
      %add3A_35 = arith.constant 9.99999974E-6 : f32
      %add3A_36 = vector.broadcast %add3A_35 : f32 to vector<256x1xf32>
      %add3A_37 = arith.addf %div3A_34, %add3A_36 : vector<256x1xf32>
      %rsqrt3A = math.rsqrt %add3A_37 : vector<256x1xf32>
      %mul3A_38 = vector.broadcast %rsqrt3A : vector<256x1xf32> to vector<256x2048xf32>
      %mul3A_39 = arith.mulf %sub3A_28, %mul3A_38 : vector<256x2048xf32>
      %get3A_40 = arith.constant 0 : index
      %get3A_41 = arith.constant 0 : index
      %get3A_42 = vector.load %arg7[%get3A_40, %get3A_41] : memref<1x2048xf32, #tpu.memory_space<vmem>>, vector<1x2048xf32>
      %mul3A_43 = vector.broadcast %get3A_42 : vector<1x2048xf32> to vector<256x2048xf32>
      %mul3A_44 = arith.mulf %mul3A_39, %mul3A_43 : vector<256x2048xf32>
      %get3A_45 = arith.constant 0 : index
      %get3A_46 = arith.constant 0 : index
      %get3A_47 = vector.load %arg8[%get3A_45, %get3A_46] : memref<1x2048xf32, #tpu.memory_space<vmem>>, vector<1x2048xf32>
      %add3A_48 = vector.broadcast %get3A_47 : vector<1x2048xf32> to vector<256x2048xf32>
      %add3A_49 = arith.addf %mul3A_44, %add3A_48 : vector<256x2048xf32>
      %swap3A = arith.constant 0 : index
      %swap3A_50 = arith.constant 0 : index
      %swap3A_51 = vector.load %arg10[%swap3A, %swap3A_50] : memref<256x2048xf32, #tpu.memory_space<vmem>>, vector<256x2048xf32>
      tpu.vector_store %arg10[%swap3A, %swap3A_50], %add3A_49 {strides = array<i32>} : memref<256x2048xf32, #tpu.memory_space<vmem>>, vector<256x2048xf32>,
    } else {
    }
    return
  }
  func.func @transform_0(%arg0: i32, %arg1: memref<128xi32, #tpu.memory_space<smem>>) -> (i32, i32) {
    %get3A = arith.constant 4 : index
    %get3A_0 = memref.load %arg1[%get3A] : memref<128xi32, #tpu.memory_space<smem>>
    %get3A_1 = arith.constant 1 : index
    %get3A_2 = memref.load %arg1[%get3A_1] : memref<128xi32, #tpu.memory_space<smem>>
    %sub3A = arith.constant 1 : i32
    %sub3A_3 = arith.subi %get3A_2, %sub3A : i32
    %min3A = arith.minsi %arg0, %sub3A_3 : i32
    %max3A = arith.constant 0 : i32
    %max3A_4 = arith.maxsi %min3A, %max3A : i32
    %add3A = arith.addi %get3A_0, %max3A_4 : i32
    %c0_i32 = arith.constant 0 : i32
    %c0_i32_5 = arith.constant 0 : i32
    return %add3A, %c0_i32 : i32, i32
  }
  func.func @transform_1(%arg0: i32, %arg1: memref<128xi32, #tpu.memory_space<smem>>) -> (i32, i32) {
    %c0_i32 = arith.constant 0 : i32
    %c0_i32_0 = arith.constant 0 : i32
    %c0_i32_1 = arith.constant 0 : i32
    return %c0_i32, %c0_i32_0 : i32, i32
  }
  func.func @transform_2(%arg0: i32, %arg1: memref<128xi32, #tpu.memory_space<smem>>) -> (i32, i32) {
    %c0_i32 = arith.constant 0 : i32
    %c0_i32_0 = arith.constant 0 : i32
    %c0_i32_1 = arith.constant 0 : i32
    return %c0_i32, %c0_i32_0 : i32, i32
  }
  func.func @transform_3(%arg0: i32, %arg1: memref<128xi32, #tpu.memory_space<smem>>) -> (i32, i32) {
    %c0_i32 = arith.constant 0 : i32
    %c0_i32_0 = arith.constant 0 : i32
    %c0_i32_1 = arith.constant 0 : i32
    return %c0_i32, %c0_i32_0 : i32, i32
  }
  func.func @transform_4(%arg0: i32, %arg1: memref<128xi32, #tpu.memory_space<smem>>) -> (i32, i32) {
    %c0_i32 = arith.constant 0 : i32
    %c0_i32_0 = arith.constant 0 : i32
    %c0_i32_1 = arith.constant 0 : i32
    return %c0_i32, %c0_i32_0 : i32, i32
  }
  func.func @transform_5(%arg0: i32, %arg1: memref<128xi32, #tpu.memory_space<smem>>) -> (i32, i32) {
    %c0_i32 = arith.constant 0 : i32
    %c0_i32_0 = arith.constant 0 : i32
    %c0_i32_1 = arith.constant 0 : i32
    return %c0_i32, %c0_i32_0 : i32, i32
  }
  func.func @transform_6(%arg0: i32, %arg1: memref<128xi32, #tpu.memory_space<smem>>) -> (i32, i32) {
    %c0_i32 = arith.constant 0 : i32
    %c0_i32_0 = arith.constant 0 : i32
    %c0_i32_1 = arith.constant 0 : i32
    return %c0_i32, %c0_i32_0 : i32, i32
  }
  func.func @transform_8(%arg0: i32, %arg1: memref<128xi32, #tpu.memory_space<smem>>) -> (i32, i32) {
    %get3A = arith.constant 4 : index
    %get3A_0 = memref.load %arg1[%get3A] : memref<128xi32, #tpu.memory_space<smem>>
    %get3A_1 = arith.constant 1 : index
    %get3A_2 = memref.load %arg1[%get3A_1] : memref<128xi32, #tpu.memory_space<smem>>
    %sub3A = arith.constant 1 : i32
    %sub3A_3 = arith.subi %get3A_2, %sub3A : i32
    %min3A = arith.minsi %arg0, %sub3A_3 : i32
    %max3A = arith.constant 0 : i32
    %max3A_4 = arith.maxsi %min3A, %max3A : i32
    %add3A = arith.addi %get3A_0, %max3A_4 : i32
    %c0_i32 = arith.constant 0 : i32
    %c0_i32_5 = arith.constant 0 : i32
    return %add3A, %c0_i32 : i32, i32
  }
}

module attributes {stable_mosaic.version = 14 : i64} {
  func.func @_branch_body(%arg0: i32, %arg1: memref<128xi32, #tpu.memory_space<smem>>, %arg2: memref<256x2048xf32, #tpu.memory_space<vmem>>, %arg3: memref<2048x204xbf16, #tpu.memory_space<vmem>>, %arg4: memref<1x204xf32, #tpu.memory_space<vmem>>, %arg5: memref<204x2048xbf16, #tpu.memory_space<vmem>>, %arg6: memref<1x2048xf32, #tpu.memory_space<vmem>>, %arg7: memref<1x2048xf32, #tpu.memory_space<vmem>>, %arg8: memref<1x2048xf32, #tpu.memory_space<vmem>>, %arg9: memref<4608x2048xf32, #tpu.memory_space<any>>, %arg10: memref<256x2048xf32, #tpu.memory_space<vmem>>) attributes {dimension_semantics = [#tpu.dimension_semantics<arbitrary>], iteration_bounds = array<i64: 16>, scalar_prefetch = 1 : i64, scratch_operands = 0 : i64, tpu.core_type = #tpu.core_type<tc>, window_params = [{transform_indices = @transform_0, window_bounds = array<i64: 256, 2048>}, {pipeline_mode = #tpu.pipeline_mode<synchronous>, transform_indices = @transform_1, window_bounds = array<i64: 2048, 204>}, {pipeline_mode = #tpu.pipeline_mode<synchronous>, transform_indices = @transform_2, window_bounds = array<i64: 1, 204>}, {pipeline_mode = #tpu.pipeline_mode<synchronous>, transform_indices = @transform_3, window_bounds = array<i64: 204, 2048>}, {pipeline_mode = #tpu.pipeline_mode<synchronous>, transform_indices = @transform_4, window_bounds = array<i64: 1, 2048>}, {pipeline_mode = #tpu.pipeline_mode<synchronous>, transform_indices = @transform_5, window_bounds = array<i64: 1, 2048>}, {pipeline_mode = #tpu.pipeline_mode<synchronous>, transform_indices = @transform_6, window_bounds = array<i64: 1, 2048>}, {}, {transform_indices = @transform_8, window_bounds = array<i64: 256, 2048>}]} {
    %get3A = arith.constant 2 : index
    %get3A_0 = memref.load %arg1[%get3A] : memref<128xi32, #tpu.memory_space<smem>>
    %lt3A = arith.cmpi slt, %arg0, %get3A_0 : i32
    %convert_element_type3A = arith.extui %lt3A : i1 to i32
    %cond3A = arith.constant 0 : i32
    %cond3A_1 = arith.cmpi ne, %convert_element_type3A, %cond3A : i32
    scf.if %cond3A_1 {
      %get3A_2 = arith.constant 0 : index
      %get3A_3 = arith.constant 0 : index
      %get3A_4 = vector.load %arg2[%get3A_2, %get3A_3] : memref<256x2048xf32, #tpu.memory_space<vmem>>, vector<256x2048xf32>
      %convert_element_type3A_5 = arith.truncf %get3A_4 : vector<256x2048xf32> to vector<256x2048xbf16>
      %get3A_6 = arith.constant 0 : index
      %get3A_7 = arith.constant 0 : index
      %get3A_8 = vector.load %arg3[%get3A_6, %get3A_7] : memref<2048x204xbf16, #tpu.memory_space<vmem>>, vector<2048x204xbf16>
      %dot_general3A = arith.constant dense<0.000000e+00> : vector<256x204xf32>
      %dot_general3A_9 = tpu.matmul %convert_element_type3A_5, %get3A_8, %dot_general3A {dimension_numbers = #tpu.dot_dimension_numbers<[1], [0], [0], [1], [0, 0, 1, 1], [], []>, transpose_lhs_hint = false} : vector<256x2048xbf16>, vector<2048x204xbf16>, vector<256x204xf32> -> vector<256x204xf32>
      %get3A_10 = arith.constant 0 : index
      %get3A_11 = arith.constant 0 : index
      %get3A_12 = vector.load %arg4[%get3A_10, %get3A_11] : memref<1x204xf32, #tpu.memory_space<vmem>>, vector<1x204xf32>
      %add3A = vector.broadcast %get3A_12 : vector<1x204xf32> to vector<256x204xf32>
      %add3A_13 = arith.addf %dot_general3A_9, %add3A : vector<256x204xf32>
      %convert_element_type3A_14 = arith.truncf %add3A_13 : vector<256x204xf32> to vector<256x204xbf16>
      %get3A_15 = arith.constant 0 : index
      %get3A_16 = arith.constant 0 : index
      %get3A_17 = vector.load %arg5[%get3A_15, %get3A_16] : memref<204x2048xbf16, #tpu.memory_space<vmem>>, vector<204x2048xbf16>
      %dot_general3A_18 = arith.constant dense<0.000000e+00> : vector<256x2048xf32>
      %dot_general3A_19 = tpu.matmul %convert_element_type3A_14, %get3A_17, %dot_general3A_18 {dimension_numbers = #tpu.dot_dimension_numbers<[1], [0], [0], [1], [0, 0, 1, 1], [], []>, transpose_lhs_hint = false} : vector<256x204xbf16>, vector<204x2048xbf16>, vector<256x2048xf32> -> vector<256x2048xf32>
      %get3A_20 = arith.constant 0 : index
      %get3A_21 = arith.constant 0 : index
      %get3A_22 = vector.load %arg6[%get3A_20, %get3A_21] : memref<1x2048xf32, #tpu.memory_space<vmem>>, vector<1x2048xf32>
      %add3A_23 = vector.broadcast %get3A_22 : vector<1x2048xf32> to vector<256x2048xf32>
      %add3A_24 = arith.addf %dot_general3A_19, %add3A_23 : vector<256x2048xf32>
      %reduce_sum3A = arith.constant dense<0.000000e+00> : vector<256xf32>
      %reduce_sum3A_25 = vector.multi_reduction <add>, %add3A_24, %reduce_sum3A [1] : vector<256x2048xf32> to vector<256xf32>
      %broadcast_in_dim3A = vector.shape_cast %reduce_sum3A_25 : vector<256xf32> to vector<256x1xf32>
      %div3A = arith.constant 2.048000e+03 : f32
      %div3A_26 = vector.broadcast %div3A : f32 to vector<256x1xf32>
      %div3A_27 = arith.divf %broadcast_in_dim3A, %div3A_26 : vector<256x1xf32>
      %sub3A = vector.broadcast %div3A_27 : vector<256x1xf32> to vector<256x2048xf32>
      %sub3A_28 = arith.subf %add3A_24, %sub3A : vector<256x2048xf32>
      %mul3A = arith.mulf %sub3A_28, %sub3A_28 : vector<256x2048xf32>
      %reduce_sum3A_29 = arith.constant dense<0.000000e+00> : vector<256xf32>
      %reduce_sum3A_30 = vector.multi_reduction <add>, %mul3A, %reduce_sum3A_29 [1] : vector<256x2048xf32> to vector<256xf32>
      %broadcast_in_dim3A_31 = vector.shape_cast %reduce_sum3A_30 : vector<256xf32> to vector<256x1xf32>
      %div3A_32 = arith.constant 2.048000e+03 : f32
      %div3A_33 = vector.broadcast %div3A_32 : f32 to vector<256x1xf32>
      %div3A_34 = arith.divf %broadcast_in_dim3A_31, %div3A_33 : vector<256x1xf32>
      %add3A_35 = arith.constant 9.99999974E-6 : f32
      %add3A_36 = vector.broadcast %add3A_35 : f32 to vector<256x1xf32>
      %add3A_37 = arith.addf %div3A_34, %add3A_36 : vector<256x1xf32>
      %rsqrt3A = math.rsqrt %add3A_37 : vector<256x1xf32>
      %mul3A_38 = vector.broadcast %rsqrt3A : vector<256x1xf32> to vector<256x2048xf32>
      %mul3A_39 = arith.mulf %sub3A_28, %mul3A_38 : vector<256x2048xf32>
      %get3A_40 = arith.constant 0 : index
      %get3A_41 = arith.constant 0 : index
      %get3A_42 = vector.load %arg7[%get3A_40, %get3A_41] : memref<1x2048xf32, #tpu.memory_space<vmem>>, vector<1x2048xf32>
      %mul3A_43 = vector.broadcast %get3A_42 : vector<1x2048xf32> to vector<256x2048xf32>
      %mul3A_44 = arith.mulf %mul3A_39, %mul3A_43 : vector<256x2048xf32>
      %get3A_45 = arith.constant 0 : index
      %get3A_46 = arith.constant 0 : index
      %get3A_47 = vector.load %arg8[%get3A_45, %get3A_46] : memref<1x2048xf32, #tpu.memory_space<vmem>>, vector<1x2048xf32>
      %add3A_48 = vector.broadcast %get3A_47 : vector<1x2048xf32> to vector<256x2048xf32>
      %add3A_49 = arith.addf %mul3A_44, %add3A_48 : vector<256x2048xf32>
      %swap3A = arith.constant 0 : index
      %swap3A_50 = arith.constant 0 : index
      %swap3A_51 = vector.load %arg10[%swap3A, %swap3A_50] : memref<256x2048xf32, #tpu.memory_space<vmem>>, vector<256x2048xf32>
      tpu.vector_store %arg10[%swap3A, %swap3A_50], %add3A_49 {strides = array<i32>} : memref<256x2048xf32, #tpu.memory_space<vmem>>, vector<256x2048xf32>,
    } else {
    }
    return
  }
  func.func @transform_0(%arg0: i32, %arg1: memref<128xi32, #tpu.memory_space<smem>>) -> (i32, i32) {
    %get3A = arith.constant 5 : index
    %get3A_0 = memref.load %arg1[%get3A] : memref<128xi32, #tpu.memory_space<smem>>
    %get3A_1 = arith.constant 2 : index
    %get3A_2 = memref.load %arg1[%get3A_1] : memref<128xi32, #tpu.memory_space<smem>>
    %sub3A = arith.constant 1 : i32
    %sub3A_3 = arith.subi %get3A_2, %sub3A : i32
    %min3A = arith.minsi %arg0, %sub3A_3 : i32
    %max3A = arith.constant 0 : i32
    %max3A_4 = arith.maxsi %min3A, %max3A : i32
    %add3A = arith.addi %get3A_0, %max3A_4 : i32
    %c0_i32 = arith.constant 0 : i32
    %c0_i32_5 = arith.constant 0 : i32
    return %add3A, %c0_i32 : i32, i32
  }
  func.func @transform_1(%arg0: i32, %arg1: memref<128xi32, #tpu.memory_space<smem>>) -> (i32, i32) {
    %c0_i32 = arith.constant 0 : i32
    %c0_i32_0 = arith.constant 0 : i32
    %c0_i32_1 = arith.constant 0 : i32
    return %c0_i32, %c0_i32_0 : i32, i32
  }
  func.func @transform_2(%arg0: i32, %arg1: memref<128xi32, #tpu.memory_space<smem>>) -> (i32, i32) {
    %c0_i32 = arith.constant 0 : i32
    %c0_i32_0 = arith.constant 0 : i32
    %c0_i32_1 = arith.constant 0 : i32
    return %c0_i32, %c0_i32_0 : i32, i32
  }
  func.func @transform_3(%arg0: i32, %arg1: memref<128xi32, #tpu.memory_space<smem>>) -> (i32, i32) {
    %c0_i32 = arith.constant 0 : i32
    %c0_i32_0 = arith.constant 0 : i32
    %c0_i32_1 = arith.constant 0 : i32
    return %c0_i32, %c0_i32_0 : i32, i32
  }
  func.func @transform_4(%arg0: i32, %arg1: memref<128xi32, #tpu.memory_space<smem>>) -> (i32, i32) {
    %c0_i32 = arith.constant 0 : i32
    %c0_i32_0 = arith.constant 0 : i32
    %c0_i32_1 = arith.constant 0 : i32
    return %c0_i32, %c0_i32_0 : i32, i32
  }
  func.func @transform_5(%arg0: i32, %arg1: memref<128xi32, #tpu.memory_space<smem>>) -> (i32, i32) {
    %c0_i32 = arith.constant 0 : i32
    %c0_i32_0 = arith.constant 0 : i32
    %c0_i32_1 = arith.constant 0 : i32
    return %c0_i32, %c0_i32_0 : i32, i32
  }
  func.func @transform_6(%arg0: i32, %arg1: memref<128xi32, #tpu.memory_space<smem>>) -> (i32, i32) {
    %c0_i32 = arith.constant 0 : i32
    %c0_i32_0 = arith.constant 0 : i32
    %c0_i32_1 = arith.constant 0 : i32
    return %c0_i32, %c0_i32_0 : i32, i32
  }
  func.func @transform_8(%arg0: i32, %arg1: memref<128xi32, #tpu.memory_space<smem>>) -> (i32, i32) {
    %get3A = arith.constant 5 : index
    %get3A_0 = memref.load %arg1[%get3A] : memref<128xi32, #tpu.memory_space<smem>>
    %get3A_1 = arith.constant 2 : index
    %get3A_2 = memref.load %arg1[%get3A_1] : memref<128xi32, #tpu.memory_space<smem>>
    %sub3A = arith.constant 1 : i32
    %sub3A_3 = arith.subi %get3A_2, %sub3A : i32
    %min3A = arith.minsi %arg0, %sub3A_3 : i32
    %max3A = arith.constant 0 : i32
    %max3A_4 = arith.maxsi %min3A, %max3A : i32
    %add3A = arith.addi %get3A_0, %max3A_4 : i32
    %c0_i32 = arith.constant 0 : i32
    %c0_i32_5 = arith.constant 0 : i32
    return %add3A, %c0_i32 : i32, i32
  }
}

</mosaic_0001>

<sc_bundles>
// kernel: kernel.12.cloned.1.call-start
scs
__scs_entry_jumppad:
0x0: {  	(pc) =	sbr.rel $0x88, $3  }
0x1: {  	(tag) =	ssettag $0x0;
	lr =	simm.s32 $0x1  }
0x2: {  	[smem:$0x3F91] =	sst lr;
	_ =	strace $0xD0000000  }
0x3: {  	_ = 	snop  }
0x4: {  	_ = 	snop  }
0x5: {  	_ = 	snop  }
0x6: {  	_ = 	snop  }
0x7: {  	_ = 	snop  }
__scs_overlays_trampoline_lowered:
0x8: {  	[smem:$0x3FA0] =	sst s0  }
0x9: {  	[smem:$0x3FA1] =	sst s1  }
0xa: {  	[smem:$0x3FA2] =	sst s2  }
0xb: {  	[smem:$0x3FA3] =	sst s3  }
0xc: {  	[smem:$0x3FA4] =	sst s4  }
0xd: {  	[smem:$0x3FA5] =	sst s5  }
0xe: {  	[smem:$0x3FA6] =	sst s6  }
0xf: {  	[smem:$0x3FA7] =	sst s7  }
0x10: {  	[smem:$0x3FA8] =	sst s8  }
0x11: {  	[smem:$0x3FA9] =	sst s9;
	s0 =	simm.s32 @!p0 $0x0  }
0x12: {  	s1 =	sld [smem:$0x3F8F];
	s0 =	simm.s32 @p0 $0x1  }
0x13: {  	[smem:$0x3FAA] =	sst s0;
	s0 =	simm.s32 @!p1 $0x0  }
0x14: {  	s2 =	sld [smem:$0x3F8E];
	s0 =	simm.s32 @p1 $0x1  }
0x15: {  	[smem:$0x3FAB] =	sst s0;
	s0 =	simm.s32 @!p2 $0x0  }
0x16: {  	s3 =	sld [smem:$0x3FDB];
	s0 =	simm.s32 @p2 $0x1  }
0x17: {  	s4 =	simm.s32 $0x1BF5;
	[smem:$0x3FAD] =	sst s0  }
0x18: {  	s0 =	sld [smem:$0x3F90];
	_ =	swait.ge [sflag:s4], $0x0  }
0x19: {  	s7 =	sld [smem:$0x3F91]  }
0x1a: {  	s8 =	sadd.s32 $0xFFFFE003, lr  }
0x1b: {  	s9 =	sadd.s32 $0xFFFFFEF7, lr;
	s5 =	simm.s32 $0xFFFFFFFF;
	p2 =	slt.u32 s8, $0xFFFFF086  }
0x1c: {  	p1 =	slt.u32 s9, $0xF7A;
	s5 =	simm.s32 @!p2 $0x0  }
0x1d: {  	s5 =	simm.s32 @p1 $0x1;
	p0 =	seq.s32 s7, s2  }
0x1e: {  	s7 =	smul.u32 @!p0 $0xF7A, s2;
	p2 =	seq.s32 @!p0 s5, $0x0  }
0x1f: {  	s9 =	smul.u32 $0xF7A, s1;
	s8 =	simm.s32 @!p0 $0x1BF5;
	p2 =	por !p2, p0  }
0x20: {  	[sflag:s8] =	ssyncset.s32 @!p0 $0xFFFFF086;
	s6 =	sadd.s32 @!p0 s3, s7;
	s7 =	simm.s32 @!p0 $0x108  }
0x21: {  	s3 =	sadd.s32 s3, s9;
	s6 =	sadd.s32 @!p0 $0x88, s6;
	s7 =	simm.s32 @p2 $0x1082  }
0x22: {  	[simem:s7], [sflag:s8] =	dma.local @!p0 [hbm:s6], $0xF7A  }
0x23: {  	s9 =	sor.u32 $0xD0000000, s2;
	s6 =	simm.s32 $0x108;
	_ =	swait.ge @!p0 [sflag:s8], $0x0  }
0x24: {  	s3 =	sadd.s32 $0x88, s3;
	s6 =	simm.s32 @!p1 $0x1082;
	[sflag:s4] =	ssyncset.s32 $0xFFFFF086  }
0x25: {  	[simem:s6], [sflag:s4] =	dma.local [hbm:s3], $0xF7A  }
0x26: {  	[smem:$0x3F91] =	sst s1;
	(tag) =	ssettag s2;
	_ =	strace s9  }
0x27: {  	s1 =	sld [smem:$0x3FA1]  }
0x28: {  	s2 =	sld [smem:$0x3FA2]  }
0x29: {  	s4 =	sld [smem:$0x3FA4]  }
0x2a: {  	p0 =	seq.s32 s5, $0x0;
	s5 =	sld [smem:$0x3FA5]  }
0x2b: {  	s6 =	sld [smem:$0x3FA6]  }
0x2c: {  	s7 =	sld [smem:$0x3FA7]  }
0x2d: {  	s3 =	simm.s32 $0x108;
	s8 =	sld [smem:$0x3FA8]  }
0x2e: {  	s3 =	simm.s32 @!p0 $0x1082;
	s9 =	sld [smem:$0x3FA9]  }
0x2f: {  	lr =	sadd.s32 s0, s3;
	s0 =	sld [smem:$0x3FA0]  }
0x30: {  	s3 =	sld [smem:$0x3FA3]  }
0x31: {  	[smem:$0x3FAC] =	sst s10  }
0x32: {  	s10 =	sld [smem:$0x3FAA];
	_ =	sdelay $0x3  }
0x33: {  	p0 =	seq.s32 s10, $0x1;
	s10 =	sld [smem:$0x3FAC];
	_ =	sdelay $0x3  }
0x34: {  	[smem:$0x3FAC] =	sst s10  }
0x35: {  	s10 =	sld [smem:$0x3FAB];
	_ =	sdelay $0x3  }
0x36: {  	p1 =	seq.s32 s10, $0x1;
	s10 =	sld [smem:$0x3FAC];
	_ =	sdelay $0x3  }
0x37: {  	[smem:$0x3FAC] =	sst s10  }
0x38: {  	s10 =	sld [smem:$0x3FAD]  }
0x39: {  	_ = 	snop;
	(pc) =	sbr.ind lr, $3  }
0x3a: {  	_ = 	snop  }
0x3b: {  	_ = 	snop  }
0x3c: {  	p2 =	seq.s32 s10, $0x1;
	s10 =	sld [smem:$0x3FAC]  }
0x3d: {  	_ =	shalt  }
0x3e: {  	_ =	shalt  }
0x3f: {  	_ =	shalt  }
0x40: {  	_ =	shalt  }
0x41: {  	_ =	shalt  }
0x42: {  	_ =	shalt  }
0x43: {  	_ =	shalt  }
0x44: {  	_ =	shalt  }
0x45: {  	_ =	shalt  }
0x46: {  	_ =	shalt  }
0x47: {  	_ =	shalt  }
0x48: {  	_ =	shalt  }
0x49: {  	_ =	shalt  }
0x4a: {  	_ =	shalt  }
0x4b: {  	_ =	shalt  }
0x4c: {  	_ =	shalt  }
0x4d: {  	_ =	shalt  }
0x4e: {  	_ =	shalt  }
0x4f: {  	_ =	shalt  }
0x50: {  	_ =	shalt  }
0x51: {  	_ =	shalt  }
0x52: {  	_ =	shalt  }
0x53: {  	_ =	shalt  }
0x54: {  	_ =	shalt  }
0x55: {  	_ =	shalt  }
0x56: {  	_ =	shalt  }
0x57: {  	_ =	shalt  }
0x58: {  	_ =	shalt  }
0x59: {  	_ =	shalt  }
0x5a: {  	_ =	shalt  }
0x5b: {  	_ =	shalt  }
0x5c: {  	_ =	shalt  }
0x5d: {  	_ =	shalt  }
0x5e: {  	_ =	shalt  }
0x5f: {  	_ =	shalt  }
0x60: {  	_ =	shalt  }
0x61: {  	_ =	shalt  }
0x62: {  	_ =	shalt  }
0x63: {  	_ =	shalt  }
0x64: {  	_ =	shalt  }
0x65: {  	_ =	shalt  }
0x66: {  	_ =	shalt  }
0x67: {  	_ =	shalt  }
0x68: {  	_ =	shalt  }
0x69: {  	_ =	shalt  }
0x6a: {  	_ =	shalt  }
0x6b: {  	_ =	shalt  }
0x6c: {  	_ =	shalt  }
0x6d: {  	_ =	shalt  }
0x6e: {  	_ =	shalt  }
0x6f: {  	_ =	shalt  }
0x70: {  	_ =	shalt  }
0x71: {  	_ =	shalt  }
0x72: {  	_ =	shalt  }
0x73: {  	_ =	shalt  }
0x74: {  	_ =	shalt  }
0x75: {  	_ =	shalt  }
0x76: {  	_ =	shalt  }
0x77: {  	_ =	shalt  }
0x78: {  	_ =	shalt  }
0x79: {  	_ =	shalt  }
0x7a: {  	_ =	shalt  }
0x7b: {  	_ =	shalt  }
0x7c: {  	_ =	shalt  }
0x7d: {  	_ =	shalt  }
0x7e: {  	_ =	shalt  }
0x7f: {  	_ =	shalt  }
0x80: {  	_ =	shalt  }
0x81: {  	_ =	shalt  }
0x82: {  	_ =	shalt  }
0x83: {  	_ =	shalt  }
0x84: {  	_ =	shalt  }
0x85: {  	_ =	shalt  }
0x86: {  	_ =	shalt  }
0x87: {  	_ =	shalt  }
.Lfunc_end0:
.L_simem_size_0:
called_computation.1_lowered:
.L_overlay_start_0:
0x88: {  	s2 =	sld [smem:$0x3FD9]  }
0x89: {  	s3 =	sld [smem:$0x3FFE];
	_ =	sdelay $0x1  }
0x8a: {  	s1 =	srdreg.scid  }
0x8b: {  	s0 =	sand.u32 $0x1, s1  }
0x8c: {  	s17 =	sshll.u32 s0, $0xA;
	s2 =	sadd.s32 s3, s2  }
0x8d: {  	s2 =	sadd.s32 s2, s17  }
0x8e: {  	[smem:$0x3FB8] =	sst s2  }
0x8f: {  	_ = 	snop  }
0x90: {  	s2 =	sld [smem:$0x3FD0];
	(tm) =	ssettm $0x1  }
0x91: {  	s18 =	sld [smem:$0x3FFB];
	_ =	sdelay $0x3  }
0x92: {  	_ =	strace s18  }
0x93: {  	s3 =	sld [smem:$0x3FFC];
	_ =	sdelay $0x3  }
0x94: {  	_ =	strace s3  }
0x95: {  	s3 =	sld [smem:$0x3FFD];
	_ =	sdelay $0x3  }
0x96: {  	_ =	strace s3  }
0x97: {  	_ =	strace $0x8FFFFFFF  }
0x98: {  	s19 =	sld [smem:$0x3FDB];
	_ =	sdelay $0x1  }
0x99: {  	s4 =	simm.s32 $_scs_section_size  }
0x9a: {  	s5 =	simm.s32 $_size__tile_overlayer_lowered;
	s6 =	simm.s32 $_tile_overlayer_lowered  }
0x9b: {  	s22 =	simm.s32 $0x1BFF;
	s21 =	sshll.u32 s6, $0x1;
	s3 =	sadd.s32 s4, s19  }
0x9c: {  	s7 =	simm.s32 $0x0;
	s20 =	sshll.u32 s5, $0x1;
	s5 =	sadd.s32 s21, s3  }
0x9d: {  	[timem:s7], [sflag:s22] =	dma.local [hbm:s5], s20  }
0x9e: {  	_ =	swait.ge [sflag:s22], s20  }
0x9f: {  	s4 =	ssub.s32 $0x0, s20;
	[sflag:s22] =	ssyncset.done $0x0  }
0xa0: {  	[sflag:s22] =	ssyncadd.s32 s4;
	_ =	sdelay $0x1  }
0xa1: {  	s23 =	simm.s32 $0x1B8B  }
0xa2: {  	_ =	swait.ge [sflag:s23], $0x1  }
0xa3: {  	[sflag:s23] =	ssyncset.done $0x0  }
0xa4: {  	s25 =	simm.s32 $0x1B8E;
	s24 =	sld [smem:$0x3FFE];
	[sflag:s23] =	ssyncadd.s32 $0xFFFFFFFF  }
0xa5: {  	s26 =	simm.s32 $execute0_lowered;
	[smem:$0x3FD2] =	sst s25  }
0xa6: {  	s5 =	sshll.u32 s26, $0x1;
	_ =	strace $0x80000049;
	[dreg:$0x1] =	wrdreg $0xFFFFFFFF  }
0xa7: {  	s28 =	simm.s32 $_size_execute0_lowered;
	s3 =	sadd.s32 s3, s5;
	[dreg:$0x0] =	wrdreg $0x0  }
0xa8: {  	s5 =	sshll.u32 s28, $0x1;
	[dreg:$0x2] =	wrdreg s3  }
0xa9: {  	[dreg:$0x3] =	wrdreg s5  }
0xaa: {  	[dreg:$0x4] =	wrdreg $0xC0  }
0xab: {  	_ =	task [dreg:s7], $0x5FFFF  }
0xac: {  	[dreg:$0x1] =	wrdreg $0xFFFFFFFF  }
0xad: {  	[dreg:$0x0] =	wrdreg $0x60  }
0xae: {  	[dreg:$0x2] =	wrdreg s24  }
0xaf: {  	[dreg:$0x3] =	wrdreg s2  }
0xb0: {  	[dreg:$0x4] =	wrdreg $0x9  }
0xb1: {  	_ =	task.clear_ibuf [dreg:s7], $0x5FFFF;
	_ =	strace $0x90000049  }
0xb2: {  	s29 =	simm.s32 $0x9;
	_ =	strace $0x8000004B  }
0xb3: {  	_ =	swait.ge [sflag:s29], $0x1  }
0xb4: {  	[sflag:s29] =	ssyncadd.s32 $0xFFFFFFFF  }
0xb5: {  	_ =	strace $0x9000004B  }
0xb6: {  	_ =	sfence  }
0xb7: {  	s30 =	sld [smem:$0x0];
	_ =	sdelay $0x2  }
0xb8: {  	s31 =	sshll.u32 s1, $0xD;
	s1 =	sshrl.u32 s1, $0x2  }
0xb9: {  	s3 =	sand.u32 $0x4000, s31;
	s1 =	sadd.s32 s1, s30  }
0xba: {  	s0 =	sor.u32 s3, s0;
	s1 =	sshll.u32 s1, $0x11  }
0xbb: {  	s0 =	sor.u32 s1, s0  }
0xbc: {  	s0 =	sadd.s32 $0x8F2B, s0  }
0xbd: {  	[sflag:s0] =	ssyncadd.remote.s32 $0x1  }
0xbe: {  	_ =	sfence.sel $0xFFFF  }
0xbf: {  	[dreg:$0x0] =	wrdreg $0xFFFFFFFF;
	(pc) =	sbr.abs _section_cstart, $3  }
0xc0: {  	[dreg:$0x1] =	wrdreg $0xFFFFFFFF  }
0xc1: {  	_ =	task.clear_ibuf [dreg:s7], $0x2FFFF;
	_ =	strace $0x9FFFFFFF  }
0xc2: {  	(tm) =	ssettm $0x7FFFFFFF  }
0xc3: {  	_ =	shalt  }
tec
execute0_lowered:
.L_overlay_start_1:
0x0: {  	(tag) =	ssettag $0x1  }
0x1: {  	s0 =	rddreg [dreg:$0x0]  }
0x2: {  	s1 =	rddreg [dreg:$0x1]  }
0x3: {  	s3 =	srdreg.scid;
	s2 =	simm.s32 $0x0;
	s5 =	stileid.u32  }
0x4: {  	s14 =	simm.s32 $0x80;
	s31 =	simm.s32 $0x2;
	s28 =	simm.s32 $0x3  }
0x5: {  	s29 =	simm.s32 $0x4;
	s30 =	simm.s32 $0x5;
	s4 =	sand.u32 $0x1, s3  }
0x6: {  	[smem:$0x7FF] =	sst s2;
	s19 =	sshll.u32 s5, $0x8;
	s20 =	sshll.u32 s4, $0x7  }
0x7: {  	s3 =	sadd.s32 $0x123C00, s0;
	s8 =	sadd.s32 $0x124000, s0;
	s5 =	sor.u32 s20, s19  }
0x8: {  	s9 =	sadd.s32 $0x124100, s0;
	s6 =	sshrl.u32 s5, $0x3;
	s5 =	sshll.u32 s5, $0x8  }
0x9: {  	s10 =	sadd.s32 $0x124200, s0;
	s6 =	sadd.s32 s6, s0;
	s12 =	sadd.s32 s1, s5  }
0xa: {  	_ =	strace $0x8000004A;
	s6 =	sadd.s32 $0x3A00, s6;
	[dreg:$0xb] =	wrdreg s12  }
0xb: {  	s11 =	sadd.s32 $0x124300, s0;
	s1 =	sadd.s32 $0x1000, s12;
	[dreg:$0x3] =	wrdreg s6  }
0xc: {  	s4 =	ssub.s32 $0x2, s4;
	s21 =	sadd.s32 $0x2000, s12;
	[dreg:$0x4] =	wrdreg s1  }
0xd: {  	s7 =	sshrl.u32 s4, $0x1;
	s22 =	sadd.s32 $0x3000, s12;
	[dreg:$0x5] =	wrdreg s21  }
0xe: {  	s4 =	ssub.s32 s4, s7;
	s23 =	sadd.s32 $0x4000, s12;
	[dreg:$0x6] =	wrdreg s22  }
0xf: {  	s7 =	sadd.s32 $0x123F00, s0;
	s24 =	sadd.s32 $0x5000, s12;
	[dreg:$0x7] =	wrdreg s23  }
0x10: {  	v2 =	vlaneseq.u32;
	s5 =	sadd.s32 $0x123D00, s0;
	s25 =	sadd.s32 $0x6000, s12;
	[dreg:$0x8] =	wrdreg s24  }
0x11: {  	vm0 =	vmmov $0xffff;
	v1 =	vshrl.u32 v2, $0x3;
	s26 =	sadd.s32 $0x7000, s12;
	s12 =	smax.u32 s4, $0x1;
	[dreg:$0x9] =	wrdreg s25  }
0x12: {  	v0 =	vand.u32 $0x7, v2;
	v2 =	vor.u32 $0x8, v2;
	v1 =	vmul.u32 $0x8, v1;
	s6 =	sadd.s32 $0x123E00, s0;
	[dreg:$0xa] =	wrdreg s26;
	s0 =	simm.s32 $0x8080  }
.LBB2_1:
0x13: {  	s1 =	rddreg [dreg:$0x3];
	s24 =	simm.s32 $0x1  }
0x14: {  	[tilespmem:s2], [sflag:$0x1] =	stream.linear.gather [hbm4b:s1+s2], $0x80, $0x38;
	[tilespmem:$0x10080] =	vst v63  }
0x15: {  	_ =	swait.ge [sflag:s24], $0x80  }
0x16: {  	[sflag:s24] =	ssyncset.done $0x0  }
0x17: {  	[sflag:s24] =	ssyncadd.s32 $0xFFFFFF80  }
0x18: {  	v3 =	vld [tilespmem:$0x0];
	_ =	sdelay $0x4  }
0x19: {  	v4 =	vshll.u32 v3, $0x4  }
0x1a: {  	v3 =	vand.u32 $0x7, v3;
	v4 =	vand.u32 $0xFFFFFF80, v4  }
0x1b: {  	v3 =	vor.u32 v3, v4  }
0x1c: {  	v4 =	vperm.xlane v3, v0;
	_ =	sdelay $0x1  }
0x1d: {  	v4 =	vadd.s32 v1, v4;
	_ =	sdelay $0x4  }
0x1e: {  	[tilespmem:s14], [sflag:$0x2] =	stream.indirect_vreg.gather [hbm4b:s3+s2], $0x80, v4, vm0, $0xb8;
	[tilespmem:$0x10080] =	vst v63  }
0x1f: {  	s25 =	simm.s32 $0x880  }
0x20: {  	[tilespmem:s25], [sflag:$0x2] =	stream.indirect_vreg.gather [hbm4b:s5+s2], $0x80, v4, vm0, $0xb8;
	[tilespmem:$0x10080] =	vst v63  }
0x21: {  	s26 =	simm.s32 $0x1080  }
0x22: {  	[tilespmem:s26], [sflag:$0x2] =	stream.indirect_vreg.gather [hbm4b:s6+s2], $0x80, v4, vm0, $0xb8;
	[tilespmem:$0x10080] =	vst v63  }
0x23: {  	s4 =	simm.s32 $0x1880  }
0x24: {  	[tilespmem:s4], [sflag:$0x2] =	stream.indirect_vreg.gather [hbm4b:s7+s2], $0x80, v4, vm0, $0xb8;
	[tilespmem:$0x10080] =	vst v63  }
0x25: {  	s13 =	simm.s32 $0x2080  }
0x26: {  	[tilespmem:s13], [sflag:$0x2] =	stream.indirect_vreg.gather [hbm4b:s8+s2], $0x80, v4, vm0, $0xb8;
	[tilespmem:$0x10080] =	vst v63  }
0x27: {  	s15 =	simm.s32 $0x2880;
	v3 =	vperm.xlane v3, v2  }
0x28: {  	[tilespmem:s15], [sflag:$0x2] =	stream.indirect_vreg.gather [hbm4b:s9+s2], $0x80, v4, vm0, $0xb8;
	[tilespmem:$0x10080] =	vst v63  }
0x29: {  	s19 =	simm.s32 $0x3080;
	v3 =	vadd.s32 v1, v3  }
0x2a: {  	[tilespmem:s19], [sflag:$0x2] =	stream.indirect_vreg.gather [hbm4b:s10+s2], $0x80, v4, vm0, $0xb8;
	[tilespmem:$0x10080] =	vst v63  }
0x2b: {  	s20 =	simm.s32 $0x3880  }
0x2c: {  	[tilespmem:s20], [sflag:$0x2] =	stream.indirect_vreg.gather [hbm4b:s11+s2], $0x80, v4, vm0, $0xb8;
	[tilespmem:$0x10080] =	vst v63  }
0x2d: {  	s21 =	simm.s32 $0x4080  }
0x2e: {  	[tilespmem:s21], [sflag:$0x2] =	stream.indirect_vreg.gather [hbm4b:s3+s2], $0x80, v3, vm0, $0xb8;
	[tilespmem:$0x10080] =	vst v63  }
0x2f: {  	s22 =	simm.s32 $0x4880  }
0x30: {  	[tilespmem:s22], [sflag:$0x2] =	stream.indirect_vreg.gather [hbm4b:s5+s2], $0x80, v3, vm0, $0xb8;
	[tilespmem:$0x10080] =	vst v63  }
0x31: {  	s23 =	simm.s32 $0x5080  }
0x32: {  	[tilespmem:s23], [sflag:$0x2] =	stream.indirect_vreg.gather [hbm4b:s6+s2], $0x80, v3, vm0, $0xb8;
	[tilespmem:$0x10080] =	vst v63  }
0x33: {  	s24 =	simm.s32 $0x5880  }
0x34: {  	[tilespmem:s24], [sflag:$0x2] =	stream.indirect_vreg.gather [hbm4b:s7+s2], $0x80, v3, vm0, $0xb8;
	[tilespmem:$0x10080] =	vst v63  }
0x35: {  	s25 =	simm.s32 $0x6080  }
0x36: {  	[tilespmem:s25], [sflag:$0x2] =	stream.indirect_vreg.gather [hbm4b:s8+s2], $0x80, v3, vm0, $0xb8;
	[tilespmem:$0x10080] =	vst v63  }
0x37: {  	s26 =	simm.s32 $0x6880  }
0x38: {  	[tilespmem:s26], [sflag:$0x2] =	stream.indirect_vreg.gather [hbm4b:s9+s2], $0x80, v3, vm0, $0xb8;
	[tilespmem:$0x10080] =	vst v63  }
0x39: {  	s4 =	simm.s32 $0x7080  }
0x3a: {  	[tilespmem:s4], [sflag:$0x2] =	stream.indirect_vreg.gather [hbm4b:s10+s2], $0x80, v3, vm0, $0xb8;
	[tilespmem:$0x10080] =	vst v63  }
0x3b: {  	s4 =	simm.s32 $0x7880  }
0x3c: {  	[tilespmem:s4], [sflag:$0x2] =	stream.indirect_vreg.gather [hbm4b:s11+s2], $0x80, v3, vm0, $0xb8;
	[tilespmem:$0x10080] =	vst v63  }
0x3d: {  	_ =	swait.ge [sflag:s31], $0x8000  }
0x3e: {  	[sflag:s31] =	ssyncset.done $0x0  }
0x3f: {  	s1 =	rddreg [dreg:$0xb];
	[sflag:s31] =	ssyncadd.s32 $0xFFFF8000  }
0x40: {  	[hbm4b:s1+s2] =	stream.linear.scatter [tilespmem:s14], [sflag:$0x4], $0x8000, $0x38;
	[tilespmem:$0x10080] =	vst v63  }
0x41: {  	v3 =	vld [tilespmem:$0x10];
	_ =	sdelay $0x4  }
0x42: {  	v57 =	vshll.u32 v3, $0x4  }
0x43: {  	v3 =	vand.u32 $0x7, v3;
	v4 =	vand.u32 $0xFFFFFF80, v57  }
0x44: {  	v3 =	vor.u32 v3, v4  }
0x45: {  	v4 =	vperm.xlane v3, v0;
	_ =	sdelay $0x1  }
0x46: {  	v4 =	vadd.s32 v1, v4;
	_ =	sdelay $0x4  }
0x47: {  	[tilespmem:s0], [sflag:$0x3] =	stream.indirect_vreg.gather [hbm4b:s3+s2], $0x80, v4, vm0, $0xb8;
	[tilespmem:$0x10080] =	vst v63  }
0x48: {  	s1 =	simm.s32 $0x8880  }
0x49: {  	[tilespmem:s1], [sflag:$0x3] =	stream.indirect_vreg.gather [hbm4b:s5+s2], $0x80, v4, vm0, $0xb8;
	[tilespmem:$0x10080] =	vst v63  }
0x4a: {  	s1 =	simm.s32 $0x9080  }
0x4b: {  	[tilespmem:s1], [sflag:$0x3] =	stream.indirect_vreg.gather [hbm4b:s6+s2], $0x80, v4, vm0, $0xb8;
	[tilespmem:$0x10080] =	vst v63  }
0x4c: {  	s1 =	simm.s32 $0x9880  }
0x4d: {  	[tilespmem:s1], [sflag:$0x3] =	stream.indirect_vreg.gather [hbm4b:s7+s2], $0x80, v4, vm0, $0xb8;
	[tilespmem:$0x10080] =	vst v63  }
0x4e: {  	s1 =	simm.s32 $0xA080  }
0x4f: {  	[tilespmem:s1], [sflag:$0x3] =	stream.indirect_vreg.gather [hbm4b:s8+s2], $0x80, v4, vm0, $0xb8;
	[tilespmem:$0x10080] =	vst v63  }
0x50: {  	v3 =	vperm.xlane v3, v2;
	s1 =	simm.s32 $0xA880  }
0x51: {  	[tilespmem:s1], [sflag:$0x3] =	stream.indirect_vreg.gather [hbm4b:s9+s2], $0x80, v4, vm0, $0xb8;
	[tilespmem:$0x10080] =	vst v63  }
0x52: {  	v3 =	vadd.s32 v1, v3;
	s1 =	simm.s32 $0xB080  }
0x53: {  	[tilespmem:s1], [sflag:$0x3] =	stream.indirect_vreg.gather [hbm4b:s10+s2], $0x80, v4, vm0, $0xb8;
	[tilespmem:$0x10080] =	vst v63  }
0x54: {  	s1 =	simm.s32 $0xB880  }
0x55: {  	[tilespmem:s1], [sflag:$0x3] =	stream.indirect_vreg.gather [hbm4b:s11+s2], $0x80, v4, vm0, $0xb8;
	[tilespmem:$0x10080] =	vst v63  }
0x56: {  	s1 =	simm.s32 $0xC080  }
0x57: {  	[tilespmem:s1], [sflag:$0x3] =	stream.indirect_vreg.gather [hbm4b:s3+s2], $0x80, v3, vm0, $0xb8;
	[tilespmem:$0x10080] =	vst v63  }
0x58: {  	s1 =	simm.s32 $0xC880  }
0x59: {  	[tilespmem:s1], [sflag:$0x3] =	stream.indirect_vreg.gather [hbm4b:s5+s2], $0x80, v3, vm0, $0xb8;
	[tilespmem:$0x10080] =	vst v63  }
0x5a: {  	s1 =	simm.s32 $0xD080  }
0x5b: {  	[tilespmem:s1], [sflag:$0x3] =	stream.indirect_vreg.gather [hbm4b:s6+s2], $0x80, v3, vm0, $0xb8;
	[tilespmem:$0x10080] =	vst v63  }
0x5c: {  	s1 =	simm.s32 $0xD880  }
0x5d: {  	[tilespmem:s1], [sflag:$0x3] =	stream.indirect_vreg.gather [hbm4b:s7+s2], $0x80, v3, vm0, $0xb8;
	[tilespmem:$0x10080] =	vst v63  }
0x5e: {  	s1 =	simm.s32 $0xE080  }
0x5f: {  	[tilespmem:s1], [sflag:$0x3] =	stream.indirect_vreg.gather [hbm4b:s8+s2], $0x80, v3, vm0, $0xb8;
	[tilespmem:$0x10080] =	vst v63  }
0x60: {  	s1 =	simm.s32 $0xE880  }
0x61: {  	[tilespmem:s1], [sflag:$0x3] =	stream.indirect_vreg.gather [hbm4b:s9+s2], $0x80, v3, vm0, $0xb8;
	[tilespmem:$0x10080] =	vst v63  }
0x62: {  	s1 =	simm.s32 $0xF080  }
0x63: {  	[tilespmem:s1], [sflag:$0x3] =	stream.indirect_vreg.gather [hbm4b:s10+s2], $0x80, v3, vm0, $0xb8;
	[tilespmem:$0x10080] =	vst v63  }
0x64: {  	s1 =	simm.s32 $0xF880  }
0x65: {  	[tilespmem:s1], [sflag:$0x3] =	stream.indirect_vreg.gather [hbm4b:s11+s2], $0x80, v3, vm0, $0xb8;
	[tilespmem:$0x10080] =	vst v63  }
0x66: {  	_ =	swait.ge [sflag:s28], $0x8000  }
0x67: {  	[sflag:s28] =	ssyncset.done $0x0  }
0x68: {  	s1 =	rddreg [dreg:$0x4];
	[sflag:s28] =	ssyncadd.s32 $0xFFFF8000  }
0x69: {  	[hbm4b:s1+s2] =	stream.linear.scatter [tilespmem:s0], [sflag:$0x5], $0x8000, $0x38;
	[tilespmem:$0x10080] =	vst v63  }
0x6a: {  	_ =	swait.ge [sflag:s29], $0x8000  }
0x6b: {  	[sflag:s29] =	ssyncset.done $0x0  }
0x6c: {  	[sflag:s29] =	ssyncadd.s32 $0xFFFF8000  }
0x6d: {  	v3 =	vld [tilespmem:$0x20];
	_ =	sdelay $0x4  }
0x6e: {  	v58 =	vshll.u32 v3, $0x4  }
0x6f: {  	v3 =	vand.u32 $0x7, v3;
	v4 =	vand.u32 $0xFFFFFF80, v58  }
0x70: {  	v3 =	vor.u32 v3, v4  }
0x71: {  	v4 =	vperm.xlane v3, v0;
	_ =	sdelay $0x1  }
0x72: {  	v4 =	vadd.s32 v1, v4;
	_ =	sdelay $0x4  }
0x73: {  	[tilespmem:s14], [sflag:$0x2] =	stream.indirect_vreg.gather [hbm4b:s3+s2], $0x80, v4, vm0, $0xb8;
	[tilespmem:$0x10080] =	vst v63  }
0x74: {  	s17 =	simm.s32 $0x880  }
0x75: {  	[tilespmem:s17], [sflag:$0x2] =	stream.indirect_vreg.gather [hbm4b:s5+s2], $0x80, v4, vm0, $0xb8;
	[tilespmem:$0x10080] =	vst v63  }
0x76: {  	s18 =	simm.s32 $0x1080  }
0x77: {  	[tilespmem:s18], [sflag:$0x2] =	stream.indirect_vreg.gather [hbm4b:s6+s2], $0x80, v4, vm0, $0xb8;
	[tilespmem:$0x10080] =	vst v63  }
0x78: {  	s16 =	simm.s32 $0x1880  }
0x79: {  	[tilespmem:s16], [sflag:$0x2] =	stream.indirect_vreg.gather [hbm4b:s7+s2], $0x80, v4, vm0, $0xb8;
	[tilespmem:$0x10080] =	vst v63  }
0x7a: {  	s13 =	simm.s32 $0x2080  }
0x7b: {  	[tilespmem:s13], [sflag:$0x2] =	stream.indirect_vreg.gather [hbm4b:s8+s2], $0x80, v4, vm0, $0xb8;
	[tilespmem:$0x10080] =	vst v63  }
0x7c: {  	s15 =	simm.s32 $0x2880;
	v3 =	vperm.xlane v3, v2  }
0x7d: {  	[tilespmem:s15], [sflag:$0x2] =	stream.indirect_vreg.gather [hbm4b:s9+s2], $0x80, v4, vm0, $0xb8;
	[tilespmem:$0x10080] =	vst v63  }
0x7e: {  	s19 =	simm.s32 $0x3080;
	v3 =	vadd.s32 v1, v3  }
0x7f: {  	[tilespmem:s19], [sflag:$0x2] =	stream.indirect_vreg.gather [hbm4b:s10+s2], $0x80, v4, vm0, $0xb8;
	[tilespmem:$0x10080] =	vst v63  }
0x80: {  	s20 =	simm.s32 $0x3880  }
0x81: {  	[tilespmem:s20], [sflag:$0x2] =	stream.indirect_vreg.gather [hbm4b:s11+s2], $0x80, v4, vm0, $0xb8;
	[tilespmem:$0x10080] =	vst v63  }
0x82: {  	s21 =	simm.s32 $0x4080  }
0x83: {  	[tilespmem:s21], [sflag:$0x2] =	stream.indirect_vreg.gather [hbm4b:s3+s2], $0x80, v3, vm0, $0xb8;
	[tilespmem:$0x10080] =	vst v63  }
0x84: {  	s22 =	simm.s32 $0x4880  }
0x85: {  	[tilespmem:s22], [sflag:$0x2] =	stream.indirect_vreg.gather [hbm4b:s5+s2], $0x80, v3, vm0, $0xb8;
	[tilespmem:$0x10080] =	vst v63  }
0x86: {  	s23 =	simm.s32 $0x5080  }
0x87: {  	[tilespmem:s23], [sflag:$0x2] =	stream.indirect_vreg.gather [hbm4b:s6+s2], $0x80, v3, vm0, $0xb8;
	[tilespmem:$0x10080] =	vst v63  }
0x88: {  	s24 =	simm.s32 $0x5880  }
0x89: {  	[tilespmem:s24], [sflag:$0x2] =	stream.indirect_vreg.gather [hbm4b:s7+s2], $0x80, v3, vm0, $0xb8;
	[tilespmem:$0x10080] =	vst v63  }
0x8a: {  	s25 =	simm.s32 $0x6080  }
0x8b: {  	[tilespmem:s25], [sflag:$0x2] =	stream.indirect_vreg.gather [hbm4b:s8+s2], $0x80, v3, vm0, $0xb8;
	[tilespmem:$0x10080] =	vst v63  }
0x8c: {  	s26 =	simm.s32 $0x6880  }
0x8d: {  	[tilespmem:s26], [sflag:$0x2] =	stream.indirect_vreg.gather [hbm4b:s9+s2], $0x80, v3, vm0, $0xb8;
	[tilespmem:$0x10080] =	vst v63  }
0x8e: {  	s20 =	simm.s32 $0x7080  }
0x8f: {  	[tilespmem:s20], [sflag:$0x2] =	stream.indirect_vreg.gather [hbm4b:s10+s2], $0x80, v3, vm0, $0xb8;
	[tilespmem:$0x10080] =	vst v63  }
0x90: {  	s4 =	simm.s32 $0x7880  }
0x91: {  	[tilespmem:s4], [sflag:$0x2] =	stream.indirect_vreg.gather [hbm4b:s11+s2], $0x80, v3, vm0, $0xb8;
	[tilespmem:$0x10080] =	vst v63  }
0x92: {  	_ =	swait.ge [sflag:s31], $0x8000  }
0x93: {  	[sflag:s31] =	ssyncset.done $0x0  }
0x94: {  	s21 =	rddreg [dreg:$0x5];
	[sflag:s31] =	ssyncadd.s32 $0xFFFF8000  }
0x95: {  	[hbm4b:s21+s2] =	stream.linear.scatter [tilespmem:s14], [sflag:$0x4], $0x8000, $0x38;
	[tilespmem:$0x10080] =	vst v63  }
0x96: {  	_ =	swait.ge [sflag:s30], $0x8000  }
0x97: {  	[sflag:s30] =	ssyncset.done $0x0  }
0x98: {  	[sflag:s30] =	ssyncadd.s32 $0xFFFF8000  }
0x99: {  	v3 =	vld [tilespmem:$0x30];
	_ =	sdelay $0x4  }
0x9a: {  	v59 =	vshll.u32 v3, $0x4  }
0x9b: {  	v3 =	vand.u32 $0x7, v3;
	v4 =	vand.u32 $0xFFFFFF80, v59  }
0x9c: {  	v3 =	vor.u32 v3, v4  }
0x9d: {  	v4 =	vperm.xlane v3, v0;
	_ =	sdelay $0x1  }
0x9e: {  	v4 =	vadd.s32 v1, v4;
	_ =	sdelay $0x4  }
0x9f: {  	[tilespmem:s0], [sflag:$0x3] =	stream.indirect_vreg.gather [hbm4b:s3+s2], $0x80, v4, vm0, $0xb8;
	[tilespmem:$0x10080] =	vst v63  }
0xa0: {  	s22 =	simm.s32 $0x8880  }
0xa1: {  	[tilespmem:s22], [sflag:$0x3] =	stream.indirect_vreg.gather [hbm4b:s5+s2], $0x80, v4, vm0, $0xb8;
	[tilespmem:$0x10080] =	vst v63  }
0xa2: {  	s23 =	simm.s32 $0x9080  }
0xa3: {  	[tilespmem:s23], [sflag:$0x3] =	stream.indirect_vreg.gather [hbm4b:s6+s2], $0x80, v4, vm0, $0xb8;
	[tilespmem:$0x10080] =	vst v63  }
0xa4: {  	s24 =	simm.s32 $0x9880  }
0xa5: {  	[tilespmem:s24], [sflag:$0x3] =	stream.indirect_vreg.gather [hbm4b:s7+s2], $0x80, v4, vm0, $0xb8;
	[tilespmem:$0x10080] =	vst v63  }
0xa6: {  	s25 =	simm.s32 $0xA080  }
0xa7: {  	[tilespmem:s25], [sflag:$0x3] =	stream.indirect_vreg.gather [hbm4b:s8+s2], $0x80, v4, vm0, $0xb8;
	[tilespmem:$0x10080] =	vst v63  }
0xa8: {  	s26 =	simm.s32 $0xA880;
	v3 =	vperm.xlane v3, v2  }
0xa9: {  	[tilespmem:s26], [sflag:$0x3] =	stream.indirect_vreg.gather [hbm4b:s9+s2], $0x80, v4, vm0, $0xb8;
	[tilespmem:$0x10080] =	vst v63  }
0xaa: {  	s15 =	simm.s32 $0xB080;
	v3 =	vadd.s32 v1, v3  }
0xab: {  	[tilespmem:s15], [sflag:$0x3] =	stream.indirect_vreg.gather [hbm4b:s10+s2], $0x80, v4, vm0, $0xb8;
	[tilespmem:$0x10080] =	vst v63  }
0xac: {  	s16 =	simm.s32 $0xB880  }
0xad: {  	[tilespmem:s16], [sflag:$0x3] =	stream.indirect_vreg.gather [hbm4b:s11+s2], $0x80, v4, vm0, $0xb8;
	[tilespmem:$0x10080] =	vst v63  }
0xae: {  	s17 =	simm.s32 $0xC080  }
0xaf: {  	[tilespmem:s17], [sflag:$0x3] =	stream.indirect_vreg.gather [hbm4b:s3+s2], $0x80, v3, vm0, $0xb8;
	[tilespmem:$0x10080] =	vst v63  }
0xb0: {  	s18 =	simm.s32 $0xC880  }
0xb1: {  	[tilespmem:s18], [sflag:$0x3] =	stream.indirect_vreg.gather [hbm4b:s5+s2], $0x80, v3, vm0, $0xb8;
	[tilespmem:$0x10080] =	vst v63  }
0xb2: {  	s19 =	simm.s32 $0xD080  }
0xb3: {  	[tilespmem:s19], [sflag:$0x3] =	stream.indirect_vreg.gather [hbm4b:s6+s2], $0x80, v3, vm0, $0xb8;
	[tilespmem:$0x10080] =	vst v63  }
0xb4: {  	s20 =	simm.s32 $0xD880  }
0xb5: {  	[tilespmem:s20], [sflag:$0x3] =	stream.indirect_vreg.gather [hbm4b:s7+s2], $0x80, v3, vm0, $0xb8;
	[tilespmem:$0x10080] =	vst v63  }
0xb6: {  	s21 =	simm.s32 $0xE080  }
0xb7: {  	[tilespmem:s21], [sflag:$0x3] =	stream.indirect_vreg.gather [hbm4b:s8+s2], $0x80, v3, vm0, $0xb8;
	[tilespmem:$0x10080] =	vst v63  }
0xb8: {  	s22 =	simm.s32 $0xE880  }
0xb9: {  	[tilespmem:s22], [sflag:$0x3] =	stream.indirect_vreg.gather [hbm4b:s9+s2], $0x80, v3, vm0, $0xb8;
	[tilespmem:$0x10080] =	vst v63  }
0xba: {  	s23 =	simm.s32 $0xF080  }
0xbb: {  	[tilespmem:s23], [sflag:$0x3] =	stream.indirect_vreg.gather [hbm4b:s10+s2], $0x80, v3, vm0, $0xb8;
	[tilespmem:$0x10080] =	vst v63  }
0xbc: {  	s26 =	simm.s32 $0xF880  }
0xbd: {  	[tilespmem:s26], [sflag:$0x3] =	stream.indirect_vreg.gather [hbm4b:s11+s2], $0x80, v3, vm0, $0xb8;
	[tilespmem:$0x10080] =	vst v63  }
0xbe: {  	_ =	swait.ge [sflag:s28], $0x8000  }
0xbf: {  	[sflag:s28] =	ssyncset.done $0x0  }
0xc0: {  	s1 =	rddreg [dreg:$0x6];
	[sflag:s28] =	ssyncadd.s32 $0xFFFF8000  }
0xc1: {  	[hbm4b:s1+s2] =	stream.linear.scatter [tilespmem:s0], [sflag:$0x5], $0x8000, $0x38;
	[tilespmem:$0x10080] =	vst v63  }
0xc2: {  	_ =	swait.ge [sflag:s29], $0x8000  }
0xc3: {  	[sflag:s29] =	ssyncset.done $0x0  }
0xc4: {  	[sflag:s29] =	ssyncadd.s32 $0xFFFF8000  }
0xc5: {  	v3 =	vld [tilespmem:$0x40];
	_ =	sdelay $0x4  }
0xc6: {  	v60 =	vshll.u32 v3, $0x4  }
0xc7: {  	v3 =	vand.u32 $0x7, v3;
	v4 =	vand.u32 $0xFFFFFF80, v60  }
0xc8: {  	v3 =	vor.u32 v3, v4  }
0xc9: {  	v4 =	vperm.xlane v3, v0;
	_ =	sdelay $0x1  }
0xca: {  	v4 =	vadd.s32 v1, v4;
	_ =	sdelay $0x4  }
0xcb: {  	[tilespmem:s14], [sflag:$0x2] =	stream.indirect_vreg.gather [hbm4b:s3+s2], $0x80, v4, vm0, $0xb8;
	[tilespmem:$0x10080] =	vst v63  }
0xcc: {  	s1 =	simm.s32 $0x880  }
0xcd: {  	[tilespmem:s1], [sflag:$0x2] =	stream.indirect_vreg.gather [hbm4b:s5+s2], $0x80, v4, vm0, $0xb8;
	[tilespmem:$0x10080] =	vst v63  }
0xce: {  	s1 =	simm.s32 $0x1080  }
0xcf: {  	[tilespmem:s1], [sflag:$0x2] =	stream.indirect_vreg.gather [hbm4b:s6+s2], $0x80, v4, vm0, $0xb8;
	[tilespmem:$0x10080] =	vst v63  }
0xd0: {  	s1 =	simm.s32 $0x1880  }
0xd1: {  	[tilespmem:s1], [sflag:$0x2] =	stream.indirect_vreg.gather [hbm4b:s7+s2], $0x80, v4, vm0, $0xb8;
	[tilespmem:$0x10080] =	vst v63  }
0xd2: {  	s1 =	simm.s32 $0x2080  }
0xd3: {  	[tilespmem:s1], [sflag:$0x2] =	stream.indirect_vreg.gather [hbm4b:s8+s2], $0x80, v4, vm0, $0xb8;
	[tilespmem:$0x10080] =	vst v63  }
0xd4: {  	v3 =	vperm.xlane v3, v2;
	s1 =	simm.s32 $0x2880  }
0xd5: {  	[tilespmem:s1], [sflag:$0x2] =	stream.indirect_vreg.gather [hbm4b:s9+s2], $0x80, v4, vm0, $0xb8;
	[tilespmem:$0x10080] =	vst v63  }
0xd6: {  	v3 =	vadd.s32 v1, v3;
	s1 =	simm.s32 $0x3080  }
0xd7: {  	[tilespmem:s1], [sflag:$0x2] =	stream.indirect_vreg.gather [hbm4b:s10+s2], $0x80, v4, vm0, $0xb8;
	[tilespmem:$0x10080] =	vst v63  }
0xd8: {  	s1 =	simm.s32 $0x3880  }
0xd9: {  	[tilespmem:s1], [sflag:$0x2] =	stream.indirect_vreg.gather [hbm4b:s11+s2], $0x80, v4, vm0, $0xb8;
	[tilespmem:$0x10080] =	vst v63  }
0xda: {  	s1 =	simm.s32 $0x4080  }
0xdb: {  	[tilespmem:s1], [sflag:$0x2] =	stream.indirect_vreg.gather [hbm4b:s3+s2], $0x80, v3, vm0, $0xb8;
	[tilespmem:$0x10080] =	vst v63  }
0xdc: {  	s1 =	simm.s32 $0x4880  }
0xdd: {  	[tilespmem:s1], [sflag:$0x2] =	stream.indirect_vreg.gather [hbm4b:s5+s2], $0x80, v3, vm0, $0xb8;
	[tilespmem:$0x10080] =	vst v63  }
0xde: {  	s1 =	simm.s32 $0x5080  }
0xdf: {  	[tilespmem:s1], [sflag:$0x2] =	stream.indirect_vreg.gather [hbm4b:s6+s2], $0x80, v3, vm0, $0xb8;
	[tilespmem:$0x10080] =	vst v63  }
0xe0: {  	s1 =	simm.s32 $0x5880  }
0xe1: {  	[tilespmem:s1], [sflag:$0x2] =	stream.indirect_vreg.gather [hbm4b:s7+s2], $0x80, v3, vm0, $0xb8;
	[tilespmem:$0x10080] =	vst v63  }
0xe2: {  	s1 =	simm.s32 $0x6080  }
0xe3: {  	[tilespmem:s1], [sflag:$0x2] =	stream.indirect_vreg.gather [hbm4b:s8+s2], $0x80, v3, vm0, $0xb8;
	[tilespmem:$0x10080] =	vst v63  }
0xe4: {  	s1 =	simm.s32 $0x6880  }
0xe5: {  	[tilespmem:s1], [sflag:$0x2] =	stream.indirect_vreg.gather [hbm4b:s9+s2], $0x80, v3, vm0, $0xb8;
	[tilespmem:$0x10080] =	vst v63  }
0xe6: {  	s1 =	simm.s32 $0x7080  }
0xe7: {  	[tilespmem:s1], [sflag:$0x2] =	stream.indirect_vreg.gather [hbm4b:s10+s2], $0x80, v3, vm0, $0xb8;
	[tilespmem:$0x10080] =	vst v63  }
0xe8: {  	s1 =	simm.s32 $0x7880  }
0xe9: {  	[tilespmem:s1], [sflag:$0x2] =	stream.indirect_vreg.gather [hbm4b:s11+s2], $0x80, v3, vm0, $0xb8;
	[tilespmem:$0x10080] =	vst v63  }
0xea: {  	_ =	swait.ge [sflag:s31], $0x8000  }
0xeb: {  	[sflag:s31] =	ssyncset.done $0x0  }
0xec: {  	s1 =	rddreg [dreg:$0x7];
	[sflag:s31] =	ssyncadd.s32 $0xFFFF8000  }
0xed: {  	[hbm4b:s1+s2] =	stream.linear.scatter [tilespmem:s14], [sflag:$0x4], $0x8000, $0x38;
	[tilespmem:$0x10080] =	vst v63  }
0xee: {  	_ =	swait.ge [sflag:s30], $0x8000  }
0xef: {  	[sflag:s30] =	ssyncset.done $0x0  }
0xf0: {  	[sflag:s30] =	ssyncadd.s32 $0xFFFF8000  }
0xf1: {  	v3 =	vld [tilespmem:$0x50];
	_ =	sdelay $0x4  }
0xf2: {  	v61 =	vshll.u32 v3, $0x4  }
0xf3: {  	v3 =	vand.u32 $0x7, v3;
	v4 =	vand.u32 $0xFFFFFF80, v61  }
0xf4: {  	v3 =	vor.u32 v3, v4  }
0xf5: {  	v4 =	vperm.xlane v3, v0;
	_ =	sdelay $0x1  }
0xf6: {  	v4 =	vadd.s32 v1, v4;
	_ =	sdelay $0x4  }
0xf7: {  	[tilespmem:s0], [sflag:$0x3] =	stream.indirect_vreg.gather [hbm4b:s3+s2], $0x80, v4, vm0, $0xb8;
	[tilespmem:$0x10080] =	vst v63  }
0xf8: {  	s13 =	simm.s32 $0x8880  }
0xf9: {  	[tilespmem:s13], [sflag:$0x3] =	stream.indirect_vreg.gather [hbm4b:s5+s2], $0x80, v4, vm0, $0xb8;
	[tilespmem:$0x10080] =	vst v63  }
0xfa: {  	s1 =	simm.s32 $0x9080  }
0xfb: {  	[tilespmem:s1], [sflag:$0x3] =	stream.indirect_vreg.gather [hbm4b:s6+s2], $0x80, v4, vm0, $0xb8;
	[tilespmem:$0x10080] =	vst v63  }
0xfc: {  	s4 =	simm.s32 $0x9880  }
0xfd: {  	[tilespmem:s4], [sflag:$0x3] =	stream.indirect_vreg.gather [hbm4b:s7+s2], $0x80, v4, vm0, $0xb8;
	[tilespmem:$0x10080] =	vst v63  }
0xfe: {  	s24 =	simm.s32 $0xA080  }
0xff: {  	[tilespmem:s24], [sflag:$0x3] =	stream.indirect_vreg.gather [hbm4b:s8+s2], $0x80, v4, vm0, $0xb8;
	[tilespmem:$0x10080] =	vst v63  }
0x100: {  	s25 =	simm.s32 $0xA880;
	v3 =	vperm.xlane v3, v2  }
0x101: {  	[tilespmem:s25], [sflag:$0x3] =	stream.indirect_vreg.gather [hbm4b:s9+s2], $0x80, v4, vm0, $0xb8;
	[tilespmem:$0x10080] =	vst v63  }
0x102: {  	s15 =	simm.s32 $0xB080;
	v3 =	vadd.s32 v1, v3  }
0x103: {  	[tilespmem:s15], [sflag:$0x3] =	stream.indirect_vreg.gather [hbm4b:s10+s2], $0x80, v4, vm0, $0xb8;
	[tilespmem:$0x10080] =	vst v63  }
0x104: {  	s16 =	simm.s32 $0xB880  }
0x105: {  	[tilespmem:s16], [sflag:$0x3] =	stream.indirect_vreg.gather [hbm4b:s11+s2], $0x80, v4, vm0, $0xb8;
	[tilespmem:$0x10080] =	vst v63  }
0x106: {  	s17 =	simm.s32 $0xC080  }
0x107: {  	[tilespmem:s17], [sflag:$0x3] =	stream.indirect_vreg.gather [hbm4b:s3+s2], $0x80, v3, vm0, $0xb8;
	[tilespmem:$0x10080] =	vst v63  }
0x108: {  	s18 =	simm.s32 $0xC880  }
0x109: {  	[tilespmem:s18], [sflag:$0x3] =	stream.indirect_vreg.gather [hbm4b:s5+s2], $0x80, v3, vm0, $0xb8;
	[tilespmem:$0x10080] =	vst v63  }
0x10a: {  	s19 =	simm.s32 $0xD080  }
0x10b: {  	[tilespmem:s19], [sflag:$0x3] =	stream.indirect_vreg.gather [hbm4b:s6+s2], $0x80, v3, vm0, $0xb8;
	[tilespmem:$0x10080] =	vst v63  }
0x10c: {  	s20 =	simm.s32 $0xD880  }
0x10d: {  	[tilespmem:s20], [sflag:$0x3] =	stream.indirect_vreg.gather [hbm4b:s7+s2], $0x80, v3, vm0, $0xb8;
	[tilespmem:$0x10080] =	vst v63  }
0x10e: {  	s21 =	simm.s32 $0xE080  }
0x10f: {  	[tilespmem:s21], [sflag:$0x3] =	stream.indirect_vreg.gather [hbm4b:s8+s2], $0x80, v3, vm0, $0xb8;
	[tilespmem:$0x10080] =	vst v63  }
0x110: {  	s22 =	simm.s32 $0xE880  }
0x111: {  	[tilespmem:s22], [sflag:$0x3] =	stream.indirect_vreg.gather [hbm4b:s9+s2], $0x80, v3, vm0, $0xb8;
	[tilespmem:$0x10080] =	vst v63  }
0x112: {  	s23 =	simm.s32 $0xF080  }
0x113: {  	[tilespmem:s23], [sflag:$0x3] =	stream.indirect_vreg.gather [hbm4b:s10+s2], $0x80, v3, vm0, $0xb8;
	[tilespmem:$0x10080] =	vst v63  }
0x114: {  	s26 =	simm.s32 $0xF880  }
0x115: {  	[tilespmem:s26], [sflag:$0x3] =	stream.indirect_vreg.gather [hbm4b:s11+s2], $0x80, v3, vm0, $0xb8;
	[tilespmem:$0x10080] =	vst v63  }
0x116: {  	_ =	swait.ge [sflag:s28], $0x8000  }
0x117: {  	[sflag:s28] =	ssyncset.done $0x0  }
0x118: {  	s1 =	rddreg [dreg:$0x8];
	[sflag:s28] =	ssyncadd.s32 $0xFFFF8000  }
0x119: {  	[hbm4b:s1+s2] =	stream.linear.scatter [tilespmem:s0], [sflag:$0x5], $0x8000, $0x38;
	[tilespmem:$0x10080] =	vst v63  }
0x11a: {  	_ =	swait.ge [sflag:s29], $0x8000  }
0x11b: {  	[sflag:s29] =	ssyncset.done $0x0  }
0x11c: {  	[sflag:s29] =	ssyncadd.s32 $0xFFFF8000  }
0x11d: {  	v3 =	vld [tilespmem:$0x60];
	_ =	sdelay $0x4  }
0x11e: {  	v62 =	vshll.u32 v3, $0x4  }
0x11f: {  	v3 =	vand.u32 $0x7, v3;
	v4 =	vand.u32 $0xFFFFFF80, v62  }
0x120: {  	v3 =	vor.u32 v3, v4  }
0x121: {  	v4 =	vperm.xlane v3, v0;
	_ =	sdelay $0x1  }
0x122: {  	v4 =	vadd.s32 v1, v4;
	_ =	sdelay $0x4  }
0x123: {  	[tilespmem:s14], [sflag:$0x2] =	stream.indirect_vreg.gather [hbm4b:s3+s2], $0x80, v4, vm0, $0xb8;
	[tilespmem:$0x10080] =	vst v63  }
0x124: {  	s1 =	simm.s32 $0x880  }
0x125: {  	[tilespmem:s1], [sflag:$0x2] =	stream.indirect_vreg.gather [hbm4b:s5+s2], $0x80, v4, vm0, $0xb8;
	[tilespmem:$0x10080] =	vst v63  }
0x126: {  	s1 =	simm.s32 $0x1080  }
0x127: {  	[tilespmem:s1], [sflag:$0x2] =	stream.indirect_vreg.gather [hbm4b:s6+s2], $0x80, v4, vm0, $0xb8;
	[tilespmem:$0x10080] =	vst v63  }
0x128: {  	s1 =	simm.s32 $0x1880  }
0x129: {  	[tilespmem:s1], [sflag:$0x2] =	stream.indirect_vreg.gather [hbm4b:s7+s2], $0x80, v4, vm0, $0xb8;
	[tilespmem:$0x10080] =	vst v63  }
0x12a: {  	s1 =	simm.s32 $0x2080  }
0x12b: {  	[tilespmem:s1], [sflag:$0x2] =	stream.indirect_vreg.gather [hbm4b:s8+s2], $0x80, v4, vm0, $0xb8;
	[tilespmem:$0x10080] =	vst v63  }
0x12c: {  	v3 =	vperm.xlane v3, v2;
	s1 =	simm.s32 $0x2880  }
0x12d: {  	[tilespmem:s1], [sflag:$0x2] =	stream.indirect_vreg.gather [hbm4b:s9+s2], $0x80, v4, vm0, $0xb8;
	[tilespmem:$0x10080] =	vst v63  }
0x12e: {  	v3 =	vadd.s32 v1, v3;
	s1 =	simm.s32 $0x3080  }
0x12f: {  	[tilespmem:s1], [sflag:$0x2] =	stream.indirect_vreg.gather [hbm4b:s10+s2], $0x80, v4, vm0, $0xb8;
	[tilespmem:$0x10080] =	vst v63  }
0x130: {  	s1 =	simm.s32 $0x3880  }
0x131: {  	[tilespmem:s1], [sflag:$0x2] =	stream.indirect_vreg.gather [hbm4b:s11+s2], $0x80, v4, vm0, $0xb8;
	[tilespmem:$0x10080] =	vst v63  }
0x132: {  	s1 =	simm.s32 $0x4080  }
0x133: {  	[tilespmem:s1], [sflag:$0x2] =	stream.indirect_vreg.gather [hbm4b:s3+s2], $0x80, v3, vm0, $0xb8;
	[tilespmem:$0x10080] =	vst v63  }
0x134: {  	s1 =	simm.s32 $0x4880  }
0x135: {  	[tilespmem:s1], [sflag:$0x2] =	stream.indirect_vreg.gather [hbm4b:s5+s2], $0x80, v3, vm0, $0xb8;
	[tilespmem:$0x10080] =	vst v63  }
0x136: {  	s1 =	simm.s32 $0x5080  }
0x137: {  	[tilespmem:s1], [sflag:$0x2] =	stream.indirect_vreg.gather [hbm4b:s6+s2], $0x80, v3, vm0, $0xb8;
	[tilespmem:$0x10080] =	vst v63  }
0x138: {  	s1 =	simm.s32 $0x5880  }
0x139: {  	[tilespmem:s1], [sflag:$0x2] =	stream.indirect_vreg.gather [hbm4b:s7+s2], $0x80, v3, vm0, $0xb8;
	[tilespmem:$0x10080] =	vst v63  }
0x13a: {  	s1 =	simm.s32 $0x6080  }
0x13b: {  	[tilespmem:s1], [sflag:$0x2] =	stream.indirect_vreg.gather [hbm4b:s8+s2], $0x80, v3, vm0, $0xb8;
	[tilespmem:$0x10080] =	vst v63  }
0x13c: {  	s1 =	simm.s32 $0x6880  }
0x13d: {  	[tilespmem:s1], [sflag:$0x2] =	stream.indirect_vreg.gather [hbm4b:s9+s2], $0x80, v3, vm0, $0xb8;
	[tilespmem:$0x10080] =	vst v63  }
0x13e: {  	s1 =	simm.s32 $0x7080  }
0x13f: {  	[tilespmem:s1], [sflag:$0x2] =	stream.indirect_vreg.gather [hbm4b:s10+s2], $0x80, v3, vm0, $0xb8;
	[tilespmem:$0x10080] =	vst v63  }
0x140: {  	s1 =	simm.s32 $0x7880  }
0x141: {  	[tilespmem:s1], [sflag:$0x2] =	stream.indirect_vreg.gather [hbm4b:s11+s2], $0x80, v3, vm0, $0xb8;
	[tilespmem:$0x10080] =	vst v63  }
0x142: {  	_ =	swait.ge [sflag:s31], $0x8000  }
0x143: {  	[sflag:s31] =	ssyncset.done $0x0  }
0x144: {  	s1 =	rddreg [dreg:$0x9];
	[sflag:s31] =	ssyncadd.s32 $0xFFFF8000  }
0x145: {  	[hbm4b:s1+s2] =	stream.linear.scatter [tilespmem:s14], [sflag:$0x4], $0x8000, $0x38;
	[tilespmem:$0x10080] =	vst v63  }
0x146: {  	_ =	swait.ge [sflag:s30], $0x8000  }
0x147: {  	[sflag:s30] =	ssyncset.done $0x0  }
0x148: {  	[sflag:s30] =	ssyncadd.s32 $0xFFFF8000  }
0x149: {  	v3 =	vld [tilespmem:$0x70];
	_ =	sdelay $0x4  }
0x14a: {  	v63 =	vshll.u32 v3, $0x4  }
0x14b: {  	v3 =	vand.u32 $0x7, v3;
	v4 =	vand.u32 $0xFFFFFF80, v63  }
0x14c: {  	v3 =	vor.u32 v3, v4  }
0x14d: {  	v4 =	vperm.xlane v3, v0;
	_ =	sdelay $0x1  }
0x14e: {  	v4 =	vadd.s32 v1, v4;
	_ =	sdelay $0x4  }
0x14f: {  	[tilespmem:s0], [sflag:$0x3] =	stream.indirect_vreg.gather [hbm4b:s3+s2], $0x80, v4, vm0, $0xb8;
	[tilespmem:$0x10080] =	vst v63  }
0x150: {  	s13 =	simm.s32 $0x8880  }
0x151: {  	[tilespmem:s13], [sflag:$0x3] =	stream.indirect_vreg.gather [hbm4b:s5+s2], $0x80, v4, vm0, $0xb8;
	[tilespmem:$0x10080] =	vst v63  }
0x152: {  	s13 =	simm.s32 $0x9080  }
0x153: {  	[tilespmem:s13], [sflag:$0x3] =	stream.indirect_vreg.gather [hbm4b:s6+s2], $0x80, v4, vm0, $0xb8;
	[tilespmem:$0x10080] =	vst v63  }
0x154: {  	s4 =	simm.s32 $0x9880  }
0x155: {  	[tilespmem:s4], [sflag:$0x3] =	stream.indirect_vreg.gather [hbm4b:s7+s2], $0x80, v4, vm0, $0xb8;
	[tilespmem:$0x10080] =	vst v63  }
0x156: {  	s24 =	simm.s32 $0xA080  }
0x157: {  	[tilespmem:s24], [sflag:$0x3] =	stream.indirect_vreg.gather [hbm4b:s8+s2], $0x80, v4, vm0, $0xb8;
	[tilespmem:$0x10080] =	vst v63  }
0x158: {  	s25 =	simm.s32 $0xA880;
	v3 =	vperm.xlane v3, v2  }
0x159: {  	[tilespmem:s25], [sflag:$0x3] =	stream.indirect_vreg.gather [hbm4b:s9+s2], $0x80, v4, vm0, $0xb8;
	[tilespmem:$0x10080] =	vst v63  }
0x15a: {  	s15 =	simm.s32 $0xB080;
	v3 =	vadd.s32 v1, v3  }
0x15b: {  	[tilespmem:s15], [sflag:$0x3] =	stream.indirect_vreg.gather [hbm4b:s10+s2], $0x80, v4, vm0, $0xb8;
	[tilespmem:$0x10080] =	vst v63  }
0x15c: {  	s16 =	simm.s32 $0xB880  }
0x15d: {  	[tilespmem:s16], [sflag:$0x3] =	stream.indirect_vreg.gather [hbm4b:s11+s2], $0x80, v4, vm0, $0xb8;
	[tilespmem:$0x10080] =	vst v63  }
0x15e: {  	s17 =	simm.s32 $0xC080  }
0x15f: {  	[tilespmem:s17], [sflag:$0x3] =	stream.indirect_vreg.gather [hbm4b:s3+s2], $0x80, v3, vm0, $0xb8;
	[tilespmem:$0x10080] =	vst v63  }
0x160: {  	s18 =	simm.s32 $0xC880  }
0x161: {  	[tilespmem:s18], [sflag:$0x3] =	stream.indirect_vreg.gather [hbm4b:s5+s2], $0x80, v3, vm0, $0xb8;
	[tilespmem:$0x10080] =	vst v63  }
0x162: {  	s19 =	simm.s32 $0xD080  }
0x163: {  	[tilespmem:s19], [sflag:$0x3] =	stream.indirect_vreg.gather [hbm4b:s6+s2], $0x80, v3, vm0, $0xb8;
	[tilespmem:$0x10080] =	vst v63  }
0x164: {  	s20 =	simm.s32 $0xD880  }
0x165: {  	[tilespmem:s20], [sflag:$0x3] =	stream.indirect_vreg.gather [hbm4b:s7+s2], $0x80, v3, vm0, $0xb8;
	[tilespmem:$0x10080] =	vst v63  }
0x166: {  	s21 =	simm.s32 $0xE080  }
0x167: {  	[tilespmem:s21], [sflag:$0x3] =	stream.indirect_vreg.gather [hbm4b:s8+s2], $0x80, v3, vm0, $0xb8;
	[tilespmem:$0x10080] =	vst v63  }
0x168: {  	s22 =	simm.s32 $0xE880  }
0x169: {  	[tilespmem:s22], [sflag:$0x3] =	stream.indirect_vreg.gather [hbm4b:s9+s2], $0x80, v3, vm0, $0xb8;
	[tilespmem:$0x10080] =	vst v63  }
0x16a: {  	s23 =	simm.s32 $0xF080  }
0x16b: {  	[tilespmem:s23], [sflag:$0x3] =	stream.indirect_vreg.gather [hbm4b:s10+s2], $0x80, v3, vm0, $0xb8;
	[tilespmem:$0x10080] =	vst v63  }
0x16c: {  	s26 =	simm.s32 $0xF880  }
0x16d: {  	[tilespmem:s26], [sflag:$0x3] =	stream.indirect_vreg.gather [hbm4b:s11+s2], $0x80, v3, vm0, $0xb8;
	[tilespmem:$0x10080] =	vst v63  }
0x16e: {  	_ =	swait.ge [sflag:s28], $0x8000  }
0x16f: {  	[sflag:s28] =	ssyncset.done $0x0  }
0x170: {  	s26 =	rddreg [dreg:$0xa];
	[sflag:s28] =	ssyncadd.s32 $0xFFFF8000  }
0x171: {  	[hbm4b:s26+s2] =	stream.linear.scatter [tilespmem:s0], [sflag:$0x5], $0x8000, $0x38;
	[tilespmem:$0x10080] =	vst v63  }
0x172: {  	p0 =	sne.s32 s12, $0x1;
	_ =	swait.ge [sflag:s29], $0x8000  }
.Ltmp0:
0x173: {  	[sflag:s29] =	ssyncset.done $0x0;
	(pc) =	sbr.rel @p0 .LBB2_1-.Ltmp0, $4  }
0x174: {  	[sflag:s29] =	ssyncadd.s32 $0xFFFF8000  }
0x175: {  	_ =	swait.ge [sflag:s30], $0x8000  }
0x176: {  	[sflag:s30] =	ssyncset.done $0x0  }
0x177: {  	s12 =	sadd.s32 $0xFFFFFFFF, s12;
	[sflag:s30] =	ssyncadd.s32 $0xFFFF8000  }
0x178: {  	_ =	sfence.sel $0x180000  }
0x179: {  	[bflag:$0x0] =	sbarrier.arrive $0xFFFF  }
0x17a: {  	_ =	strace $0x9000004A  }
0x17b: {  	s0 =	stileid.u32;
	[bflag:$0x2] =	sbarrier.arrive $0xFFFF  }
0x17c: {  	p0 =	sne.s32 s0, $0x0;
	s0 =	rddreg [dreg:$0x2]  }
0x17d: {  	s0 =	sadd.s32 @!p0 $0x100000, s0  }
0x17e: {  	[sflag:s0] =	ssyncadd.tile.s32 @!p0 $0x1;
	_ =	shalt  }
.Lfunc_end2:
_tile_overlayer_lowered:
.L_overlay_start_2:
0x17f: {  	(tag) =	ssettag $0x2  }
0x180: {  	s0 =	rddreg [dreg:$0x0];
	s2 =	stileid.u32  }
0x181: {  	s1 =	rddreg [dreg:$0x1];
	p0 =	sne.s32 s2, $0x0  }
0x182: {  	s3 =	rddreg [dreg:$0x2];
	[bflag:$0x3] =	sbarrier.arrive $0xFFFF;
	s2 =	simm.s32 @!p0 $0x1C06  }
0x183: {  	[timem:s3], [sflag:s2] =	dma.local @!p0 [hbm:s0], s1  }
0x184: {  	s0 =	simm.s32 @!p0 $0x6  }
0x185: {  	_ =	swait.ge @!p0 [sflag:s0], s1  }
0x186: {  	s1 =	ssub.s32 @!p0 $0x0, s1;
	[sflag:s0] =	ssyncset.done @!p0 $0x0  }
0x187: {  	[sflag:s0] =	ssyncadd.s32 @!p0 s1  }
0x188: {  	[bflag:$0x3] =	sbarrier.arrive $0xFFFF  }
0x189: {  	_ =	shalt  }

// kernel: kernel.9.cloned.1.call-start
scs
__scs_entry_jumppad:
0x0: {  	(pc) =	sbr.rel $0x88, $3  }
0x1: {  	(tag) =	ssettag $0x0;
	lr =	simm.s32 $0x1  }
0x2: {  	[smem:$0x3F91] =	sst lr;
	_ =	strace $0xD0000000  }
0x3: {  	_ = 	snop  }
0x4: {  	_ = 	snop  }
0x5: {  	_ = 	snop  }
0x6: {  	_ = 	snop  }
0x7: {  	_ = 	snop  }
__scs_overlays_trampoline_lowered:
0x8: {  	[smem:$0x3FA0] =	sst s0  }
0x9: {  	[smem:$0x3FA1] =	sst s1  }
0xa: {  	[smem:$0x3FA2] =	sst s2  }
0xb: {  	[smem:$0x3FA3] =	sst s3  }
0xc: {  	[smem:$0x3FA4] =	sst s4  }
0xd: {  	[smem:$0x3FA5] =	sst s5  }
0xe: {  	[smem:$0x3FA6] =	sst s6  }
0xf: {  	[smem:$0x3FA7] =	sst s7  }
0x10: {  	[smem:$0x3FA8] =	sst s8  }
0x11: {  	[smem:$0x3FA9] =	sst s9;
	s0 =	simm.s32 @!p0 $0x0  }
0x12: {  	s1 =	sld [smem:$0x3F8F];
	s0 =	simm.s32 @p0 $0x1  }
0x13: {  	[smem:$0x3FAA] =	sst s0;
	s0 =	simm.s32 @!p1 $0x0  }
0x14: {  	s2 =	sld [smem:$0x3F8E];
	s0 =	simm.s32 @p1 $0x1  }
0x15: {  	[smem:$0x3FAB] =	sst s0;
	s0 =	simm.s32 @!p2 $0x0  }
0x16: {  	s3 =	sld [smem:$0x3FDB];
	s0 =	simm.s32 @p2 $0x1  }
0x17: {  	s4 =	simm.s32 $0x1BF5;
	[smem:$0x3FAD] =	sst s0  }
0x18: {  	s0 =	sld [smem:$0x3F90];
	_ =	swait.ge [sflag:s4], $0x0  }
0x19: {  	s7 =	sld [smem:$0x3F91]  }
0x1a: {  	s8 =	sadd.s32 $0xFFFFE003, lr  }
0x1b: {  	s9 =	sadd.s32 $0xFFFFFEF7, lr;
	s5 =	simm.s32 $0xFFFFFFFF;
	p2 =	slt.u32 s8, $0xFFFFF086  }
0x1c: {  	p1 =	slt.u32 s9, $0xF7A;
	s5 =	simm.s32 @!p2 $0x0  }
0x1d: {  	s5 =	simm.s32 @p1 $0x1;
	p0 =	seq.s32 s7, s2  }
0x1e: {  	s7 =	smul.u32 @!p0 $0xF7A, s2;
	p2 =	seq.s32 @!p0 s5, $0x0  }
0x1f: {  	s9 =	smul.u32 $0xF7A, s1;
	s8 =	simm.s32 @!p0 $0x1BF5;
	p2 =	por !p2, p0  }
0x20: {  	[sflag:s8] =	ssyncset.s32 @!p0 $0xFFFFF086;
	s6 =	sadd.s32 @!p0 s3, s7;
	s7 =	simm.s32 @!p0 $0x108  }
0x21: {  	s3 =	sadd.s32 s3, s9;
	s6 =	sadd.s32 @!p0 $0x88, s6;
	s7 =	simm.s32 @p2 $0x1082  }
0x22: {  	[simem:s7], [sflag:s8] =	dma.local @!p0 [hbm:s6], $0xF7A  }
0x23: {  	s9 =	sor.u32 $0xD0000000, s2;
	s6 =	simm.s32 $0x108;
	_ =	swait.ge @!p0 [sflag:s8], $0x0  }
0x24: {  	s3 =	sadd.s32 $0x88, s3;
	s6 =	simm.s32 @!p1 $0x1082;
	[sflag:s4] =	ssyncset.s32 $0xFFFFF086  }
0x25: {  	[simem:s6], [sflag:s4] =	dma.local [hbm:s3], $0xF7A  }
0x26: {  	[smem:$0x3F91] =	sst s1;
	(tag) =	ssettag s2;
	_ =	strace s9  }
0x27: {  	s1 =	sld [smem:$0x3FA1]  }
0x28: {  	s2 =	sld [smem:$0x3FA2]  }
0x29: {  	s4 =	sld [smem:$0x3FA4]  }
0x2a: {  	p0 =	seq.s32 s5, $0x0;
	s5 =	sld [smem:$0x3FA5]  }
0x2b: {  	s6 =	sld [smem:$0x3FA6]  }
0x2c: {  	s7 =	sld [smem:$0x3FA7]  }
0x2d: {  	s3 =	simm.s32 $0x108;
	s8 =	sld [smem:$0x3FA8]  }
0x2e: {  	s3 =	simm.s32 @!p0 $0x1082;
	s9 =	sld [smem:$0x3FA9]  }
0x2f: {  	lr =	sadd.s32 s0, s3;
	s0 =	sld [smem:$0x3FA0]  }
0x30: {  	s3 =	sld [smem:$0x3FA3]  }
0x31: {  	[smem:$0x3FAC] =	sst s10  }
0x32: {  	s10 =	sld [smem:$0x3FAA];
	_ =	sdelay $0x3  }
0x33: {  	p0 =	seq.s32 s10, $0x1;
	s10 =	sld [smem:$0x3FAC];
	_ =	sdelay $0x3  }
0x34: {  	[smem:$0x3FAC] =	sst s10  }
0x35: {  	s10 =	sld [smem:$0x3FAB];
	_ =	sdelay $0x3  }
0x36: {  	p1 =	seq.s32 s10, $0x1;
	s10 =	sld [smem:$0x3FAC];
	_ =	sdelay $0x3  }
0x37: {  	[smem:$0x3FAC] =	sst s10  }
0x38: {  	s10 =	sld [smem:$0x3FAD]  }
0x39: {  	_ = 	snop;
	(pc) =	sbr.ind lr, $3  }
0x3a: {  	_ = 	snop  }
0x3b: {  	_ = 	snop  }
0x3c: {  	p2 =	seq.s32 s10, $0x1;
	s10 =	sld [smem:$0x3FAC]  }
0x3d: {  	_ =	shalt  }
0x3e: {  	_ =	shalt  }
0x3f: {  	_ =	shalt  }
0x40: {  	_ =	shalt  }
0x41: {  	_ =	shalt  }
0x42: {  	_ =	shalt  }
0x43: {  	_ =	shalt  }
0x44: {  	_ =	shalt  }
0x45: {  	_ =	shalt  }
0x46: {  	_ =	shalt  }
0x47: {  	_ =	shalt  }
0x48: {  	_ =	shalt  }
0x49: {  	_ =	shalt  }
0x4a: {  	_ =	shalt  }
0x4b: {  	_ =	shalt  }
0x4c: {  	_ =	shalt  }
0x4d: {  	_ =	shalt  }
0x4e: {  	_ =	shalt  }
0x4f: {  	_ =	shalt  }
0x50: {  	_ =	shalt  }
0x51: {  	_ =	shalt  }
0x52: {  	_ =	shalt  }
0x53: {  	_ =	shalt  }
0x54: {  	_ =	shalt  }
0x55: {  	_ =	shalt  }
0x56: {  	_ =	shalt  }
0x57: {  	_ =	shalt  }
0x58: {  	_ =	shalt  }
0x59: {  	_ =	shalt  }
0x5a: {  	_ =	shalt  }
0x5b: {  	_ =	shalt  }
0x5c: {  	_ =	shalt  }
0x5d: {  	_ =	shalt  }
0x5e: {  	_ =	shalt  }
0x5f: {  	_ =	shalt  }
0x60: {  	_ =	shalt  }
0x61: {  	_ =	shalt  }
0x62: {  	_ =	shalt  }
0x63: {  	_ =	shalt  }
0x64: {  	_ =	shalt  }
0x65: {  	_ =	shalt  }
0x66: {  	_ =	shalt  }
0x67: {  	_ =	shalt  }
0x68: {  	_ =	shalt  }
0x69: {  	_ =	shalt  }
0x6a: {  	_ =	shalt  }
0x6b: {  	_ =	shalt  }
0x6c: {  	_ =	shalt  }
0x6d: {  	_ =	shalt  }
0x6e: {  	_ =	shalt  }
0x6f: {  	_ =	shalt  }
0x70: {  	_ =	shalt  }
0x71: {  	_ =	shalt  }
0x72: {  	_ =	shalt  }
0x73: {  	_ =	shalt  }
0x74: {  	_ =	shalt  }
0x75: {  	_ =	shalt  }
0x76: {  	_ =	shalt  }
0x77: {  	_ =	shalt  }
0x78: {  	_ =	shalt  }
0x79: {  	_ =	shalt  }
0x7a: {  	_ =	shalt  }
0x7b: {  	_ =	shalt  }
0x7c: {  	_ =	shalt  }
0x7d: {  	_ =	shalt  }
0x7e: {  	_ =	shalt  }
0x7f: {  	_ =	shalt  }
0x80: {  	_ =	shalt  }
0x81: {  	_ =	shalt  }
0x82: {  	_ =	shalt  }
0x83: {  	_ =	shalt  }
0x84: {  	_ =	shalt  }
0x85: {  	_ =	shalt  }
0x86: {  	_ =	shalt  }
0x87: {  	_ =	shalt  }
.Lfunc_end0:
.L_simem_size_0:
called_computation_lowered:
.L_overlay_start_0:
0x88: {  	s2 =	sld [smem:$0x3FD9]  }
0x89: {  	s3 =	sld [smem:$0x3FFE];
	_ =	sdelay $0x1  }
0x8a: {  	s1 =	srdreg.scid  }
0x8b: {  	s0 =	sand.u32 $0x1, s1  }
0x8c: {  	s17 =	sshll.u32 s0, $0xA;
	s2 =	sadd.s32 s3, s2  }
0x8d: {  	s2 =	sadd.s32 s2, s17  }
0x8e: {  	[smem:$0x3FB8] =	sst s2  }
0x8f: {  	_ = 	snop  }
0x90: {  	s2 =	sld [smem:$0x3FC9];
	(tm) =	ssettm $0x1  }
0x91: {  	s18 =	sld [smem:$0x3FFB];
	_ =	sdelay $0x3  }
0x92: {  	_ =	strace s18  }
0x93: {  	s3 =	sld [smem:$0x3FFC];
	_ =	sdelay $0x3  }
0x94: {  	_ =	strace s3  }
0x95: {  	s3 =	sld [smem:$0x3FFD];
	_ =	sdelay $0x3  }
0x96: {  	_ =	strace s3  }
0x97: {  	_ =	strace $0x8FFFFFFF  }
0x98: {  	s19 =	sld [smem:$0x3FDB];
	_ =	sdelay $0x1  }
0x99: {  	s4 =	simm.s32 $_scs_section_size  }
0x9a: {  	s5 =	simm.s32 $_size__tile_overlayer_lowered;
	s6 =	simm.s32 $_tile_overlayer_lowered  }
0x9b: {  	s22 =	simm.s32 $0x1BFF;
	s21 =	sshll.u32 s6, $0x1;
	s3 =	sadd.s32 s4, s19  }
0x9c: {  	s7 =	simm.s32 $0x0;
	s20 =	sshll.u32 s5, $0x1;
	s5 =	sadd.s32 s21, s3  }
0x9d: {  	[timem:s7], [sflag:s22] =	dma.local [hbm:s5], s20  }
0x9e: {  	_ =	swait.ge [sflag:s22], s20  }
0x9f: {  	s4 =	ssub.s32 $0x0, s20;
	[sflag:s22] =	ssyncset.done $0x0  }
0xa0: {  	[sflag:s22] =	ssyncadd.s32 s4;
	_ =	sdelay $0x1  }
0xa1: {  	s23 =	simm.s32 $0x1B8B  }
0xa2: {  	_ =	swait.ge [sflag:s23], $0x1  }
0xa3: {  	[sflag:s23] =	ssyncset.done $0x0  }
0xa4: {  	s25 =	simm.s32 $0x1B8E;
	s24 =	sld [smem:$0x3FFE];
	[sflag:s23] =	ssyncadd.s32 $0xFFFFFFFF  }
0xa5: {  	s26 =	simm.s32 $execute0_lowered;
	[smem:$0x3FD2] =	sst s25  }
0xa6: {  	s5 =	sshll.u32 s26, $0x1;
	_ =	strace $0x80000046;
	[dreg:$0x1] =	wrdreg $0xFFFFFFFF  }
0xa7: {  	s28 =	simm.s32 $_size_execute0_lowered;
	s3 =	sadd.s32 s3, s5;
	[dreg:$0x0] =	wrdreg $0x0  }
0xa8: {  	s5 =	sshll.u32 s28, $0x1;
	[dreg:$0x2] =	wrdreg s3  }
0xa9: {  	[dreg:$0x3] =	wrdreg s5  }
0xaa: {  	[dreg:$0x4] =	wrdreg $0xC0  }
0xab: {  	_ =	task [dreg:s7], $0x5FFFF  }
0xac: {  	[dreg:$0x1] =	wrdreg $0xFFFFFFFF  }
0xad: {  	[dreg:$0x0] =	wrdreg $0x60  }
0xae: {  	[dreg:$0x2] =	wrdreg s2  }
0xaf: {  	[dreg:$0x3] =	wrdreg s24  }
0xb0: {  	[dreg:$0x4] =	wrdreg $0x9  }
0xb1: {  	_ =	task.clear_ibuf [dreg:s7], $0x5FFFF;
	_ =	strace $0x90000046  }
0xb2: {  	s29 =	simm.s32 $0x9;
	_ =	strace $0x80000048  }
0xb3: {  	_ =	swait.ge [sflag:s29], $0x1  }
0xb4: {  	[sflag:s29] =	ssyncadd.s32 $0xFFFFFFFF  }
0xb5: {  	_ =	strace $0x90000048  }
0xb6: {  	_ =	sfence  }
0xb7: {  	s30 =	sld [smem:$0x0];
	_ =	sdelay $0x2  }
0xb8: {  	s31 =	sshll.u32 s1, $0xD;
	s1 =	sshrl.u32 s1, $0x2  }
0xb9: {  	s3 =	sand.u32 $0x4000, s31;
	s1 =	sadd.s32 s1, s30  }
0xba: {  	s0 =	sor.u32 s3, s0;
	s1 =	sshll.u32 s1, $0x11  }
0xbb: {  	s0 =	sor.u32 s1, s0  }
0xbc: {  	s0 =	sadd.s32 $0x8F2B, s0  }
0xbd: {  	[sflag:s0] =	ssyncadd.remote.s32 $0x1  }
0xbe: {  	_ =	sfence.sel $0xFFFF  }
0xbf: {  	[dreg:$0x0] =	wrdreg $0xFFFFFFFF;
	(pc) =	sbr.abs _section_cstart, $3  }
0xc0: {  	[dreg:$0x1] =	wrdreg $0xFFFFFFFF  }
0xc1: {  	_ =	task.clear_ibuf [dreg:s7], $0x2FFFF;
	_ =	strace $0x9FFFFFFF  }
0xc2: {  	(tm) =	ssettm $0x7FFFFFFF  }
0xc3: {  	_ =	shalt  }
tec
execute0_lowered:
.L_overlay_start_1:
0x0: {  	(tag) =	ssettag $0x1  }
0x1: {  	s0 =	rddreg [dreg:$0x0]  }
0x2: {  	s1 =	rddreg [dreg:$0x1];
	s3 =	srdreg.scid  }
0x3: {  	s2 =	simm.s32 $0x0;
	s5 =	stileid.u32;
	s29 =	simm.s32 $0x3  }
0x4: {  	s30 =	simm.s32 $0x4;
	s31 =	simm.s32 $0x100;
	s4 =	sand.u32 $0x1, s3  }
0x5: {  	[smem:$0x7FF] =	sst s2;
	s22 =	sshll.u32 s5, $0x8;
	s11 =	sadd.s32 $0x3A00, s1  }
0x6: {  	s3 =	sadd.s32 $0x3C00, s1;
	s23 =	sshll.u32 s4, $0x7;
	s4 =	ssub.s32 $0x2, s4  }
0x7: {  	_ =	strace $0x80000047;
	s10 =	sor.u32 s23, s22;
	s7 =	sshrl.u32 s4, $0x1  }
0x8: {  	s5 =	sshrl.u32 s10, $0x3;
	s6 =	sshll.u32 s10, $0x8;
	s12 =	ssub.s32 s4, s7  }
0x9: {  	s25 =	sor.u32 $0x10, s10;
	s4 =	sadd.s32 $0x3D00, s1;
	s9 =	sor.u32 $0x20, s10  }
0xa: {  	s13 =	sor.u32 $0x30, s10;
	s17 =	sor.u32 $0x40, s10;
	s23 =	sor.u32 $0x60, s10  }
0xb: {  	s5 =	sadd.s32 s11, s5;
	s24 =	sadd.s32 s0, s6;
	s8 =	sshrl.u32 s25, $0x3  }
0xc: {  	s6 =	sadd.s32 $0x3F00, s1;
	s7 =	sshll.u32 s25, $0x8;
	s28 =	sshrl.u32 s9, $0x3  }
0xd: {  	s9 =	sshll.u32 s9, $0x8;
	s14 =	sshrl.u32 s13, $0x3;
	s16 =	sshll.u32 s13, $0x8  }
0xe: {  	s18 =	sshrl.u32 s17, $0x3;
	s13 =	sshll.u32 s17, $0x8;
	[dreg:$0x3] =	wrdreg s5  }
0xf: {  	[dreg:$0x4] =	wrdreg s24;
	s5 =	sadd.s32 $0x3E00, s1;
	s8 =	sadd.s32 s11, s8  }
0x10: {  	s26 =	sadd.s32 s0, s7;
	s7 =	sadd.s32 $0x4000, s1;
	[dreg:$0x5] =	wrdreg s8  }
0x11: {  	s9 =	sadd.s32 s0, s9;
	s15 =	sadd.s32 s11, s14;
	[dreg:$0x6] =	wrdreg s26  }
0x12: {  	s14 =	sor.u32 $0x50, s10;
	s19 =	sadd.s32 s0, s13;
	[dreg:$0x8] =	wrdreg s9  }
0x13: {  	s24 =	sshrl.u32 s23, $0x3;
	s10 =	sor.u32 $0x70, s10;
	[dreg:$0x9] =	wrdreg s15  }
0x14: {  	s8 =	sadd.s32 s11, s28;
	s9 =	sadd.s32 s0, s16;
	[dreg:$0xc] =	wrdreg s19  }
0x15: {  	s20 =	sshrl.u32 s14, $0x3;
	s22 =	sshll.u32 s14, $0x8;
	[dreg:$0x7] =	wrdreg s8  }
0x16: {  	s14 =	sshll.u32 s23, $0x8;
	[dreg:$0xa] =	wrdreg s9;
	s9 =	sadd.s32 s11, s18  }
0x17: {  	s26 =	sshrl.u32 s10, $0x3;
	s21 =	sadd.s32 s11, s20;
	[dreg:$0xb] =	wrdreg s9  }
0x18: {  	s28 =	sshll.u32 s10, $0x8;
	s13 =	sadd.s32 s0, s22;
	[dreg:$0xd] =	wrdreg s21  }
0x19: {  	s10 =	sadd.s32 $0x4300, s1;
	s25 =	sadd.s32 s0, s14;
	[dreg:$0xe] =	wrdreg s13  }
0x1a: {  	s8 =	sadd.s32 $0x4100, s1;
	s0 =	sadd.s32 s0, s28;
	[dreg:$0x10] =	wrdreg s25  }
0x1b: {  	v2 =	vlaneseq.u32;
	s9 =	sadd.s32 $0x4200, s1;
	s13 =	sadd.s32 s11, s24;
	[dreg:$0x12] =	wrdreg s0  }
0x1c: {  	vm0 =	vmmov $0xffff;
	v1 =	vshrl.u32 v2, $0x3;
	s11 =	sadd.s32 s11, s26;
	s0 =	simm.s32 $0x2;
	[dreg:$0xf] =	wrdreg s13  }
0x1d: {  	v0 =	vand.u32 $0x7, v2;
	v2 =	vor.u32 $0x8, v2;
	v1 =	vmul.u32 $0x8, v1;
	[dreg:$0x11] =	wrdreg s11;
	s11 =	smax.u32 s12, $0x1;
	s13 =	simm.s32 $0x1  }
.LBB2_1:
0x1e: {  	s1 =	rddreg [dreg:$0x3]  }
0x1f: {  	[tilespmem:s2], [sflag:$0x1] =	stream.linear.gather [hbm4b:s1+s2], $0x10, $0x38;
	[tilespmem:$0x10100] =	vst v63  }
0x20: {  	s14 =	rddreg [dreg:$0x4]  }
0x21: {  	[tilespmem:s31], [sflag:$0x1] =	stream.linear.gather [hbm4b:s14+s2], $0x8000, $0x38;
	[tilespmem:$0x10100] =	vst v63  }
0x22: {  	_ =	swait.ge [sflag:s13], $0x10  }
0x23: {  	[sflag:s13] =	ssyncset.done $0x0  }
0x24: {  	[sflag:s13] =	ssyncadd.s32 $0xFFFFFFF0  }
0x25: {  	_ =	swait.ge [sflag:s13], $0x8000  }
0x26: {  	[sflag:s13] =	ssyncset.done $0x0  }
0x27: {  	[sflag:s13] =	ssyncadd.s32 $0xFFFF8000  }
0x28: {  	v3 =	vld [tilespmem:$0x0];
	_ =	sdelay $0x4  }
0x29: {  	v4 =	vshll.u32 v3, $0x4  }
0x2a: {  	v3 =	vand.u32 $0x7, v3;
	v4 =	vand.u32 $0xFFFFFF80, v4  }
0x2b: {  	v3 =	vor.u32 v3, v4  }
0x2c: {  	v4 =	vperm.xlane v3, v0;
	_ =	sdelay $0x1  }
0x2d: {  	v4 =	vadd.s32 v1, v4;
	_ =	sdelay $0x4  }
0x2e: {  	[hbm4b:s3+s2] =	stream.indirect_vreg.scatter [tilespmem:s31], [sflag:$0x3], $0x80, v4, vm0, $0xb8;
	[tilespmem:$0x10100] =	vst v63  }
0x2f: {  	s21 =	simm.s32 $0x900  }
0x30: {  	[hbm4b:s4+s2] =	stream.indirect_vreg.scatter [tilespmem:s21], [sflag:$0x3], $0x80, v4, vm0, $0xb8;
	[tilespmem:$0x10100] =	vst v63  }
0x31: {  	s22 =	simm.s32 $0x1100  }
0x32: {  	[hbm4b:s5+s2] =	stream.indirect_vreg.scatter [tilespmem:s22], [sflag:$0x3], $0x80, v4, vm0, $0xb8;
	[tilespmem:$0x10100] =	vst v63  }
0x33: {  	s23 =	simm.s32 $0x1900  }
0x34: {  	[hbm4b:s6+s2] =	stream.indirect_vreg.scatter [tilespmem:s23], [sflag:$0x3], $0x80, v4, vm0, $0xb8;
	[tilespmem:$0x10100] =	vst v63  }
0x35: {  	s24 =	simm.s32 $0x2100  }
0x36: {  	[hbm4b:s7+s2] =	stream.indirect_vreg.scatter [tilespmem:s24], [sflag:$0x3], $0x80, v4, vm0, $0xb8;
	[tilespmem:$0x10100] =	vst v63  }
0x37: {  	s25 =	simm.s32 $0x2900;
	v3 =	vperm.xlane v3, v2  }
0x38: {  	[hbm4b:s8+s2] =	stream.indirect_vreg.scatter [tilespmem:s25], [sflag:$0x3], $0x80, v4, vm0, $0xb8;
	[tilespmem:$0x10100] =	vst v63  }
0x39: {  	s26 =	simm.s32 $0x3100;
	v3 =	vadd.s32 v1, v3  }
0x3a: {  	[hbm4b:s9+s2] =	stream.indirect_vreg.scatter [tilespmem:s26], [sflag:$0x3], $0x80, v4, vm0, $0xb8;
	[tilespmem:$0x10100] =	vst v63  }
0x3b: {  	s28 =	simm.s32 $0x3900  }
0x3c: {  	[hbm4b:s10+s2] =	stream.indirect_vreg.scatter [tilespmem:s28], [sflag:$0x3], $0x80, v4, vm0, $0xb8;
	[tilespmem:$0x10100] =	vst v63  }
0x3d: {  	s12 =	simm.s32 $0x4100  }
0x3e: {  	[hbm4b:s3+s2] =	stream.indirect_vreg.scatter [tilespmem:s12], [sflag:$0x3], $0x80, v3, vm0, $0xb8;
	[tilespmem:$0x10100] =	vst v63  }
0x3f: {  	s14 =	simm.s32 $0x4900  }
0x40: {  	[hbm4b:s4+s2] =	stream.indirect_vreg.scatter [tilespmem:s14], [sflag:$0x3], $0x80, v3, vm0, $0xb8;
	[tilespmem:$0x10100] =	vst v63  }
0x41: {  	s15 =	simm.s32 $0x5100  }
0x42: {  	[hbm4b:s5+s2] =	stream.indirect_vreg.scatter [tilespmem:s15], [sflag:$0x3], $0x80, v3, vm0, $0xb8;
	[tilespmem:$0x10100] =	vst v63  }
0x43: {  	s16 =	simm.s32 $0x5900  }
0x44: {  	[hbm4b:s6+s2] =	stream.indirect_vreg.scatter [tilespmem:s16], [sflag:$0x3], $0x80, v3, vm0, $0xb8;
	[tilespmem:$0x10100] =	vst v63  }
0x45: {  	s18 =	simm.s32 $0x6100  }
0x46: {  	[hbm4b:s7+s2] =	stream.indirect_vreg.scatter [tilespmem:s18], [sflag:$0x3], $0x80, v3, vm0, $0xb8;
	[tilespmem:$0x10100] =	vst v63  }
0x47: {  	s19 =	simm.s32 $0x6900  }
0x48: {  	[hbm4b:s8+s2] =	stream.indirect_vreg.scatter [tilespmem:s19], [sflag:$0x3], $0x80, v3, vm0, $0xb8;
	[tilespmem:$0x10100] =	vst v63  }
0x49: {  	s20 =	simm.s32 $0x7100  }
0x4a: {  	[hbm4b:s9+s2] =	stream.indirect_vreg.scatter [tilespmem:s20], [sflag:$0x3], $0x80, v3, vm0, $0xb8;
	[tilespmem:$0x10100] =	vst v63  }
0x4b: {  	s12 =	simm.s32 $0x7900  }
0x4c: {  	[hbm4b:s10+s2] =	stream.indirect_vreg.scatter [tilespmem:s12], [sflag:$0x3], $0x80, v3, vm0, $0xb8;
	[tilespmem:$0x10100] =	vst v63  }
0x4d: {  	s21 =	rddreg [dreg:$0x5];
	s16 =	simm.s32 $0x80  }
0x4e: {  	[tilespmem:s16], [sflag:$0x2] =	stream.linear.gather [hbm4b:s21+s2], $0x10, $0x38;
	[tilespmem:$0x10100] =	vst v63  }
0x4f: {  	s22 =	rddreg [dreg:$0x6];
	s12 =	simm.s32 $0x8100  }
0x50: {  	[tilespmem:s12], [sflag:$0x2] =	stream.linear.gather [hbm4b:s22+s2], $0x8000, $0x38;
	[tilespmem:$0x10100] =	vst v63  }
0x51: {  	_ =	swait.ge [sflag:s0], $0x10  }
0x52: {  	[sflag:s0] =	ssyncset.done $0x0  }
0x53: {  	[sflag:s0] =	ssyncadd.s32 $0xFFFFFFF0  }
0x54: {  	_ =	swait.ge [sflag:s0], $0x8000  }
0x55: {  	[sflag:s0] =	ssyncset.done $0x0  }
0x56: {  	[sflag:s0] =	ssyncadd.s32 $0xFFFF8000  }
0x57: {  	v3 =	vld [tilespmem:$0x80];
	_ =	sdelay $0x4  }
0x58: {  	v57 =	vshll.u32 v3, $0x4  }
0x59: {  	v3 =	vand.u32 $0x7, v3;
	v4 =	vand.u32 $0xFFFFFF80, v57  }
0x5a: {  	v3 =	vor.u32 v3, v4  }
0x5b: {  	v4 =	vperm.xlane v3, v0;
	_ =	sdelay $0x1  }
0x5c: {  	v4 =	vadd.s32 v1, v4;
	_ =	sdelay $0x4  }
0x5d: {  	[hbm4b:s3+s2] =	stream.indirect_vreg.scatter [tilespmem:s12], [sflag:$0x4], $0x80, v4, vm0, $0xb8;
	[tilespmem:$0x10100] =	vst v63  }
0x5e: {  	s23 =	simm.s32 $0x8900  }
0x5f: {  	[hbm4b:s4+s2] =	stream.indirect_vreg.scatter [tilespmem:s23], [sflag:$0x4], $0x80, v4, vm0, $0xb8;
	[tilespmem:$0x10100] =	vst v63  }
0x60: {  	s24 =	simm.s32 $0x9100  }
0x61: {  	[hbm4b:s5+s2] =	stream.indirect_vreg.scatter [tilespmem:s24], [sflag:$0x4], $0x80, v4, vm0, $0xb8;
	[tilespmem:$0x10100] =	vst v63  }
0x62: {  	s25 =	simm.s32 $0x9900  }
0x63: {  	[hbm4b:s6+s2] =	stream.indirect_vreg.scatter [tilespmem:s25], [sflag:$0x4], $0x80, v4, vm0, $0xb8;
	[tilespmem:$0x10100] =	vst v63  }
0x64: {  	s26 =	simm.s32 $0xA100  }
0x65: {  	[hbm4b:s7+s2] =	stream.indirect_vreg.scatter [tilespmem:s26], [sflag:$0x4], $0x80, v4, vm0, $0xb8;
	[tilespmem:$0x10100] =	vst v63  }
0x66: {  	s28 =	simm.s32 $0xA900;
	v3 =	vperm.xlane v3, v2  }
0x67: {  	[hbm4b:s8+s2] =	stream.indirect_vreg.scatter [tilespmem:s28], [sflag:$0x4], $0x80, v4, vm0, $0xb8;
	[tilespmem:$0x10100] =	vst v63  }
0x68: {  	s14 =	simm.s32 $0xB100;
	v3 =	vadd.s32 v1, v3  }
0x69: {  	[hbm4b:s9+s2] =	stream.indirect_vreg.scatter [tilespmem:s14], [sflag:$0x4], $0x80, v4, vm0, $0xb8;
	[tilespmem:$0x10100] =	vst v63  }
0x6a: {  	s15 =	simm.s32 $0xB900  }
0x6b: {  	[hbm4b:s10+s2] =	stream.indirect_vreg.scatter [tilespmem:s15], [sflag:$0x4], $0x80, v4, vm0, $0xb8;
	[tilespmem:$0x10100] =	vst v63  }
0x6c: {  	s16 =	simm.s32 $0xC100  }
0x6d: {  	[hbm4b:s3+s2] =	stream.indirect_vreg.scatter [tilespmem:s16], [sflag:$0x4], $0x80, v3, vm0, $0xb8;
	[tilespmem:$0x10100] =	vst v63  }
0x6e: {  	s18 =	simm.s32 $0xC900  }
0x6f: {  	[hbm4b:s4+s2] =	stream.indirect_vreg.scatter [tilespmem:s18], [sflag:$0x4], $0x80, v3, vm0, $0xb8;
	[tilespmem:$0x10100] =	vst v63  }
0x70: {  	s19 =	simm.s32 $0xD100  }
0x71: {  	[hbm4b:s5+s2] =	stream.indirect_vreg.scatter [tilespmem:s19], [sflag:$0x4], $0x80, v3, vm0, $0xb8;
	[tilespmem:$0x10100] =	vst v63  }
0x72: {  	s20 =	simm.s32 $0xD900  }
0x73: {  	[hbm4b:s6+s2] =	stream.indirect_vreg.scatter [tilespmem:s20], [sflag:$0x4], $0x80, v3, vm0, $0xb8;
	[tilespmem:$0x10100] =	vst v63  }
0x74: {  	s21 =	simm.s32 $0xE100  }
0x75: {  	[hbm4b:s7+s2] =	stream.indirect_vreg.scatter [tilespmem:s21], [sflag:$0x4], $0x80, v3, vm0, $0xb8;
	[tilespmem:$0x10100] =	vst v63  }
0x76: {  	s22 =	simm.s32 $0xE900  }
0x77: {  	[hbm4b:s8+s2] =	stream.indirect_vreg.scatter [tilespmem:s22], [sflag:$0x4], $0x80, v3, vm0, $0xb8;
	[tilespmem:$0x10100] =	vst v63  }
0x78: {  	s23 =	simm.s32 $0xF100  }
0x79: {  	[hbm4b:s9+s2] =	stream.indirect_vreg.scatter [tilespmem:s23], [sflag:$0x4], $0x80, v3, vm0, $0xb8;
	[tilespmem:$0x10100] =	vst v63  }
0x7a: {  	s24 =	simm.s32 $0xF900  }
0x7b: {  	[hbm4b:s10+s2] =	stream.indirect_vreg.scatter [tilespmem:s24], [sflag:$0x4], $0x80, v3, vm0, $0xb8;
	[tilespmem:$0x10100] =	vst v63  }
0x7c: {  	_ =	swait.ge [sflag:s29], $0x8000  }
0x7d: {  	[sflag:s29] =	ssyncset.done $0x0  }
0x7e: {  	s25 =	rddreg [dreg:$0x7];
	[sflag:s29] =	ssyncadd.s32 $0xFFFF8000  }
0x7f: {  	[tilespmem:s2], [sflag:$0x1] =	stream.linear.gather [hbm4b:s25+s2], $0x10, $0x38;
	[tilespmem:$0x10100] =	vst v63  }
0x80: {  	s26 =	rddreg [dreg:$0x8]  }
0x81: {  	[tilespmem:s31], [sflag:$0x1] =	stream.linear.gather [hbm4b:s26+s2], $0x8000, $0x38;
	[tilespmem:$0x10100] =	vst v63  }
0x82: {  	_ =	swait.ge [sflag:s13], $0x10  }
0x83: {  	[sflag:s13] =	ssyncset.done $0x0  }
0x84: {  	[sflag:s13] =	ssyncadd.s32 $0xFFFFFFF0  }
0x85: {  	_ =	swait.ge [sflag:s13], $0x8000  }
0x86: {  	[sflag:s13] =	ssyncset.done $0x0  }
0x87: {  	[sflag:s13] =	ssyncadd.s32 $0xFFFF8000  }
0x88: {  	v3 =	vld [tilespmem:$0x0];
	_ =	sdelay $0x4  }
0x89: {  	v58 =	vshll.u32 v3, $0x4  }
0x8a: {  	v3 =	vand.u32 $0x7, v3;
	v4 =	vand.u32 $0xFFFFFF80, v58  }
0x8b: {  	v3 =	vor.u32 v3, v4  }
0x8c: {  	v4 =	vperm.xlane v3, v0;
	_ =	sdelay $0x1  }
0x8d: {  	v4 =	vadd.s32 v1, v4;
	_ =	sdelay $0x4  }
0x8e: {  	[hbm4b:s3+s2] =	stream.indirect_vreg.scatter [tilespmem:s31], [sflag:$0x3], $0x80, v4, vm0, $0xb8;
	[tilespmem:$0x10100] =	vst v63  }
0x8f: {  	s28 =	simm.s32 $0x900  }
0x90: {  	[hbm4b:s4+s2] =	stream.indirect_vreg.scatter [tilespmem:s28], [sflag:$0x3], $0x80, v4, vm0, $0xb8;
	[tilespmem:$0x10100] =	vst v63  }
0x91: {  	s14 =	simm.s32 $0x1100  }
0x92: {  	[hbm4b:s5+s2] =	stream.indirect_vreg.scatter [tilespmem:s14], [sflag:$0x3], $0x80, v4, vm0, $0xb8;
	[tilespmem:$0x10100] =	vst v63  }
0x93: {  	s16 =	simm.s32 $0x1900  }
0x94: {  	[hbm4b:s6+s2] =	stream.indirect_vreg.scatter [tilespmem:s16], [sflag:$0x3], $0x80, v4, vm0, $0xb8;
	[tilespmem:$0x10100] =	vst v63  }
0x95: {  	s17 =	simm.s32 $0x2100  }
0x96: {  	[hbm4b:s7+s2] =	stream.indirect_vreg.scatter [tilespmem:s17], [sflag:$0x3], $0x80, v4, vm0, $0xb8;
	[tilespmem:$0x10100] =	vst v63  }
0x97: {  	s18 =	simm.s32 $0x2900;
	v3 =	vperm.xlane v3, v2  }
0x98: {  	[hbm4b:s8+s2] =	stream.indirect_vreg.scatter [tilespmem:s18], [sflag:$0x3], $0x80, v4, vm0, $0xb8;
	[tilespmem:$0x10100] =	vst v63  }
0x99: {  	s19 =	simm.s32 $0x3100;
	v3 =	vadd.s32 v1, v3  }
0x9a: {  	[hbm4b:s9+s2] =	stream.indirect_vreg.scatter [tilespmem:s19], [sflag:$0x3], $0x80, v4, vm0, $0xb8;
	[tilespmem:$0x10100] =	vst v63  }
0x9b: {  	s20 =	simm.s32 $0x3900  }
0x9c: {  	[hbm4b:s10+s2] =	stream.indirect_vreg.scatter [tilespmem:s20], [sflag:$0x3], $0x80, v4, vm0, $0xb8;
	[tilespmem:$0x10100] =	vst v63  }
0x9d: {  	s21 =	simm.s32 $0x4100  }
0x9e: {  	[hbm4b:s3+s2] =	stream.indirect_vreg.scatter [tilespmem:s21], [sflag:$0x3], $0x80, v3, vm0, $0xb8;
	[tilespmem:$0x10100] =	vst v63  }
0x9f: {  	s22 =	simm.s32 $0x4900  }
0xa0: {  	[hbm4b:s4+s2] =	stream.indirect_vreg.scatter [tilespmem:s22], [sflag:$0x3], $0x80, v3, vm0, $0xb8;
	[tilespmem:$0x10100] =	vst v63  }
0xa1: {  	s23 =	simm.s32 $0x5100  }
0xa2: {  	[hbm4b:s5+s2] =	stream.indirect_vreg.scatter [tilespmem:s23], [sflag:$0x3], $0x80, v3, vm0, $0xb8;
	[tilespmem:$0x10100] =	vst v63  }
0xa3: {  	s24 =	simm.s32 $0x5900  }
0xa4: {  	[hbm4b:s6+s2] =	stream.indirect_vreg.scatter [tilespmem:s24], [sflag:$0x3], $0x80, v3, vm0, $0xb8;
	[tilespmem:$0x10100] =	vst v63  }
0xa5: {  	s25 =	simm.s32 $0x6100  }
0xa6: {  	[hbm4b:s7+s2] =	stream.indirect_vreg.scatter [tilespmem:s25], [sflag:$0x3], $0x80, v3, vm0, $0xb8;
	[tilespmem:$0x10100] =	vst v63  }
0xa7: {  	s26 =	simm.s32 $0x6900  }
0xa8: {  	[hbm4b:s8+s2] =	stream.indirect_vreg.scatter [tilespmem:s26], [sflag:$0x3], $0x80, v3, vm0, $0xb8;
	[tilespmem:$0x10100] =	vst v63  }
0xa9: {  	s17 =	simm.s32 $0x7100  }
0xaa: {  	[hbm4b:s9+s2] =	stream.indirect_vreg.scatter [tilespmem:s17], [sflag:$0x3], $0x80, v3, vm0, $0xb8;
	[tilespmem:$0x10100] =	vst v63  }
0xab: {  	s28 =	simm.s32 $0x7900  }
0xac: {  	[hbm4b:s10+s2] =	stream.indirect_vreg.scatter [tilespmem:s28], [sflag:$0x3], $0x80, v3, vm0, $0xb8;
	[tilespmem:$0x10100] =	vst v63  }
0xad: {  	_ =	swait.ge [sflag:s30], $0x8000  }
0xae: {  	[sflag:s30] =	ssyncset.done $0x0  }
0xaf: {  	s15 =	simm.s32 $0x80;
	s1 =	rddreg [dreg:$0x9];
	[sflag:s30] =	ssyncadd.s32 $0xFFFF8000  }
0xb0: {  	[tilespmem:s15], [sflag:$0x2] =	stream.linear.gather [hbm4b:s1+s2], $0x10, $0x38;
	[tilespmem:$0x10100] =	vst v63  }
0xb1: {  	s14 =	rddreg [dreg:$0xa]  }
0xb2: {  	[tilespmem:s12], [sflag:$0x2] =	stream.linear.gather [hbm4b:s14+s2], $0x8000, $0x38;
	[tilespmem:$0x10100] =	vst v63  }
0xb3: {  	_ =	swait.ge [sflag:s0], $0x10  }
0xb4: {  	[sflag:s0] =	ssyncset.done $0x0  }
0xb5: {  	[sflag:s0] =	ssyncadd.s32 $0xFFFFFFF0  }
0xb6: {  	_ =	swait.ge [sflag:s0], $0x8000  }
0xb7: {  	[sflag:s0] =	ssyncset.done $0x0  }
0xb8: {  	[sflag:s0] =	ssyncadd.s32 $0xFFFF8000  }
0xb9: {  	v3 =	vld [tilespmem:$0x80];
	_ =	sdelay $0x4  }
0xba: {  	v59 =	vshll.u32 v3, $0x4  }
0xbb: {  	v3 =	vand.u32 $0x7, v3;
	v4 =	vand.u32 $0xFFFFFF80, v59  }
0xbc: {  	v3 =	vor.u32 v3, v4  }
0xbd: {  	v4 =	vperm.xlane v3, v0;
	_ =	sdelay $0x1  }
0xbe: {  	v4 =	vadd.s32 v1, v4;
	_ =	sdelay $0x4  }
0xbf: {  	[hbm4b:s3+s2] =	stream.indirect_vreg.scatter [tilespmem:s12], [sflag:$0x4], $0x80, v4, vm0, $0xb8;
	[tilespmem:$0x10100] =	vst v63  }
0xc0: {  	s15 =	simm.s32 $0x8900  }
0xc1: {  	[hbm4b:s4+s2] =	stream.indirect_vreg.scatter [tilespmem:s15], [sflag:$0x4], $0x80, v4, vm0, $0xb8;
	[tilespmem:$0x10100] =	vst v63  }
0xc2: {  	s14 =	simm.s32 $0x9100  }
0xc3: {  	[hbm4b:s5+s2] =	stream.indirect_vreg.scatter [tilespmem:s14], [sflag:$0x4], $0x80, v4, vm0, $0xb8;
	[tilespmem:$0x10100] =	vst v63  }
0xc4: {  	s15 =	simm.s32 $0x9900  }
0xc5: {  	[hbm4b:s6+s2] =	stream.indirect_vreg.scatter [tilespmem:s15], [sflag:$0x4], $0x80, v4, vm0, $0xb8;
	[tilespmem:$0x10100] =	vst v63  }
0xc6: {  	s14 =	simm.s32 $0xA100  }
0xc7: {  	[hbm4b:s7+s2] =	stream.indirect_vreg.scatter [tilespmem:s14], [sflag:$0x4], $0x80, v4, vm0, $0xb8;
	[tilespmem:$0x10100] =	vst v63  }
0xc8: {  	v3 =	vperm.xlane v3, v2;
	s15 =	simm.s32 $0xA900  }
0xc9: {  	[hbm4b:s8+s2] =	stream.indirect_vreg.scatter [tilespmem:s15], [sflag:$0x4], $0x80, v4, vm0, $0xb8;
	[tilespmem:$0x10100] =	vst v63  }
0xca: {  	v3 =	vadd.s32 v1, v3;
	s14 =	simm.s32 $0xB100  }
0xcb: {  	[hbm4b:s9+s2] =	stream.indirect_vreg.scatter [tilespmem:s14], [sflag:$0x4], $0x80, v4, vm0, $0xb8;
	[tilespmem:$0x10100] =	vst v63  }
0xcc: {  	s15 =	simm.s32 $0xB900  }
0xcd: {  	[hbm4b:s10+s2] =	stream.indirect_vreg.scatter [tilespmem:s15], [sflag:$0x4], $0x80, v4, vm0, $0xb8;
	[tilespmem:$0x10100] =	vst v63  }
0xce: {  	s14 =	simm.s32 $0xC100  }
0xcf: {  	[hbm4b:s3+s2] =	stream.indirect_vreg.scatter [tilespmem:s14], [sflag:$0x4], $0x80, v3, vm0, $0xb8;
	[tilespmem:$0x10100] =	vst v63  }
0xd0: {  	s15 =	simm.s32 $0xC900  }
0xd1: {  	[hbm4b:s4+s2] =	stream.indirect_vreg.scatter [tilespmem:s15], [sflag:$0x4], $0x80, v3, vm0, $0xb8;
	[tilespmem:$0x10100] =	vst v63  }
0xd2: {  	s14 =	simm.s32 $0xD100  }
0xd3: {  	[hbm4b:s5+s2] =	stream.indirect_vreg.scatter [tilespmem:s14], [sflag:$0x4], $0x80, v3, vm0, $0xb8;
	[tilespmem:$0x10100] =	vst v63  }
0xd4: {  	s15 =	simm.s32 $0xD900  }
0xd5: {  	[hbm4b:s6+s2] =	stream.indirect_vreg.scatter [tilespmem:s15], [sflag:$0x4], $0x80, v3, vm0, $0xb8;
	[tilespmem:$0x10100] =	vst v63  }
0xd6: {  	s14 =	simm.s32 $0xE100  }
0xd7: {  	[hbm4b:s7+s2] =	stream.indirect_vreg.scatter [tilespmem:s14], [sflag:$0x4], $0x80, v3, vm0, $0xb8;
	[tilespmem:$0x10100] =	vst v63  }
0xd8: {  	s15 =	simm.s32 $0xE900  }
0xd9: {  	[hbm4b:s8+s2] =	stream.indirect_vreg.scatter [tilespmem:s15], [sflag:$0x4], $0x80, v3, vm0, $0xb8;
	[tilespmem:$0x10100] =	vst v63  }
0xda: {  	s14 =	simm.s32 $0xF100  }
0xdb: {  	[hbm4b:s9+s2] =	stream.indirect_vreg.scatter [tilespmem:s14], [sflag:$0x4], $0x80, v3, vm0, $0xb8;
	[tilespmem:$0x10100] =	vst v63  }
0xdc: {  	s15 =	simm.s32 $0xF900  }
0xdd: {  	[hbm4b:s10+s2] =	stream.indirect_vreg.scatter [tilespmem:s15], [sflag:$0x4], $0x80, v3, vm0, $0xb8;
	[tilespmem:$0x10100] =	vst v63  }
0xde: {  	_ =	swait.ge [sflag:s29], $0x8000  }
0xdf: {  	[sflag:s29] =	ssyncset.done $0x0  }
0xe0: {  	s14 =	rddreg [dreg:$0xb];
	[sflag:s29] =	ssyncadd.s32 $0xFFFF8000  }
0xe1: {  	[tilespmem:s2], [sflag:$0x1] =	stream.linear.gather [hbm4b:s14+s2], $0x10, $0x38;
	[tilespmem:$0x10100] =	vst v63  }
0xe2: {  	s15 =	rddreg [dreg:$0xc]  }
0xe3: {  	[tilespmem:s31], [sflag:$0x1] =	stream.linear.gather [hbm4b:s15+s2], $0x8000, $0x38;
	[tilespmem:$0x10100] =	vst v63  }
0xe4: {  	_ =	swait.ge [sflag:s13], $0x10  }
0xe5: {  	[sflag:s13] =	ssyncset.done $0x0  }
0xe6: {  	[sflag:s13] =	ssyncadd.s32 $0xFFFFFFF0  }
0xe7: {  	_ =	swait.ge [sflag:s13], $0x8000  }
0xe8: {  	[sflag:s13] =	ssyncset.done $0x0  }
0xe9: {  	[sflag:s13] =	ssyncadd.s32 $0xFFFF8000  }
0xea: {  	v3 =	vld [tilespmem:$0x0];
	_ =	sdelay $0x4  }
0xeb: {  	v60 =	vshll.u32 v3, $0x4  }
0xec: {  	v3 =	vand.u32 $0x7, v3;
	v4 =	vand.u32 $0xFFFFFF80, v60  }
0xed: {  	v3 =	vor.u32 v3, v4  }
0xee: {  	v4 =	vperm.xlane v3, v0;
	_ =	sdelay $0x1  }
0xef: {  	v4 =	vadd.s32 v1, v4;
	_ =	sdelay $0x4  }
0xf0: {  	[hbm4b:s3+s2] =	stream.indirect_vreg.scatter [tilespmem:s31], [sflag:$0x3], $0x80, v4, vm0, $0xb8;
	[tilespmem:$0x10100] =	vst v63  }
0xf1: {  	s14 =	simm.s32 $0x900  }
0xf2: {  	[hbm4b:s4+s2] =	stream.indirect_vreg.scatter [tilespmem:s14], [sflag:$0x3], $0x80, v4, vm0, $0xb8;
	[tilespmem:$0x10100] =	vst v63  }
0xf3: {  	s15 =	simm.s32 $0x1100  }
0xf4: {  	[hbm4b:s5+s2] =	stream.indirect_vreg.scatter [tilespmem:s15], [sflag:$0x3], $0x80, v4, vm0, $0xb8;
	[tilespmem:$0x10100] =	vst v63  }
0xf5: {  	_ = 	snop  }
0xf6: {  	[hbm4b:s6+s2] =	stream.indirect_vreg.scatter [tilespmem:s16], [sflag:$0x3], $0x80, v4, vm0, $0xb8;
	[tilespmem:$0x10100] =	vst v63  }
0xf7: {  	s14 =	simm.s32 $0x2100  }
0xf8: {  	[hbm4b:s7+s2] =	stream.indirect_vreg.scatter [tilespmem:s14], [sflag:$0x3], $0x80, v4, vm0, $0xb8;
	[tilespmem:$0x10100] =	vst v63  }
0xf9: {  	v3 =	vperm.xlane v3, v2  }
0xfa: {  	[hbm4b:s8+s2] =	stream.indirect_vreg.scatter [tilespmem:s18], [sflag:$0x3], $0x80, v4, vm0, $0xb8;
	[tilespmem:$0x10100] =	vst v63  }
0xfb: {  	v3 =	vadd.s32 v1, v3  }
0xfc: {  	[hbm4b:s9+s2] =	stream.indirect_vreg.scatter [tilespmem:s19], [sflag:$0x3], $0x80, v4, vm0, $0xb8;
	[tilespmem:$0x10100] =	vst v63  }
0xfd: {  	_ = 	snop  }
0xfe: {  	[hbm4b:s10+s2] =	stream.indirect_vreg.scatter [tilespmem:s20], [sflag:$0x3], $0x80, v4, vm0, $0xb8;
	[tilespmem:$0x10100] =	vst v63  }
0xff: {  	_ = 	snop  }
0x100: {  	[hbm4b:s3+s2] =	stream.indirect_vreg.scatter [tilespmem:s21], [sflag:$0x3], $0x80, v3, vm0, $0xb8;
	[tilespmem:$0x10100] =	vst v63  }
0x101: {  	_ = 	snop  }
0x102: {  	[hbm4b:s4+s2] =	stream.indirect_vreg.scatter [tilespmem:s22], [sflag:$0x3], $0x80, v3, vm0, $0xb8;
	[tilespmem:$0x10100] =	vst v63  }
0x103: {  	_ = 	snop  }
0x104: {  	[hbm4b:s5+s2] =	stream.indirect_vreg.scatter [tilespmem:s23], [sflag:$0x3], $0x80, v3, vm0, $0xb8;
	[tilespmem:$0x10100] =	vst v63  }
0x105: {  	_ = 	snop  }
0x106: {  	[hbm4b:s6+s2] =	stream.indirect_vreg.scatter [tilespmem:s24], [sflag:$0x3], $0x80, v3, vm0, $0xb8;
	[tilespmem:$0x10100] =	vst v63  }
0x107: {  	_ = 	snop  }
0x108: {  	[hbm4b:s7+s2] =	stream.indirect_vreg.scatter [tilespmem:s25], [sflag:$0x3], $0x80, v3, vm0, $0xb8;
	[tilespmem:$0x10100] =	vst v63  }
0x109: {  	_ = 	snop  }
0x10a: {  	[hbm4b:s8+s2] =	stream.indirect_vreg.scatter [tilespmem:s26], [sflag:$0x3], $0x80, v3, vm0, $0xb8;
	[tilespmem:$0x10100] =	vst v63  }
0x10b: {  	_ = 	snop  }
0x10c: {  	[hbm4b:s9+s2] =	stream.indirect_vreg.scatter [tilespmem:s17], [sflag:$0x3], $0x80, v3, vm0, $0xb8;
	[tilespmem:$0x10100] =	vst v63  }
0x10d: {  	_ = 	snop  }
0x10e: {  	[hbm4b:s10+s2] =	stream.indirect_vreg.scatter [tilespmem:s28], [sflag:$0x3], $0x80, v3, vm0, $0xb8;
	[tilespmem:$0x10100] =	vst v63  }
0x10f: {  	_ =	swait.ge [sflag:s30], $0x8000  }
0x110: {  	[sflag:s30] =	ssyncset.done $0x0  }
0x111: {  	s15 =	simm.s32 $0x80;
	s1 =	rddreg [dreg:$0xd];
	[sflag:s30] =	ssyncadd.s32 $0xFFFF8000  }
0x112: {  	[tilespmem:s15], [sflag:$0x2] =	stream.linear.gather [hbm4b:s1+s2], $0x10, $0x38;
	[tilespmem:$0x10100] =	vst v63  }
0x113: {  	s14 =	rddreg [dreg:$0xe]  }
0x114: {  	[tilespmem:s12], [sflag:$0x2] =	stream.linear.gather [hbm4b:s14+s2], $0x8000, $0x38;
	[tilespmem:$0x10100] =	vst v63  }
0x115: {  	_ =	swait.ge [sflag:s0], $0x10  }
0x116: {  	[sflag:s0] =	ssyncset.done $0x0  }
0x117: {  	[sflag:s0] =	ssyncadd.s32 $0xFFFFFFF0  }
0x118: {  	_ =	swait.ge [sflag:s0], $0x8000  }
0x119: {  	[sflag:s0] =	ssyncset.done $0x0  }
0x11a: {  	[sflag:s0] =	ssyncadd.s32 $0xFFFF8000  }
0x11b: {  	v3 =	vld [tilespmem:$0x80];
	_ =	sdelay $0x4  }
0x11c: {  	v61 =	vshll.u32 v3, $0x4  }
0x11d: {  	v3 =	vand.u32 $0x7, v3;
	v4 =	vand.u32 $0xFFFFFF80, v61  }
0x11e: {  	v3 =	vor.u32 v3, v4  }
0x11f: {  	v4 =	vperm.xlane v3, v0;
	_ =	sdelay $0x1  }
0x120: {  	v4 =	vadd.s32 v1, v4;
	_ =	sdelay $0x4  }
0x121: {  	[hbm4b:s3+s2] =	stream.indirect_vreg.scatter [tilespmem:s12], [sflag:$0x4], $0x80, v4, vm0, $0xb8;
	[tilespmem:$0x10100] =	vst v63  }
0x122: {  	s15 =	simm.s32 $0x8900  }
0x123: {  	[hbm4b:s4+s2] =	stream.indirect_vreg.scatter [tilespmem:s15], [sflag:$0x4], $0x80, v4, vm0, $0xb8;
	[tilespmem:$0x10100] =	vst v63  }
0x124: {  	s14 =	simm.s32 $0x9100  }
0x125: {  	[hbm4b:s5+s2] =	stream.indirect_vreg.scatter [tilespmem:s14], [sflag:$0x4], $0x80, v4, vm0, $0xb8;
	[tilespmem:$0x10100] =	vst v63  }
0x126: {  	s15 =	simm.s32 $0x9900  }
0x127: {  	[hbm4b:s6+s2] =	stream.indirect_vreg.scatter [tilespmem:s15], [sflag:$0x4], $0x80, v4, vm0, $0xb8;
	[tilespmem:$0x10100] =	vst v63  }
0x128: {  	s15 =	simm.s32 $0xA100  }
0x129: {  	[hbm4b:s7+s2] =	stream.indirect_vreg.scatter [tilespmem:s15], [sflag:$0x4], $0x80, v4, vm0, $0xb8;
	[tilespmem:$0x10100] =	vst v63  }
0x12a: {  	v3 =	vperm.xlane v3, v2;
	s14 =	simm.s32 $0xA900  }
0x12b: {  	[hbm4b:s8+s2] =	stream.indirect_vreg.scatter [tilespmem:s14], [sflag:$0x4], $0x80, v4, vm0, $0xb8;
	[tilespmem:$0x10100] =	vst v63  }
0x12c: {  	v3 =	vadd.s32 v1, v3;
	s14 =	simm.s32 $0xB100  }
0x12d: {  	[hbm4b:s9+s2] =	stream.indirect_vreg.scatter [tilespmem:s14], [sflag:$0x4], $0x80, v4, vm0, $0xb8;
	[tilespmem:$0x10100] =	vst v63  }
0x12e: {  	s14 =	simm.s32 $0xB900  }
0x12f: {  	[hbm4b:s10+s2] =	stream.indirect_vreg.scatter [tilespmem:s14], [sflag:$0x4], $0x80, v4, vm0, $0xb8;
	[tilespmem:$0x10100] =	vst v63  }
0x130: {  	s14 =	simm.s32 $0xC100  }
0x131: {  	[hbm4b:s3+s2] =	stream.indirect_vreg.scatter [tilespmem:s14], [sflag:$0x4], $0x80, v3, vm0, $0xb8;
	[tilespmem:$0x10100] =	vst v63  }
0x132: {  	s14 =	simm.s32 $0xC900  }
0x133: {  	[hbm4b:s4+s2] =	stream.indirect_vreg.scatter [tilespmem:s14], [sflag:$0x4], $0x80, v3, vm0, $0xb8;
	[tilespmem:$0x10100] =	vst v63  }
0x134: {  	s14 =	simm.s32 $0xD100  }
0x135: {  	[hbm4b:s5+s2] =	stream.indirect_vreg.scatter [tilespmem:s14], [sflag:$0x4], $0x80, v3, vm0, $0xb8;
	[tilespmem:$0x10100] =	vst v63  }
0x136: {  	s14 =	simm.s32 $0xD900  }
0x137: {  	[hbm4b:s6+s2] =	stream.indirect_vreg.scatter [tilespmem:s14], [sflag:$0x4], $0x80, v3, vm0, $0xb8;
	[tilespmem:$0x10100] =	vst v63  }
0x138: {  	s14 =	simm.s32 $0xE100  }
0x139: {  	[hbm4b:s7+s2] =	stream.indirect_vreg.scatter [tilespmem:s14], [sflag:$0x4], $0x80, v3, vm0, $0xb8;
	[tilespmem:$0x10100] =	vst v63  }
0x13a: {  	s14 =	simm.s32 $0xE900  }
0x13b: {  	[hbm4b:s8+s2] =	stream.indirect_vreg.scatter [tilespmem:s14], [sflag:$0x4], $0x80, v3, vm0, $0xb8;
	[tilespmem:$0x10100] =	vst v63  }
0x13c: {  	s14 =	simm.s32 $0xF100  }
0x13d: {  	[hbm4b:s9+s2] =	stream.indirect_vreg.scatter [tilespmem:s14], [sflag:$0x4], $0x80, v3, vm0, $0xb8;
	[tilespmem:$0x10100] =	vst v63  }
0x13e: {  	s14 =	simm.s32 $0xF900  }
0x13f: {  	[hbm4b:s10+s2] =	stream.indirect_vreg.scatter [tilespmem:s14], [sflag:$0x4], $0x80, v3, vm0, $0xb8;
	[tilespmem:$0x10100] =	vst v63  }
0x140: {  	_ =	swait.ge [sflag:s29], $0x8000  }
0x141: {  	[sflag:s29] =	ssyncset.done $0x0  }
0x142: {  	s1 =	rddreg [dreg:$0xf];
	[sflag:s29] =	ssyncadd.s32 $0xFFFF8000  }
0x143: {  	[tilespmem:s2], [sflag:$0x1] =	stream.linear.gather [hbm4b:s1+s2], $0x10, $0x38;
	[tilespmem:$0x10100] =	vst v63  }
0x144: {  	s14 =	rddreg [dreg:$0x10]  }
0x145: {  	[tilespmem:s31], [sflag:$0x1] =	stream.linear.gather [hbm4b:s14+s2], $0x8000, $0x38;
	[tilespmem:$0x10100] =	vst v63  }
0x146: {  	_ =	swait.ge [sflag:s13], $0x10  }
0x147: {  	[sflag:s13] =	ssyncset.done $0x0  }
0x148: {  	[sflag:s13] =	ssyncadd.s32 $0xFFFFFFF0  }
0x149: {  	_ =	swait.ge [sflag:s13], $0x8000  }
0x14a: {  	[sflag:s13] =	ssyncset.done $0x0  }
0x14b: {  	[sflag:s13] =	ssyncadd.s32 $0xFFFF8000  }
0x14c: {  	v3 =	vld [tilespmem:$0x0];
	_ =	sdelay $0x4  }
0x14d: {  	v62 =	vshll.u32 v3, $0x4  }
0x14e: {  	v3 =	vand.u32 $0x7, v3;
	v4 =	vand.u32 $0xFFFFFF80, v62  }
0x14f: {  	v3 =	vor.u32 v3, v4  }
0x150: {  	v4 =	vperm.xlane v3, v0;
	_ =	sdelay $0x1  }
0x151: {  	v4 =	vadd.s32 v1, v4;
	_ =	sdelay $0x4  }
0x152: {  	[hbm4b:s3+s2] =	stream.indirect_vreg.scatter [tilespmem:s31], [sflag:$0x3], $0x80, v4, vm0, $0xb8;
	[tilespmem:$0x10100] =	vst v63  }
0x153: {  	s14 =	simm.s32 $0x900  }
0x154: {  	[hbm4b:s4+s2] =	stream.indirect_vreg.scatter [tilespmem:s14], [sflag:$0x3], $0x80, v4, vm0, $0xb8;
	[tilespmem:$0x10100] =	vst v63  }
0x155: {  	s14 =	simm.s32 $0x1100  }
0x156: {  	[hbm4b:s5+s2] =	stream.indirect_vreg.scatter [tilespmem:s14], [sflag:$0x3], $0x80, v4, vm0, $0xb8;
	[tilespmem:$0x10100] =	vst v63  }
0x157: {  	s16 =	simm.s32 $0x1900  }
0x158: {  	[hbm4b:s6+s2] =	stream.indirect_vreg.scatter [tilespmem:s16], [sflag:$0x3], $0x80, v4, vm0, $0xb8;
	[tilespmem:$0x10100] =	vst v63  }
0x159: {  	s16 =	simm.s32 $0x2100  }
0x15a: {  	[hbm4b:s7+s2] =	stream.indirect_vreg.scatter [tilespmem:s16], [sflag:$0x3], $0x80, v4, vm0, $0xb8;
	[tilespmem:$0x10100] =	vst v63  }
0x15b: {  	s18 =	simm.s32 $0x2900;
	v3 =	vperm.xlane v3, v2  }
0x15c: {  	[hbm4b:s8+s2] =	stream.indirect_vreg.scatter [tilespmem:s18], [sflag:$0x3], $0x80, v4, vm0, $0xb8;
	[tilespmem:$0x10100] =	vst v63  }
0x15d: {  	s19 =	simm.s32 $0x3100;
	v3 =	vadd.s32 v1, v3  }
0x15e: {  	[hbm4b:s9+s2] =	stream.indirect_vreg.scatter [tilespmem:s19], [sflag:$0x3], $0x80, v4, vm0, $0xb8;
	[tilespmem:$0x10100] =	vst v63  }
0x15f: {  	s20 =	simm.s32 $0x3900  }
0x160: {  	[hbm4b:s10+s2] =	stream.indirect_vreg.scatter [tilespmem:s20], [sflag:$0x3], $0x80, v4, vm0, $0xb8;
	[tilespmem:$0x10100] =	vst v63  }
0x161: {  	s21 =	simm.s32 $0x4100  }
0x162: {  	[hbm4b:s3+s2] =	stream.indirect_vreg.scatter [tilespmem:s21], [sflag:$0x3], $0x80, v3, vm0, $0xb8;
	[tilespmem:$0x10100] =	vst v63  }
0x163: {  	s22 =	simm.s32 $0x4900  }
0x164: {  	[hbm4b:s4+s2] =	stream.indirect_vreg.scatter [tilespmem:s22], [sflag:$0x3], $0x80, v3, vm0, $0xb8;
	[tilespmem:$0x10100] =	vst v63  }
0x165: {  	s23 =	simm.s32 $0x5100  }
0x166: {  	[hbm4b:s5+s2] =	stream.indirect_vreg.scatter [tilespmem:s23], [sflag:$0x3], $0x80, v3, vm0, $0xb8;
	[tilespmem:$0x10100] =	vst v63  }
0x167: {  	s24 =	simm.s32 $0x5900  }
0x168: {  	[hbm4b:s6+s2] =	stream.indirect_vreg.scatter [tilespmem:s24], [sflag:$0x3], $0x80, v3, vm0, $0xb8;
	[tilespmem:$0x10100] =	vst v63  }
0x169: {  	s25 =	simm.s32 $0x6100  }
0x16a: {  	[hbm4b:s7+s2] =	stream.indirect_vreg.scatter [tilespmem:s25], [sflag:$0x3], $0x80, v3, vm0, $0xb8;
	[tilespmem:$0x10100] =	vst v63  }
0x16b: {  	s26 =	simm.s32 $0x6900  }
0x16c: {  	[hbm4b:s8+s2] =	stream.indirect_vreg.scatter [tilespmem:s26], [sflag:$0x3], $0x80, v3, vm0, $0xb8;
	[tilespmem:$0x10100] =	vst v63  }
0x16d: {  	s17 =	simm.s32 $0x7100  }
0x16e: {  	[hbm4b:s9+s2] =	stream.indirect_vreg.scatter [tilespmem:s17], [sflag:$0x3], $0x80, v3, vm0, $0xb8;
	[tilespmem:$0x10100] =	vst v63  }
0x16f: {  	s28 =	simm.s32 $0x7900  }
0x170: {  	[hbm4b:s10+s2] =	stream.indirect_vreg.scatter [tilespmem:s28], [sflag:$0x3], $0x80, v3, vm0, $0xb8;
	[tilespmem:$0x10100] =	vst v63  }
0x171: {  	_ =	swait.ge [sflag:s30], $0x8000  }
0x172: {  	[sflag:s30] =	ssyncset.done $0x0  }
0x173: {  	s28 =	simm.s32 $0x80;
	s25 =	rddreg [dreg:$0x11];
	[sflag:s30] =	ssyncadd.s32 $0xFFFF8000  }
0x174: {  	[tilespmem:s28], [sflag:$0x2] =	stream.linear.gather [hbm4b:s25+s2], $0x10, $0x38;
	[tilespmem:$0x10100] =	vst v63  }
0x175: {  	s26 =	rddreg [dreg:$0x12]  }
0x176: {  	[tilespmem:s12], [sflag:$0x2] =	stream.linear.gather [hbm4b:s26+s2], $0x8000, $0x38;
	[tilespmem:$0x10100] =	vst v63  }
0x177: {  	_ =	swait.ge [sflag:s0], $0x10  }
0x178: {  	[sflag:s0] =	ssyncset.done $0x0  }
0x179: {  	[sflag:s0] =	ssyncadd.s32 $0xFFFFFFF0  }
0x17a: {  	_ =	swait.ge [sflag:s0], $0x8000  }
0x17b: {  	[sflag:s0] =	ssyncset.done $0x0  }
0x17c: {  	[sflag:s0] =	ssyncadd.s32 $0xFFFF8000  }
0x17d: {  	v3 =	vld [tilespmem:$0x80];
	_ =	sdelay $0x4  }
0x17e: {  	v63 =	vshll.u32 v3, $0x4  }
0x17f: {  	v3 =	vand.u32 $0x7, v3;
	v4 =	vand.u32 $0xFFFFFF80, v63  }
0x180: {  	v3 =	vor.u32 v3, v4  }
0x181: {  	v4 =	vperm.xlane v3, v0;
	_ =	sdelay $0x1  }
0x182: {  	v4 =	vadd.s32 v1, v4;
	_ =	sdelay $0x4  }
0x183: {  	[hbm4b:s3+s2] =	stream.indirect_vreg.scatter [tilespmem:s12], [sflag:$0x4], $0x80, v4, vm0, $0xb8;
	[tilespmem:$0x10100] =	vst v63  }
0x184: {  	s12 =	simm.s32 $0x8900  }
0x185: {  	[hbm4b:s4+s2] =	stream.indirect_vreg.scatter [tilespmem:s12], [sflag:$0x4], $0x80, v4, vm0, $0xb8;
	[tilespmem:$0x10100] =	vst v63  }
0x186: {  	s14 =	simm.s32 $0x9100  }
0x187: {  	[hbm4b:s5+s2] =	stream.indirect_vreg.scatter [tilespmem:s14], [sflag:$0x4], $0x80, v4, vm0, $0xb8;
	[tilespmem:$0x10100] =	vst v63  }
0x188: {  	s16 =	simm.s32 $0x9900  }
0x189: {  	[hbm4b:s6+s2] =	stream.indirect_vreg.scatter [tilespmem:s16], [sflag:$0x4], $0x80, v4, vm0, $0xb8;
	[tilespmem:$0x10100] =	vst v63  }
0x18a: {  	_ = 	snop  }
0x18b: {  	[hbm4b:s7+s2] =	stream.indirect_vreg.scatter [tilespmem:s15], [sflag:$0x4], $0x80, v4, vm0, $0xb8;
	[tilespmem:$0x10100] =	vst v63  }
0x18c: {  	s17 =	simm.s32 $0xA900;
	v3 =	vperm.xlane v3, v2  }
0x18d: {  	[hbm4b:s8+s2] =	stream.indirect_vreg.scatter [tilespmem:s17], [sflag:$0x4], $0x80, v4, vm0, $0xb8;
	[tilespmem:$0x10100] =	vst v63  }
0x18e: {  	s18 =	simm.s32 $0xB100;
	v3 =	vadd.s32 v1, v3  }
0x18f: {  	[hbm4b:s9+s2] =	stream.indirect_vreg.scatter [tilespmem:s18], [sflag:$0x4], $0x80, v4, vm0, $0xb8;
	[tilespmem:$0x10100] =	vst v63  }
0x190: {  	s19 =	simm.s32 $0xB900  }
0x191: {  	[hbm4b:s10+s2] =	stream.indirect_vreg.scatter [tilespmem:s19], [sflag:$0x4], $0x80, v4, vm0, $0xb8;
	[tilespmem:$0x10100] =	vst v63  }
0x192: {  	s20 =	simm.s32 $0xC100  }
0x193: {  	[hbm4b:s3+s2] =	stream.indirect_vreg.scatter [tilespmem:s20], [sflag:$0x4], $0x80, v3, vm0, $0xb8;
	[tilespmem:$0x10100] =	vst v63  }
0x194: {  	s21 =	simm.s32 $0xC900  }
0x195: {  	[hbm4b:s4+s2] =	stream.indirect_vreg.scatter [tilespmem:s21], [sflag:$0x4], $0x80, v3, vm0, $0xb8;
	[tilespmem:$0x10100] =	vst v63  }
0x196: {  	s22 =	simm.s32 $0xD100  }
0x197: {  	[hbm4b:s5+s2] =	stream.indirect_vreg.scatter [tilespmem:s22], [sflag:$0x4], $0x80, v3, vm0, $0xb8;
	[tilespmem:$0x10100] =	vst v63  }
0x198: {  	s23 =	simm.s32 $0xD900  }
0x199: {  	[hbm4b:s6+s2] =	stream.indirect_vreg.scatter [tilespmem:s23], [sflag:$0x4], $0x80, v3, vm0, $0xb8;
	[tilespmem:$0x10100] =	vst v63  }
0x19a: {  	s24 =	simm.s32 $0xE100  }
0x19b: {  	[hbm4b:s7+s2] =	stream.indirect_vreg.scatter [tilespmem:s24], [sflag:$0x4], $0x80, v3, vm0, $0xb8;
	[tilespmem:$0x10100] =	vst v63  }
0x19c: {  	s25 =	simm.s32 $0xE900  }
0x19d: {  	[hbm4b:s8+s2] =	stream.indirect_vreg.scatter [tilespmem:s25], [sflag:$0x4], $0x80, v3, vm0, $0xb8;
	[tilespmem:$0x10100] =	vst v63  }
0x19e: {  	s26 =	simm.s32 $0xF100  }
0x19f: {  	[hbm4b:s9+s2] =	stream.indirect_vreg.scatter [tilespmem:s26], [sflag:$0x4], $0x80, v3, vm0, $0xb8;
	[tilespmem:$0x10100] =	vst v63  }
0x1a0: {  	s28 =	simm.s32 $0xF900  }
0x1a1: {  	[hbm4b:s10+s2] =	stream.indirect_vreg.scatter [tilespmem:s28], [sflag:$0x4], $0x80, v3, vm0, $0xb8;
	[tilespmem:$0x10100] =	vst v63  }
0x1a2: {  	p0 =	sne.s32 s11, $0x1;
	_ =	swait.ge [sflag:s29], $0x8000  }
.Ltmp0:
0x1a3: {  	[sflag:s29] =	ssyncset.done $0x0;
	(pc) =	sbr.rel @p0 .LBB2_1-.Ltmp0, $4  }
0x1a4: {  	[sflag:s29] =	ssyncadd.s32 $0xFFFF8000  }
0x1a5: {  	_ =	swait.ge [sflag:s30], $0x8000  }
0x1a6: {  	[sflag:s30] =	ssyncset.done $0x0  }
0x1a7: {  	s11 =	sadd.s32 $0xFFFFFFFF, s11;
	[sflag:s30] =	ssyncadd.s32 $0xFFFF8000  }
0x1a8: {  	_ =	sfence.sel $0x180000  }
0x1a9: {  	[bflag:$0x0] =	sbarrier.arrive $0xFFFF  }
0x1aa: {  	_ =	strace $0x90000047  }
0x1ab: {  	s0 =	stileid.u32;
	[bflag:$0x2] =	sbarrier.arrive $0xFFFF  }
0x1ac: {  	p0 =	sne.s32 s0, $0x0;
	s0 =	rddreg [dreg:$0x2]  }
0x1ad: {  	s0 =	sadd.s32 @!p0 $0x100000, s0  }
0x1ae: {  	[sflag:s0] =	ssyncadd.tile.s32 @!p0 $0x1;
	_ =	shalt  }
.Lfunc_end2:
_tile_overlayer_lowered:
.L_overlay_start_2:
0x1af: {  	(tag) =	ssettag $0x2  }
0x1b0: {  	s0 =	rddreg [dreg:$0x0];
	s2 =	stileid.u32  }
0x1b1: {  	s1 =	rddreg [dreg:$0x1];
	p0 =	sne.s32 s2, $0x0  }
0x1b2: {  	s3 =	rddreg [dreg:$0x2];
	[bflag:$0x3] =	sbarrier.arrive $0xFFFF;
	s2 =	simm.s32 @!p0 $0x1C05  }
0x1b3: {  	[timem:s3], [sflag:s2] =	dma.local @!p0 [hbm:s0], s1  }
0x1b4: {  	s0 =	simm.s32 @!p0 $0x5  }
0x1b5: {  	_ =	swait.ge @!p0 [sflag:s0], s1  }
0x1b6: {  	s1 =	ssub.s32 @!p0 $0x0, s1;
	[sflag:s0] =	ssyncset.done @!p0 $0x0  }
0x1b7: {  	[sflag:s0] =	ssyncadd.s32 @!p0 s1  }
0x1b8: {  	[bflag:$0x3] =	sbarrier.arrive $0xFFFF  }
0x1b9: {  	_ =	shalt  }

</sc_bundles>
